<compile_context>
chip_gen: v7x
topology: tpu7x:2x2x1
jax: 0.10.2.dev20260603
libtpu: 0.0.44.dev20260713+nightly
codegen_flags: <defaults>
</compile_context>

<pallas_src>
import functools

import jax
import jax.numpy as jnp
import numpy as np
from jax import lax
from jax.experimental import pallas as pl
from jax.experimental.pallas import tpu as pltpu
from jax.experimental.pallas import tpu_sc as plsc

B = 16384
D = 64
NV = 100000
NC, NS = 2, 16
NW = NC * NS
BPW = B // NW
RBLK = 16384
H = RBLK // 2
NB = (NV + RBLK - 1) // RBLK
NP = NB * RBLK
NROWS = NP // 2
NQ = 4 * NROWS

_HI = np.uint32(0xFFFF0000)


def _pack_words(x):
    xb = x.astype(jnp.bfloat16).astype(jnp.float32)
    bits = lax.bitcast_convert_type(xb, jnp.uint32)
    lo = lax.shift_right_logical(bits[0:32, :], jnp.uint32(16))
    hi = lax.bitwise_and(bits[32:64, :], _HI)
    return lax.bitwise_or(hi, lo)


def _repack_body(ut_ref, it_ref, o_ref):
    pu = _pack_words(ut_ref[...])
    pi = _pack_words(it_ref[...])
    x = jnp.concatenate(
        [pu[:, 0:H], pi[:, 0:H], pu[:, H:], pi[:, H:]], axis=0)
    o_ref[...] = jnp.transpose(lax.bitcast_convert_type(x, jnp.float32), (1, 0))


def _repack(ut_t, it_t):
    return pl.pallas_call(
        _repack_body,
        grid=(NB,),
        in_specs=[
            pl.BlockSpec((D, RBLK), lambda j: (0, j)),
            pl.BlockSpec((D, RBLK), lambda j: (0, j)),
        ],
        out_specs=pl.BlockSpec((H, 128), lambda j: (j, 0)),
        out_shape=jax.ShapeDtypeStruct((NROWS, 128), jnp.float32),
    )(ut_t, it_t)


_JSH = RBLK.bit_length() - 1


def _remap(e, off):
    q = (lax.shift_left(lax.shift_right_logical(e, _JSH), _JSH + 1)
         + lax.shift_left(lax.bitwise_and(e, H - 1), 2)
         + lax.shift_left(lax.bitwise_and(lax.shift_right_logical(e, _JSH - 1), 1), 1))
    return q + off


@functools.lru_cache(maxsize=None)
def _gather_kernel():
    mesh = plsc.VectorSubcoreMesh(core_axis_name="c", subcore_axis_name="s")

    @functools.partial(
        pl.kernel,
        out_type=(
            jax.ShapeDtypeStruct((B // 4, 128), jnp.float32),
            jax.ShapeDtypeStruct((B // 4, 128), jnp.float32),
        ),
        mesh=mesh,
        scratch_types=[
            pltpu.VMEM((BPW,), jnp.int32),
            pltpu.VMEM((BPW,), jnp.int32),
            pltpu.VMEM((BPW, 32), jnp.float32),
            pltpu.VMEM((BPW, 32), jnp.float32),
            pltpu.SemaphoreType.DMA,
            pltpu.SemaphoreType.DMA,
        ],
        compiler_params=pltpu.CompilerParams(use_tc_tiling_on_sc=False),
    )
    def gather(user_hbm, item_hbm, tab_hbm, uout_hbm, iout_hbm,
               uidx_v, iidx_v, urows_v, irows_v, usem, isem):
        wid = lax.axis_index("s") * NC + lax.axis_index("c")
        base = wid * BPW
        kgrp = wid // (B // 4 // BPW)
        vbase = (wid % (B // 4 // BPW)) * BPW
        pltpu.sync_copy(user_hbm.at[pl.ds(base, BPW)], uidx_v)
        pltpu.sync_copy(item_hbm.at[pl.ds(base, BPW)], iidx_v)
        for t in range(BPW // 16):
            sl = pl.ds(16 * t, 16)
            uidx_v[sl] = _remap(uidx_v[sl], 0)
            iidx_v[sl] = _remap(iidx_v[sl], 1)
        cu = pltpu.async_copy(tab_hbm.at[uidx_v], urows_v, usem)
        ci = pltpu.async_copy(tab_hbm.at[iidx_v], irows_v, isem)
        cu.wait()
        ci.wait()
        pltpu.sync_copy(urows_v,
                        uout_hbm.at[pl.ds(vbase, BPW), pl.ds(32 * kgrp, 32)])
        pltpu.sync_copy(irows_v,
                        iout_hbm.at[pl.ds(vbase, BPW), pl.ds(32 * kgrp, 32)])

    return gather


def _unpack_full(p):
    bits = lax.bitcast_convert_type(p, jnp.uint32)
    lo = lax.bitcast_convert_type(lax.shift_left(bits, jnp.uint32(16)),
                                  jnp.float32)
    hi = lax.bitcast_convert_type(lax.bitwise_and(bits, _HI), jnp.float32)
    return lo.astype(jnp.bfloat16), hi.astype(jnp.bfloat16)


def _mlp_body(u_ref, i_ref, wul_ref, wuh_ref, wil_ref, wih_ref, b1_ref,
              w2_ref, b2_ref, w3_ref, b3_ref, o_ref):
    ulo, uhi = _unpack_full(u_ref[...])
    ilo, ihi = _unpack_full(i_ref[...])
    h = (jnp.dot(ulo, wul_ref[...], preferred_element_type=jnp.float32)
         + jnp.dot(uhi, wuh_ref[...], preferred_element_type=jnp.float32)
         + jnp.dot(ilo, wil_ref[...], preferred_element_type=jnp.float32)
         + jnp.dot(ihi, wih_ref[...], preferred_element_type=jnp.float32)
         + b1_ref[...])
    h = jnp.maximum(h, 0.0).astype(jnp.bfloat16)
    h = (jnp.dot(h, w2_ref[...], preferred_element_type=jnp.float32)
         + b2_ref[...])
    h = jnp.maximum(h, 0.0).astype(jnp.bfloat16)
    y = jnp.dot(h, w3_ref[...], preferred_element_type=jnp.float32) + b3_ref[...]
    o_ref[...] = jnp.transpose(jax.nn.sigmoid(y), (1, 0))


def _mlp(ug4, ig4, W1, b1, W2, b2, W3, b3, block_b=4096):
    w1t = W1.T.astype(jnp.bfloat16)
    eye4 = jnp.eye(4, dtype=jnp.bfloat16)
    wul = jnp.kron(eye4, w1t[0:32])
    wuh = jnp.kron(eye4, w1t[32:64])
    wil = jnp.kron(eye4, w1t[64:96])
    wih = jnp.kron(eye4, w1t[96:128])
    w2d = jnp.kron(eye4, W2.T.astype(jnp.bfloat16))
    w3d = jnp.kron(eye4, W3.T.astype(jnp.bfloat16))
    b1c = jnp.tile(b1, 4).reshape(1, 256)
    b2c = jnp.tile(b2, 4).reshape(1, 128)
    b3c = jnp.broadcast_to(b3.reshape(1, 1), (1, 4))
    full = lambda shape: pl.BlockSpec(shape, lambda b: (0, 0))
    return pl.pallas_call(
        _mlp_body,
        grid=(B // 4 // block_b,),
        in_specs=[
            pl.BlockSpec((block_b, 128), lambda b: (b, 0)),
            pl.BlockSpec((block_b, 128), lambda b: (b, 0)),
            full((128, 256)),
            full((128, 256)),
            full((128, 256)),
            full((128, 256)),
            full((1, 256)),
            full((256, 128)),
            full((1, 128)),
            full((128, 4)),
            full((1, 4)),
        ],
        out_specs=pl.BlockSpec((4, block_b), lambda b: (0, b)),
        out_shape=jax.ShapeDtypeStruct((4, B // 4), jnp.float32),
    )(ug4, ig4, wul, wuh, wil, wih, b1c, w2d, b2c, w3d, b3c)


def kernel(user, item, user_table, item_table, W1, b1, W2, b2, W3, b3):
    tab = _repack(user_table.T, item_table.T)
    tabq = tab.reshape(NQ, 32)
    ug, ig = _gather_kernel()(user.astype(jnp.int32), item.astype(jnp.int32),
                              tabq)
    y4t = _mlp(ug, ig, W1, b1, W2, b2, W3, b3)
    return y4t.reshape(B, 1)

# --- scband reference (transcript-rebuilt; emitter-appended) ---
"""Pipeline reference for scband-ncf-24180665876552 (READ-ONLY COPY).

The authoritative reference and input builder live on the scoring server;
editing this copy changes nothing except your own understanding.
"""

import jax, jax.numpy as jnp
import numpy as np

N_USERS = 100000
N_ITEMS = 100000
N_FACTORS = 64
BATCH = 16384


def setup_inputs(seed: int = 0) -> dict:
    key = jax.random.key(seed)
    ks = jax.random.split(key, 12)
    user = jax.random.randint(ks[0], (BATCH,), 0, N_USERS, dtype=jnp.int64 if jax.config.jax_enable_x64 else jnp.int32)
    item = jax.random.randint(ks[1], (BATCH,), 0, N_ITEMS, dtype=jnp.int64 if jax.config.jax_enable_x64 else jnp.int32)
    user_table = jax.random.normal(ks[2], (N_USERS, N_FACTORS), dtype=jnp.float32) * 0.05
    item_table = jax.random.normal(ks[3], (N_ITEMS, N_FACTORS), dtype=jnp.float32) * 0.05
    # torch.nn.Linear weights: [out_features, in_features]
    W1 = jax.random.normal(ks[4], (64, N_FACTORS * 2), dtype=jnp.float32) * (1.0 / np.sqrt(N_FACTORS * 2))
    b1 = jnp.zeros((64,), dtype=jnp.float32)
    W2 = jax.random.normal(ks[5], (32, 64), dtype=jnp.float32) * (1.0 / np.sqrt(64))
    b2 = jnp.zeros((32,), dtype=jnp.float32)
    W3 = jax.random.normal(ks[6], (1, 32), dtype=jnp.float32) * (1.0 / np.sqrt(32))
    b3 = jnp.zeros((1,), dtype=jnp.float32)
    return {"user": user, "item": item, "user_table": user_table, "item_table": item_table,
            "W1": W1, "b1": b1, "W2": W2, "b2": b2, "W3": W3, "b3": b3}


def reference(user, item, user_table, item_table, W1, b1, W2, b2, W3, b3):
    # embedding lookups (gather)
    user_emb = jnp.take(user_table, user, axis=0)
    item_emb = jnp.take(item_table, item, axis=0)
    z = jnp.concatenate([user_emb, item_emb], axis=-1)
    # MLP predictor (dropout is identity at inference)
    h = jax.nn.relu(z @ W1.T + b1)
    h = jax.nn.relu(h @ W2.T + b2)
    y = jax.nn.sigmoid(h @ W3.T + b3)
    return y

if __name__ == "__main__":
    import jax
    _d = setup_inputs()
    print(jax.jit(kernel)(*tuple(_d.values())))

</pallas_src>

<mosaic_0001>
#map = affine_map<(d0, d1) -> (0)>
#map1 = affine_map<(d0, d1) -> (0, 0)>
module attributes {stable_mosaic.version = 14 : i64} {
  func.func @gather(%arg0: i32, %arg1: i32, %arg2: memref<16384xi32, #tpu.memory_space<hbm>>, %arg3: memref<16384xi32, #tpu.memory_space<hbm>>, %arg4: memref<229376x32xf32, #tpu.memory_space<hbm>>, %arg5: memref<4096x128xf32, #tpu.memory_space<hbm>>, %arg6: memref<4096x128xf32, #tpu.memory_space<hbm>>, %arg7: memref<512xi32, #tpu.memory_space<vmem>>, %arg8: memref<512xi32, #tpu.memory_space<vmem>>, %arg9: memref<512x32xf32, #tpu.memory_space<vmem>>, %arg10: memref<512x32xf32, #tpu.memory_space<vmem>>, %arg11: memref<!tpu.dma_semaphore, #tpu.memory_space<semaphore_mem>>, %arg12: memref<!tpu.dma_semaphore, #tpu.memory_space<semaphore_mem>>) attributes {dimension_semantics = [#tpu.dimension_semantics<core_parallel>, #tpu.dimension_semantics<subcore_parallel>], iteration_bounds = array<i64: 2, 16>, scalar_prefetch = 0 : i64, scratch_operands = 6 : i64, tpu.core_type = #tpu.core_type<sc_vector_subcore>, window_params = [{transform_indices = #map}, {transform_indices = #map}, {transform_indices = #map1}, {transform_indices = #map1}, {transform_indices = #map1}]} {
    %mul3A = arith.constant 2 : i32
    %mul3A_0 = arith.muli %arg1, %mul3A : i32
    %add3A = arith.addi %mul3A_0, %arg0 : i32
    %mul3A_1 = arith.constant 512 : i32
    %mul3A_2 = arith.muli %add3A, %mul3A_1 : i32
    %jit3A = arith.constant 8 : i32
    %div3A = arith.divsi %add3A, %jit3A : i32
    %sign3A = arith.constant 0 : i32
    %sign3A_3 = arith.cmpi sgt, %add3A, %sign3A : i32
    %sign3A_4 = arith.extui %sign3A_3 : i1 to i32
    %sign3A_5 = arith.constant 0 : i32
    %sign3A_6 = arith.cmpi slt, %add3A, %sign3A_5 : i32
    %sign3A_7 = arith.extui %sign3A_6 : i1 to i32
    %sign3A_8 = arith.subi %sign3A_4, %sign3A_7 : i32
    %sign3A_9 = arith.constant 0 : i32
    %sign3A_10 = arith.cmpi sgt, %jit3A, %sign3A_9 : i32
    %sign3A_11 = arith.extui %sign3A_10 : i1 to i32
    %sign3A_12 = arith.constant 0 : i32
    %sign3A_13 = arith.cmpi slt, %jit3A, %sign3A_12 : i32
    %sign3A_14 = arith.extui %sign3A_13 : i1 to i32
    %sign3A_15 = arith.subi %sign3A_11, %sign3A_14 : i32
    %ne3A = arith.cmpi ne, %sign3A_8, %sign3A_15 : i32
    %rem3A = arith.remsi %add3A, %jit3A : i32
    %ne3A_16 = arith.constant 0 : i32
    %ne3A_17 = arith.cmpi ne, %rem3A, %ne3A_16 : i32
    %and3A = arith.andi %ne3A, %ne3A_17 : i1
    %sub3A = arith.constant 1 : i32
    %sub3A_18 = arith.subi %div3A, %sub3A : i32
    %select_n3A = arith.select %and3A, %sub3A_18, %div3A : i32
    %jit3A_19 = arith.constant 8 : i32
    %eq3A = arith.constant 0 : i32
    %eq3A_20 = arith.cmpi eq, %jit3A_19, %eq3A : i32
    %jit3A_21 = arith.constant 1 : i32
    %select_n3A_22 = arith.select %eq3A_20, %jit3A_21, %jit3A_19 : i32
    %rem3A_23 = arith.remsi %add3A, %select_n3A_22 : i32
    %ne3A_24 = arith.constant 0 : i32
    %ne3A_25 = arith.cmpi ne, %rem3A_23, %ne3A_24 : i32
    %lt3A = arith.constant 0 : i32
    %lt3A_26 = arith.cmpi slt, %rem3A_23, %lt3A : i32
    %lt3A_27 = arith.constant 0 : i32
    %lt3A_28 = arith.cmpi slt, %select_n3A_22, %lt3A_27 : i32
    %ne3A_29 = arith.xori %lt3A_26, %lt3A_28 : i1
    %and3A_30 = arith.andi %ne3A_29, %ne3A_25 : i1
    %add3A_31 = arith.addi %rem3A_23, %select_n3A_22 : i32
    %select_n3A_32 = arith.select %and3A_30, %add3A_31, %rem3A_23 : i32
    %mul3A_33 = arith.constant 512 : i32
    %mul3A_34 = arith.muli %select_n3A_32, %mul3A_33 : i32
    "tpu.region"() ({
      %run_scoped3A = tpu.sem_alloc : memref<!tpu.dma_semaphore, #tpu.memory_space<semaphore_mem>>
      %dma_start3A_2157 = tpu.memref_slice %arg2[%mul3A_2] : memref<16384xi32, #tpu.memory_space<hbm>> -> memref<512xi32, #tpu.memory_space<hbm>>
      %dma_start3A_2158 = tpu.memref_slice %arg2[%mul3A_2] : memref<16384xi32, #tpu.memory_space<hbm>> -> memref<512xi32, #tpu.memory_space<hbm>>
      tpu.enqueue_dma source(%dma_start3A_2158 : memref<512xi32, #tpu.memory_space<hbm>>) target(%arg7 : memref<512xi32, #tpu.memory_space<vmem>>) target_semaphore(%run_scoped3A : memref<!tpu.dma_semaphore, #tpu.memory_space<semaphore_mem>>)
      %dma_wait3A_2159 = tpu.memref_slice %arg2[%mul3A_2] : memref<16384xi32, #tpu.memory_space<hbm>> -> memref<512xi32, #tpu.memory_space<hbm>>
      %dma_wait3A_2160 = tpu.memref_slice %arg2[%mul3A_2] : memref<16384xi32, #tpu.memory_space<hbm>> -> memref<512xi32, #tpu.memory_space<hbm>>
      tpu.wait_dma2 semaphore(%run_scoped3A : memref<!tpu.dma_semaphore, #tpu.memory_space<semaphore_mem>>) src(%dma_wait3A_2160 : memref<512xi32, #tpu.memory_space<hbm>>) dst(%arg7 : memref<512xi32, #tpu.memory_space<vmem>>)
      tpu.yield
    }) : () -> ()
    "tpu.region"() ({
      %run_scoped3A = tpu.sem_alloc : memref<!tpu.dma_semaphore, #tpu.memory_space<semaphore_mem>>
      %dma_start3A_2157 = tpu.memref_slice %arg3[%mul3A_2] : memref<16384xi32, #tpu.memory_space<hbm>> -> memref<512xi32, #tpu.memory_space<hbm>>
      %dma_start3A_2158 = tpu.memref_slice %arg3[%mul3A_2] : memref<16384xi32, #tpu.memory_space<hbm>> -> memref<512xi32, #tpu.memory_space<hbm>>
      tpu.enqueue_dma source(%dma_start3A_2158 : memref<512xi32, #tpu.memory_space<hbm>>) target(%arg8 : memref<512xi32, #tpu.memory_space<vmem>>) target_semaphore(%run_scoped3A : memref<!tpu.dma_semaphore, #tpu.memory_space<semaphore_mem>>)
      %dma_wait3A_2159 = tpu.memref_slice %arg3[%mul3A_2] : memref<16384xi32, #tpu.memory_space<hbm>> -> memref<512xi32, #tpu.memory_space<hbm>>
      %dma_wait3A_2160 = tpu.memref_slice %arg3[%mul3A_2] : memref<16384xi32, #tpu.memory_space<hbm>> -> memref<512xi32, #tpu.memory_space<hbm>>
      tpu.wait_dma2 semaphore(%run_scoped3A : memref<!tpu.dma_semaphore, #tpu.memory_space<semaphore_mem>>) src(%dma_wait3A_2160 : memref<512xi32, #tpu.memory_space<hbm>>) dst(%arg8 : memref<512xi32, #tpu.memory_space<vmem>>)
      tpu.yield
    }) : () -> ()
    %get3A = arith.constant 0 : index
    %get3A_35 = tpu.vector_load %arg7[%get3A] {strides = array<i32>} : memref<512xi32, #tpu.memory_space<vmem>>, vector<16xi32>,
    %get3A_36 = vector.shape_cast %get3A_35 : vector<16xi32> to vector<16xi32>
    %shift_right_logical3A = arith.constant 14 : i32
    %shift_right_logical3A_37 = vector.broadcast %shift_right_logical3A : i32 to vector<16xi32>
    %shift_right_logical3A_38 = arith.shrui %get3A_36, %shift_right_logical3A_37 : vector<16xi32>
    %shift_left3A = arith.constant 15 : i32
    %shift_left3A_39 = vector.broadcast %shift_left3A : i32 to vector<16xi32>
    %shift_left3A_40 = arith.shli %shift_right_logical3A_38, %shift_left3A_39 : vector<16xi32>
    %and3A_41 = arith.constant 8191 : i32
    %and3A_42 = vector.broadcast %and3A_41 : i32 to vector<16xi32>
    %and3A_43 = arith.andi %get3A_36, %and3A_42 : vector<16xi32>
    %shift_left3A_44 = arith.constant 2 : i32
    %shift_left3A_45 = vector.broadcast %shift_left3A_44 : i32 to vector<16xi32>
    %shift_left3A_46 = arith.shli %and3A_43, %shift_left3A_45 : vector<16xi32>
    %add3A_47 = arith.addi %shift_left3A_40, %shift_left3A_46 : vector<16xi32>
    %shift_right_logical3A_48 = arith.constant 13 : i32
    %shift_right_logical3A_49 = vector.broadcast %shift_right_logical3A_48 : i32 to vector<16xi32>
    %shift_right_logical3A_50 = arith.shrui %get3A_36, %shift_right_logical3A_49 : vector<16xi32>
    %and3A_51 = arith.constant 1 : i32
    %and3A_52 = vector.broadcast %and3A_51 : i32 to vector<16xi32>
    %and3A_53 = arith.andi %shift_right_logical3A_50, %and3A_52 : vector<16xi32>
    %shift_left3A_54 = arith.constant 1 : i32
    %shift_left3A_55 = vector.broadcast %shift_left3A_54 : i32 to vector<16xi32>
    %shift_left3A_56 = arith.shli %and3A_53, %shift_left3A_55 : vector<16xi32>
    %add3A_57 = arith.addi %add3A_47, %shift_left3A_56 : vector<16xi32>
    %add3A_58 = arith.constant 0 : i32
    %add3A_59 = vector.broadcast %add3A_58 : i32 to vector<16xi32>
    %add3A_60 = arith.addi %add3A_57, %add3A_59 : vector<16xi32>
    %swap3A = arith.constant 0 : index
    %swap3A_61 = tpu.vector_load %arg7[%swap3A] {strides = array<i32>} : memref<512xi32, #tpu.memory_space<vmem>>, vector<16xi32>,
    %swap3A_62 = vector.shape_cast %swap3A_61 : vector<16xi32> to vector<16xi32>
    %swap3A_63 = vector.shape_cast %add3A_60 : vector<16xi32> to vector<16xi32>
    tpu.vector_store %arg7[%swap3A], %swap3A_63 {strides = array<i32>} : memref<512xi32, #tpu.memory_space<vmem>>, vector<16xi32>,
    %get3A_64 = arith.constant 0 : index
    %get3A_65 = tpu.vector_load %arg8[%get3A_64] {strides = array<i32>} : memref<512xi32, #tpu.memory_space<vmem>>, vector<16xi32>,
    %get3A_66 = vector.shape_cast %get3A_65 : vector<16xi32> to vector<16xi32>
    %shift_right_logical3A_67 = arith.constant 14 : i32
    %shift_right_logical3A_68 = vector.broadcast %shift_right_logical3A_67 : i32 to vector<16xi32>
    %shift_right_logical3A_69 = arith.shrui %get3A_66, %shift_right_logical3A_68 : vector<16xi32>
    %shift_left3A_70 = arith.constant 15 : i32
    %shift_left3A_71 = vector.broadcast %shift_left3A_70 : i32 to vector<16xi32>
    %shift_left3A_72 = arith.shli %shift_right_logical3A_69, %shift_left3A_71 : vector<16xi32>
    %and3A_73 = arith.constant 8191 : i32
    %and3A_74 = vector.broadcast %and3A_73 : i32 to vector<16xi32>
    %and3A_75 = arith.andi %get3A_66, %and3A_74 : vector<16xi32>
    %shift_left3A_76 = arith.constant 2 : i32
    %shift_left3A_77 = vector.broadcast %shift_left3A_76 : i32 to vector<16xi32>
    %shift_left3A_78 = arith.shli %and3A_75, %shift_left3A_77 : vector<16xi32>
    %add3A_79 = arith.addi %shift_left3A_72, %shift_left3A_78 : vector<16xi32>
    %shift_right_logical3A_80 = arith.constant 13 : i32
    %shift_right_logical3A_81 = vector.broadcast %shift_right_logical3A_80 : i32 to vector<16xi32>
    %shift_right_logical3A_82 = arith.shrui %get3A_66, %shift_right_logical3A_81 : vector<16xi32>
    %and3A_83 = arith.constant 1 : i32
    %and3A_84 = vector.broadcast %and3A_83 : i32 to vector<16xi32>
    %and3A_85 = arith.andi %shift_right_logical3A_82, %and3A_84 : vector<16xi32>
    %shift_left3A_86 = arith.constant 1 : i32
    %shift_left3A_87 = vector.broadcast %shift_left3A_86 : i32 to vector<16xi32>
    %shift_left3A_88 = arith.shli %and3A_85, %shift_left3A_87 : vector<16xi32>
    %add3A_89 = arith.addi %add3A_79, %shift_left3A_88 : vector<16xi32>
    %add3A_90 = arith.constant 1 : i32
    %add3A_91 = vector.broadcast %add3A_90 : i32 to vector<16xi32>
    %add3A_92 = arith.addi %add3A_89, %add3A_91 : vector<16xi32>
    %swap3A_93 = arith.constant 0 : index
    %swap3A_94 = tpu.vector_load %arg8[%swap3A_93] {strides = array<i32>} : memref<512xi32, #tpu.memory_space<vmem>>, vector<16xi32>,
    %swap3A_95 = vector.shape_cast %swap3A_94 : vector<16xi32> to vector<16xi32>
    %swap3A_96 = vector.shape_cast %add3A_92 : vector<16xi32> to vector<16xi32>
    tpu.vector_store %arg8[%swap3A_93], %swap3A_96 {strides = array<i32>} : memref<512xi32, #tpu.memory_space<vmem>>, vector<16xi32>,
    %get3A_97 = arith.constant 16 : index
    %get3A_98 = tpu.vector_load %arg7[%get3A_97] {strides = array<i32>} : memref<512xi32, #tpu.memory_space<vmem>>, vector<16xi32>,
    %get3A_99 = vector.shape_cast %get3A_98 : vector<16xi32> to vector<16xi32>
    %shift_right_logical3A_100 = arith.constant 14 : i32
    %shift_right_logical3A_101 = vector.broadcast %shift_right_logical3A_100 : i32 to vector<16xi32>
    %shift_right_logical3A_102 = arith.shrui %get3A_99, %shift_right_logical3A_101 : vector<16xi32>
    %shift_left3A_103 = arith.constant 15 : i32
    %shift_left3A_104 = vector.broadcast %shift_left3A_103 : i32 to vector<16xi32>
    %shift_left3A_105 = arith.shli %shift_right_logical3A_102, %shift_left3A_104 : vector<16xi32>
    %and3A_106 = arith.constant 8191 : i32
    %and3A_107 = vector.broadcast %and3A_106 : i32 to vector<16xi32>
    %and3A_108 = arith.andi %get3A_99, %and3A_107 : vector<16xi32>
    %shift_left3A_109 = arith.constant 2 : i32
    %shift_left3A_110 = vector.broadcast %shift_left3A_109 : i32 to vector<16xi32>
    %shift_left3A_111 = arith.shli %and3A_108, %shift_left3A_110 : vector<16xi32>
    %add3A_112 = arith.addi %shift_left3A_105, %shift_left3A_111 : vector<16xi32>
    %shift_right_logical3A_113 = arith.constant 13 : i32
    %shift_right_logical3A_114 = vector.broadcast %shift_right_logical3A_113 : i32 to vector<16xi32>
    %shift_right_logical3A_115 = arith.shrui %get3A_99, %shift_right_logical3A_114 : vector<16xi32>
    %and3A_116 = arith.constant 1 : i32
    %and3A_117 = vector.broadcast %and3A_116 : i32 to vector<16xi32>
    %and3A_118 = arith.andi %shift_right_logical3A_115, %and3A_117 : vector<16xi32>
    %shift_left3A_119 = arith.constant 1 : i32
    %shift_left3A_120 = vector.broadcast %shift_left3A_119 : i32 to vector<16xi32>
    %shift_left3A_121 = arith.shli %and3A_118, %shift_left3A_120 : vector<16xi32>
    %add3A_122 = arith.addi %add3A_112, %shift_left3A_121 : vector<16xi32>
    %add3A_123 = arith.constant 0 : i32
    %add3A_124 = vector.broadcast %add3A_123 : i32 to vector<16xi32>
    %add3A_125 = arith.addi %add3A_122, %add3A_124 : vector<16xi32>
    %swap3A_126 = arith.constant 16 : index
    %swap3A_127 = tpu.vector_load %arg7[%swap3A_126] {strides = array<i32>} : memref<512xi32, #tpu.memory_space<vmem>>, vector<16xi32>,
    %swap3A_128 = vector.shape_cast %swap3A_127 : vector<16xi32> to vector<16xi32>
    %swap3A_129 = vector.shape_cast %add3A_125 : vector<16xi32> to vector<16xi32>
    tpu.vector_store %arg7[%swap3A_126], %swap3A_129 {strides = array<i32>} : memref<512xi32, #tpu.memory_space<vmem>>, vector<16xi32>,
    %get3A_130 = arith.constant 16 : index
    %get3A_131 = tpu.vector_load %arg8[%get3A_130] {strides = array<i32>} : memref<512xi32, #tpu.memory_space<vmem>>, vector<16xi32>,
    %get3A_132 = vector.shape_cast %get3A_131 : vector<16xi32> to vector<16xi32>
    %shift_right_logical3A_133 = arith.constant 14 : i32
    %shift_right_logical3A_134 = vector.broadcast %shift_right_logical3A_133 : i32 to vector<16xi32>
    %shift_right_logical3A_135 = arith.shrui %get3A_132, %shift_right_logical3A_134 : vector<16xi32>
    %shift_left3A_136 = arith.constant 15 : i32
    %shift_left3A_137 = vector.broadcast %shift_left3A_136 : i32 to vector<16xi32>
    %shift_left3A_138 = arith.shli %shift_right_logical3A_135, %shift_left3A_137 : vector<16xi32>
    %and3A_139 = arith.constant 8191 : i32
    %and3A_140 = vector.broadcast %and3A_139 : i32 to vector<16xi32>
    %and3A_141 = arith.andi %get3A_132, %and3A_140 : vector<16xi32>
    %shift_left3A_142 = arith.constant 2 : i32
    %shift_left3A_143 = vector.broadcast %shift_left3A_142 : i32 to vector<16xi32>
    %shift_left3A_144 = arith.shli %and3A_141, %shift_left3A_143 : vector<16xi32>
    %add3A_145 = arith.addi %shift_left3A_138, %shift_left3A_144 : vector<16xi32>
    %shift_right_logical3A_146 = arith.constant 13 : i32
    %shift_right_logical3A_147 = vector.broadcast %shift_right_logical3A_146 : i32 to vector<16xi32>
    %shift_right_logical3A_148 = arith.shrui %get3A_132, %shift_right_logical3A_147 : vector<16xi32>
    %and3A_149 = arith.constant 1 : i32
    %and3A_150 = vector.broadcast %and3A_149 : i32 to vector<16xi32>
    %and3A_151 = arith.andi %shift_right_logical3A_148, %and3A_150 : vector<16xi32>
    %shift_left3A_152 = arith.constant 1 : i32
    %shift_left3A_153 = vector.broadcast %shift_left3A_152 : i32 to vector<16xi32>
    %shift_left3A_154 = arith.shli %and3A_151, %shift_left3A_153 : vector<16xi32>
    %add3A_155 = arith.addi %add3A_145, %shift_left3A_154 : vector<16xi32>
    %add3A_156 = arith.constant 1 : i32
    %add3A_157 = vector.broadcast %add3A_156 : i32 to vector<16xi32>
    %add3A_158 = arith.addi %add3A_155, %add3A_157 : vector<16xi32>
    %swap3A_159 = arith.constant 16 : index
    %swap3A_160 = tpu.vector_load %arg8[%swap3A_159] {strides = array<i32>} : memref<512xi32, #tpu.memory_space<vmem>>, vector<16xi32>,
    %swap3A_161 = vector.shape_cast %swap3A_160 : vector<16xi32> to vector<16xi32>
    %swap3A_162 = vector.shape_cast %add3A_158 : vector<16xi32> to vector<16xi32>
    tpu.vector_store %arg8[%swap3A_159], %swap3A_162 {strides = array<i32>} : memref<512xi32, #tpu.memory_space<vmem>>, vector<16xi32>,
    %get3A_163 = arith.constant 32 : index
    %get3A_164 = tpu.vector_load %arg7[%get3A_163] {strides = array<i32>} : memref<512xi32, #tpu.memory_space<vmem>>, vector<16xi32>,
    %get3A_165 = vector.shape_cast %get3A_164 : vector<16xi32> to vector<16xi32>
    %shift_right_logical3A_166 = arith.constant 14 : i32
    %shift_right_logical3A_167 = vector.broadcast %shift_right_logical3A_166 : i32 to vector<16xi32>
    %shift_right_logical3A_168 = arith.shrui %get3A_165, %shift_right_logical3A_167 : vector<16xi32>
    %shift_left3A_169 = arith.constant 15 : i32
    %shift_left3A_170 = vector.broadcast %shift_left3A_169 : i32 to vector<16xi32>
    %shift_left3A_171 = arith.shli %shift_right_logical3A_168, %shift_left3A_170 : vector<16xi32>
    %and3A_172 = arith.constant 8191 : i32
    %and3A_173 = vector.broadcast %and3A_172 : i32 to vector<16xi32>
    %and3A_174 = arith.andi %get3A_165, %and3A_173 : vector<16xi32>
    %shift_left3A_175 = arith.constant 2 : i32
    %shift_left3A_176 = vector.broadcast %shift_left3A_175 : i32 to vector<16xi32>
    %shift_left3A_177 = arith.shli %and3A_174, %shift_left3A_176 : vector<16xi32>
    %add3A_178 = arith.addi %shift_left3A_171, %shift_left3A_177 : vector<16xi32>
    %shift_right_logical3A_179 = arith.constant 13 : i32
    %shift_right_logical3A_180 = vector.broadcast %shift_right_logical3A_179 : i32 to vector<16xi32>
    %shift_right_logical3A_181 = arith.shrui %get3A_165, %shift_right_logical3A_180 : vector<16xi32>
    %and3A_182 = arith.constant 1 : i32
    %and3A_183 = vector.broadcast %and3A_182 : i32 to vector<16xi32>
    %and3A_184 = arith.andi %shift_right_logical3A_181, %and3A_183 : vector<16xi32>
    %shift_left3A_185 = arith.constant 1 : i32
    %shift_left3A_186 = vector.broadcast %shift_left3A_185 : i32 to vector<16xi32>
    %shift_left3A_187 = arith.shli %and3A_184, %shift_left3A_186 : vector<16xi32>
    %add3A_188 = arith.addi %add3A_178, %shift_left3A_187 : vector<16xi32>
    %add3A_189 = arith.constant 0 : i32
    %add3A_190 = vector.broadcast %add3A_189 : i32 to vector<16xi32>
    %add3A_191 = arith.addi %add3A_188, %add3A_190 : vector<16xi32>
    %swap3A_192 = arith.constant 32 : index
    %swap3A_193 = tpu.vector_load %arg7[%swap3A_192] {strides = array<i32>} : memref<512xi32, #tpu.memory_space<vmem>>, vector<16xi32>,
    %swap3A_194 = vector.shape_cast %swap3A_193 : vector<16xi32> to vector<16xi32>
    %swap3A_195 = vector.shape_cast %add3A_191 : vector<16xi32> to vector<16xi32>
    tpu.vector_store %arg7[%swap3A_192], %swap3A_195 {strides = array<i32>} : memref<512xi32, #tpu.memory_space<vmem>>, vector<16xi32>,
    %get3A_196 = arith.constant 32 : index
    %get3A_197 = tpu.vector_load %arg8[%get3A_196] {strides = array<i32>} : memref<512xi32, #tpu.memory_space<vmem>>, vector<16xi32>,
    %get3A_198 = vector.shape_cast %get3A_197 : vector<16xi32> to vector<16xi32>
    %shift_right_logical3A_199 = arith.constant 14 : i32
    %shift_right_logical3A_200 = vector.broadcast %shift_right_logical3A_199 : i32 to vector<16xi32>
    %shift_right_logical3A_201 = arith.shrui %get3A_198, %shift_right_logical3A_200 : vector<16xi32>
    %shift_left3A_202 = arith.constant 15 : i32
    %shift_left3A_203 = vector.broadcast %shift_left3A_202 : i32 to vector<16xi32>
    %shift_left3A_204 = arith.shli %shift_right_logical3A_201, %shift_left3A_203 : vector<16xi32>
    %and3A_205 = arith.constant 8191 : i32
    %and3A_206 = vector.broadcast %and3A_205 : i32 to vector<16xi32>
    %and3A_207 = arith.andi %get3A_198, %and3A_206 : vector<16xi32>
    %shift_left3A_208 = arith.constant 2 : i32
    %shift_left3A_209 = vector.broadcast %shift_left3A_208 : i32 to vector<16xi32>
    %shift_left3A_210 = arith.shli %and3A_207, %shift_left3A_209 : vector<16xi32>
    %add3A_211 = arith.addi %shift_left3A_204, %shift_left3A_210 : vector<16xi32>
    %shift_right_logical3A_212 = arith.constant 13 : i32
    %shift_right_logical3A_213 = vector.broadcast %shift_right_logical3A_212 : i32 to vector<16xi32>
    %shift_right_logical3A_214 = arith.shrui %get3A_198, %shift_right_logical3A_213 : vector<16xi32>
    %and3A_215 = arith.constant 1 : i32
    %and3A_216 = vector.broadcast %and3A_215 : i32 to vector<16xi32>
    %and3A_217 = arith.andi %shift_right_logical3A_214, %and3A_216 : vector<16xi32>
    %shift_left3A_218 = arith.constant 1 : i32
    %shift_left3A_219 = vector.broadcast %shift_left3A_218 : i32 to vector<16xi32>
    %shift_left3A_220 = arith.shli %and3A_217, %shift_left3A_219 : vector<16xi32>
    %add3A_221 = arith.addi %add3A_211, %shift_left3A_220 : vector<16xi32>
    %add3A_222 = arith.constant 1 : i32
    %add3A_223 = vector.broadcast %add3A_222 : i32 to vector<16xi32>
    %add3A_224 = arith.addi %add3A_221, %add3A_223 : vector<16xi32>
    %swap3A_225 = arith.constant 32 : index
    %swap3A_226 = tpu.vector_load %arg8[%swap3A_225] {strides = array<i32>} : memref<512xi32, #tpu.memory_space<vmem>>, vector<16xi32>,
    %swap3A_227 = vector.shape_cast %swap3A_226 : vector<16xi32> to vector<16xi32>
    %swap3A_228 = vector.shape_cast %add3A_224 : vector<16xi32> to vector<16xi32>
    tpu.vector_store %arg8[%swap3A_225], %swap3A_228 {strides = array<i32>} : memref<512xi32, #tpu.memory_space<vmem>>, vector<16xi32>,
    %get3A_229 = arith.constant 48 : index
    %get3A_230 = tpu.vector_load %arg7[%get3A_229] {strides = array<i32>} : memref<512xi32, #tpu.memory_space<vmem>>, vector<16xi32>,
    %get3A_231 = vector.shape_cast %get3A_230 : vector<16xi32> to vector<16xi32>
    %shift_right_logical3A_232 = arith.constant 14 : i32
    %shift_right_logical3A_233 = vector.broadcast %shift_right_logical3A_232 : i32 to vector<16xi32>
    %shift_right_logical3A_234 = arith.shrui %get3A_231, %shift_right_logical3A_233 : vector<16xi32>
    %shift_left3A_235 = arith.constant 15 : i32
    %shift_left3A_236 = vector.broadcast %shift_left3A_235 : i32 to vector<16xi32>
    %shift_left3A_237 = arith.shli %shift_right_logical3A_234, %shift_left3A_236 : vector<16xi32>
    %and3A_238 = arith.constant 8191 : i32
    %and3A_239 = vector.broadcast %and3A_238 : i32 to vector<16xi32>
    %and3A_240 = arith.andi %get3A_231, %and3A_239 : vector<16xi32>
    %shift_left3A_241 = arith.constant 2 : i32
    %shift_left3A_242 = vector.broadcast %shift_left3A_241 : i32 to vector<16xi32>
    %shift_left3A_243 = arith.shli %and3A_240, %shift_left3A_242 : vector<16xi32>
    %add3A_244 = arith.addi %shift_left3A_237, %shift_left3A_243 : vector<16xi32>
    %shift_right_logical3A_245 = arith.constant 13 : i32
    %shift_right_logical3A_246 = vector.broadcast %shift_right_logical3A_245 : i32 to vector<16xi32>
    %shift_right_logical3A_247 = arith.shrui %get3A_231, %shift_right_logical3A_246 : vector<16xi32>
    %and3A_248 = arith.constant 1 : i32
    %and3A_249 = vector.broadcast %and3A_248 : i32 to vector<16xi32>
    %and3A_250 = arith.andi %shift_right_logical3A_247, %and3A_249 : vector<16xi32>
    %shift_left3A_251 = arith.constant 1 : i32
    %shift_left3A_252 = vector.broadcast %shift_left3A_251 : i32 to vector<16xi32>
    %shift_left3A_253 = arith.shli %and3A_250, %shift_left3A_252 : vector<16xi32>
    %add3A_254 = arith.addi %add3A_244, %shift_left3A_253 : vector<16xi32>
    %add3A_255 = arith.constant 0 : i32
    %add3A_256 = vector.broadcast %add3A_255 : i32 to vector<16xi32>
    %add3A_257 = arith.addi %add3A_254, %add3A_256 : vector<16xi32>
    %swap3A_258 = arith.constant 48 : index
    %swap3A_259 = tpu.vector_load %arg7[%swap3A_258] {strides = array<i32>} : memref<512xi32, #tpu.memory_space<vmem>>, vector<16xi32>,
    %swap3A_260 = vector.shape_cast %swap3A_259 : vector<16xi32> to vector<16xi32>
    %swap3A_261 = vector.shape_cast %add3A_257 : vector<16xi32> to vector<16xi32>
    tpu.vector_store %arg7[%swap3A_258], %swap3A_261 {strides = array<i32>} : memref<512xi32, #tpu.memory_space<vmem>>, vector<16xi32>,
    %get3A_262 = arith.constant 48 : index
    %get3A_263 = tpu.vector_load %arg8[%get3A_262] {strides = array<i32>} : memref<512xi32, #tpu.memory_space<vmem>>, vector<16xi32>,
    %get3A_264 = vector.shape_cast %get3A_263 : vector<16xi32> to vector<16xi32>
    %shift_right_logical3A_265 = arith.constant 14 : i32
    %shift_right_logical3A_266 = vector.broadcast %shift_right_logical3A_265 : i32 to vector<16xi32>
    %shift_right_logical3A_267 = arith.shrui %get3A_264, %shift_right_logical3A_266 : vector<16xi32>
    %shift_left3A_268 = arith.constant 15 : i32
    %shift_left3A_269 = vector.broadcast %shift_left3A_268 : i32 to vector<16xi32>
    %shift_left3A_270 = arith.shli %shift_right_logical3A_267, %shift_left3A_269 : vector<16xi32>
    %and3A_271 = arith.constant 8191 : i32
    %and3A_272 = vector.broadcast %and3A_271 : i32 to vector<16xi32>
    %and3A_273 = arith.andi %get3A_264, %and3A_272 : vector<16xi32>
    %shift_left3A_274 = arith.constant 2 : i32
    %shift_left3A_275 = vector.broadcast %shift_left3A_274 : i32 to vector<16xi32>
    %shift_left3A_276 = arith.shli %and3A_273, %shift_left3A_275 : vector<16xi32>
    %add3A_277 = arith.addi %shift_left3A_270, %shift_left3A_276 : vector<16xi32>
    %shift_right_logical3A_278 = arith.constant 13 : i32
    %shift_right_logical3A_279 = vector.broadcast %shift_right_logical3A_278 : i32 to vector<16xi32>
    %shift_right_logical3A_280 = arith.shrui %get3A_264, %shift_right_logical3A_279 : vector<16xi32>
    %and3A_281 = arith.constant 1 : i32
    %and3A_282 = vector.broadcast %and3A_281 : i32 to vector<16xi32>
    %and3A_283 = arith.andi %shift_right_logical3A_280, %and3A_282 : vector<16xi32>
    %shift_left3A_284 = arith.constant 1 : i32
    %shift_left3A_285 = vector.broadcast %shift_left3A_284 : i32 to vector<16xi32>
    %shift_left3A_286 = arith.shli %and3A_283, %shift_left3A_285 : vector<16xi32>
    %add3A_287 = arith.addi %add3A_277, %shift_left3A_286 : vector<16xi32>
    %add3A_288 = arith.constant 1 : i32
    %add3A_289 = vector.broadcast %add3A_288 : i32 to vector<16xi32>
    %add3A_290 = arith.addi %add3A_287, %add3A_289 : vector<16xi32>
    %swap3A_291 = arith.constant 48 : index
    %swap3A_292 = tpu.vector_load %arg8[%swap3A_291] {strides = array<i32>} : memref<512xi32, #tpu.memory_space<vmem>>, vector<16xi32>,
    %swap3A_293 = vector.shape_cast %swap3A_292 : vector<16xi32> to vector<16xi32>
    %swap3A_294 = vector.shape_cast %add3A_290 : vector<16xi32> to vector<16xi32>
    tpu.vector_store %arg8[%swap3A_291], %swap3A_294 {strides = array<i32>} : memref<512xi32, #tpu.memory_space<vmem>>, vector<16xi32>,
    %get3A_295 = arith.constant 64 : index
    %get3A_296 = tpu.vector_load %arg7[%get3A_295] {strides = array<i32>} : memref<512xi32, #tpu.memory_space<vmem>>, vector<16xi32>,
    %get3A_297 = vector.shape_cast %get3A_296 : vector<16xi32> to vector<16xi32>
    %shift_right_logical3A_298 = arith.constant 14 : i32
    %shift_right_logical3A_299 = vector.broadcast %shift_right_logical3A_298 : i32 to vector<16xi32>
    %shift_right_logical3A_300 = arith.shrui %get3A_297, %shift_right_logical3A_299 : vector<16xi32>
    %shift_left3A_301 = arith.constant 15 : i32
    %shift_left3A_302 = vector.broadcast %shift_left3A_301 : i32 to vector<16xi32>
    %shift_left3A_303 = arith.shli %shift_right_logical3A_300, %shift_left3A_302 : vector<16xi32>
    %and3A_304 = arith.constant 8191 : i32
    %and3A_305 = vector.broadcast %and3A_304 : i32 to vector<16xi32>
    %and3A_306 = arith.andi %get3A_297, %and3A_305 : vector<16xi32>
    %shift_left3A_307 = arith.constant 2 : i32
    %shift_left3A_308 = vector.broadcast %shift_left3A_307 : i32 to vector<16xi32>
    %shift_left3A_309 = arith.shli %and3A_306, %shift_left3A_308 : vector<16xi32>
    %add3A_310 = arith.addi %shift_left3A_303, %shift_left3A_309 : vector<16xi32>
    %shift_right_logical3A_311 = arith.constant 13 : i32
    %shift_right_logical3A_312 = vector.broadcast %shift_right_logical3A_311 : i32 to vector<16xi32>
    %shift_right_logical3A_313 = arith.shrui %get3A_297, %shift_right_logical3A_312 : vector<16xi32>
    %and3A_314 = arith.constant 1 : i32
    %and3A_315 = vector.broadcast %and3A_314 : i32 to vector<16xi32>
    %and3A_316 = arith.andi %shift_right_logical3A_313, %and3A_315 : vector<16xi32>
    %shift_left3A_317 = arith.constant 1 : i32
    %shift_left3A_318 = vector.broadcast %shift_left3A_317 : i32 to vector<16xi32>
    %shift_left3A_319 = arith.shli %and3A_316, %shift_left3A_318 : vector<16xi32>
    %add3A_320 = arith.addi %add3A_310, %shift_left3A_319 : vector<16xi32>
    %add3A_321 = arith.constant 0 : i32
    %add3A_322 = vector.broadcast %add3A_321 : i32 to vector<16xi32>
    %add3A_323 = arith.addi %add3A_320, %add3A_322 : vector<16xi32>
    %swap3A_324 = arith.constant 64 : index
    %swap3A_325 = tpu.vector_load %arg7[%swap3A_324] {strides = array<i32>} : memref<512xi32, #tpu.memory_space<vmem>>, vector<16xi32>,
    %swap3A_326 = vector.shape_cast %swap3A_325 : vector<16xi32> to vector<16xi32>
    %swap3A_327 = vector.shape_cast %add3A_323 : vector<16xi32> to vector<16xi32>
    tpu.vector_store %arg7[%swap3A_324], %swap3A_327 {strides = array<i32>} : memref<512xi32, #tpu.memory_space<vmem>>, vector<16xi32>,
    %get3A_328 = arith.constant 64 : index
    %get3A_329 = tpu.vector_load %arg8[%get3A_328] {strides = array<i32>} : memref<512xi32, #tpu.memory_space<vmem>>, vector<16xi32>,
    %get3A_330 = vector.shape_cast %get3A_329 : vector<16xi32> to vector<16xi32>
    %shift_right_logical3A_331 = arith.constant 14 : i32
    %shift_right_logical3A_332 = vector.broadcast %shift_right_logical3A_331 : i32 to vector<16xi32>
    %shift_right_logical3A_333 = arith.shrui %get3A_330, %shift_right_logical3A_332 : vector<16xi32>
    %shift_left3A_334 = arith.constant 15 : i32
    %shift_left3A_335 = vector.broadcast %shift_left3A_334 : i32 to vector<16xi32>
    %shift_left3A_336 = arith.shli %shift_right_logical3A_333, %shift_left3A_335 : vector<16xi32>
    %and3A_337 = arith.constant 8191 : i32
    %and3A_338 = vector.broadcast %and3A_337 : i32 to vector<16xi32>
    %and3A_339 = arith.andi %get3A_330, %and3A_338 : vector<16xi32>
    %shift_left3A_340 = arith.constant 2 : i32
    %shift_left3A_341 = vector.broadcast %shift_left3A_340 : i32 to vector<16xi32>
    %shift_left3A_342 = arith.shli %and3A_339, %shift_left3A_341 : vector<16xi32>
    %add3A_343 = arith.addi %shift_left3A_336, %shift_left3A_342 : vector<16xi32>
    %shift_right_logical3A_344 = arith.constant 13 : i32
    %shift_right_logical3A_345 = vector.broadcast %shift_right_logical3A_344 : i32 to vector<16xi32>
    %shift_right_logical3A_346 = arith.shrui %get3A_330, %shift_right_logical3A_345 : vector<16xi32>
    %and3A_347 = arith.constant 1 : i32
    %and3A_348 = vector.broadcast %and3A_347 : i32 to vector<16xi32>
    %and3A_349 = arith.andi %shift_right_logical3A_346, %and3A_348 : vector<16xi32>
    %shift_left3A_350 = arith.constant 1 : i32
    %shift_left3A_351 = vector.broadcast %shift_left3A_350 : i32 to vector<16xi32>
    %shift_left3A_352 = arith.shli %and3A_349, %shift_left3A_351 : vector<16xi32>
    %add3A_353 = arith.addi %add3A_343, %shift_left3A_352 : vector<16xi32>
    %add3A_354 = arith.constant 1 : i32
    %add3A_355 = vector.broadcast %add3A_354 : i32 to vector<16xi32>
    %add3A_356 = arith.addi %add3A_353, %add3A_355 : vector<16xi32>
    %swap3A_357 = arith.constant 64 : index
    %swap3A_358 = tpu.vector_load %arg8[%swap3A_357] {strides = array<i32>} : memref<512xi32, #tpu.memory_space<vmem>>, vector<16xi32>,
    %swap3A_359 = vector.shape_cast %swap3A_358 : vector<16xi32> to vector<16xi32>
    %swap3A_360 = vector.shape_cast %add3A_356 : vector<16xi32> to vector<16xi32>
    tpu.vector_store %arg8[%swap3A_357], %swap3A_360 {strides = array<i32>} : memref<512xi32, #tpu.memory_space<vmem>>, vector<16xi32>,
    %get3A_361 = arith.constant 80 : index
    %get3A_362 = tpu.vector_load %arg7[%get3A_361] {strides = array<i32>} : memref<512xi32, #tpu.memory_space<vmem>>, vector<16xi32>,
    %get3A_363 = vector.shape_cast %get3A_362 : vector<16xi32> to vector<16xi32>
    %shift_right_logical3A_364 = arith.constant 14 : i32
    %shift_right_logical3A_365 = vector.broadcast %shift_right_logical3A_364 : i32 to vector<16xi32>
    %shift_right_logical3A_366 = arith.shrui %get3A_363, %shift_right_logical3A_365 : vector<16xi32>
    %shift_left3A_367 = arith.constant 15 : i32
    %shift_left3A_368 = vector.broadcast %shift_left3A_367 : i32 to vector<16xi32>
    %shift_left3A_369 = arith.shli %shift_right_logical3A_366, %shift_left3A_368 : vector<16xi32>
    %and3A_370 = arith.constant 8191 : i32
    %and3A_371 = vector.broadcast %and3A_370 : i32 to vector<16xi32>
    %and3A_372 = arith.andi %get3A_363, %and3A_371 : vector<16xi32>
    %shift_left3A_373 = arith.constant 2 : i32
    %shift_left3A_374 = vector.broadcast %shift_left3A_373 : i32 to vector<16xi32>
    %shift_left3A_375 = arith.shli %and3A_372, %shift_left3A_374 : vector<16xi32>
    %add3A_376 = arith.addi %shift_left3A_369, %shift_left3A_375 : vector<16xi32>
    %shift_right_logical3A_377 = arith.constant 13 : i32
    %shift_right_logical3A_378 = vector.broadcast %shift_right_logical3A_377 : i32 to vector<16xi32>
    %shift_right_logical3A_379 = arith.shrui %get3A_363, %shift_right_logical3A_378 : vector<16xi32>
    %and3A_380 = arith.constant 1 : i32
    %and3A_381 = vector.broadcast %and3A_380 : i32 to vector<16xi32>
    %and3A_382 = arith.andi %shift_right_logical3A_379, %and3A_381 : vector<16xi32>
    %shift_left3A_383 = arith.constant 1 : i32
    %shift_left3A_384 = vector.broadcast %shift_left3A_383 : i32 to vector<16xi32>
    %shift_left3A_385 = arith.shli %and3A_382, %shift_left3A_384 : vector<16xi32>
    %add3A_386 = arith.addi %add3A_376, %shift_left3A_385 : vector<16xi32>
    %add3A_387 = arith.constant 0 : i32
    %add3A_388 = vector.broadcast %add3A_387 : i32 to vector<16xi32>
    %add3A_389 = arith.addi %add3A_386, %add3A_388 : vector<16xi32>
    %swap3A_390 = arith.constant 80 : index
    %swap3A_391 = tpu.vector_load %arg7[%swap3A_390] {strides = array<i32>} : memref<512xi32, #tpu.memory_space<vmem>>, vector<16xi32>,
    %swap3A_392 = vector.shape_cast %swap3A_391 : vector<16xi32> to vector<16xi32>
    %swap3A_393 = vector.shape_cast %add3A_389 : vector<16xi32> to vector<16xi32>
    tpu.vector_store %arg7[%swap3A_390], %swap3A_393 {strides = array<i32>} : memref<512xi32, #tpu.memory_space<vmem>>, vector<16xi32>,
    %get3A_394 = arith.constant 80 : index
    %get3A_395 = tpu.vector_load %arg8[%get3A_394] {strides = array<i32>} : memref<512xi32, #tpu.memory_space<vmem>>, vector<16xi32>,
    %get3A_396 = vector.shape_cast %get3A_395 : vector<16xi32> to vector<16xi32>
    %shift_right_logical3A_397 = arith.constant 14 : i32
    %shift_right_logical3A_398 = vector.broadcast %shift_right_logical3A_397 : i32 to vector<16xi32>
    %shift_right_logical3A_399 = arith.shrui %get3A_396, %shift_right_logical3A_398 : vector<16xi32>
    %shift_left3A_400 = arith.constant 15 : i32
    %shift_left3A_401 = vector.broadcast %shift_left3A_400 : i32 to vector<16xi32>
    %shift_left3A_402 = arith.shli %shift_right_logical3A_399, %shift_left3A_401 : vector<16xi32>
    %and3A_403 = arith.constant 8191 : i32
    %and3A_404 = vector.broadcast %and3A_403 : i32 to vector<16xi32>
    %and3A_405 = arith.andi %get3A_396, %and3A_404 : vector<16xi32>
    %shift_left3A_406 = arith.constant 2 : i32
    %shift_left3A_407 = vector.broadcast %shift_left3A_406 : i32 to vector<16xi32>
    %shift_left3A_408 = arith.shli %and3A_405, %shift_left3A_407 : vector<16xi32>
    %add3A_409 = arith.addi %shift_left3A_402, %shift_left3A_408 : vector<16xi32>
    %shift_right_logical3A_410 = arith.constant 13 : i32
    %shift_right_logical3A_411 = vector.broadcast %shift_right_logical3A_410 : i32 to vector<16xi32>
    %shift_right_logical3A_412 = arith.shrui %get3A_396, %shift_right_logical3A_411 : vector<16xi32>
    %and3A_413 = arith.constant 1 : i32
    %and3A_414 = vector.broadcast %and3A_413 : i32 to vector<16xi32>
    %and3A_415 = arith.andi %shift_right_logical3A_412, %and3A_414 : vector<16xi32>
    %shift_left3A_416 = arith.constant 1 : i32
    %shift_left3A_417 = vector.broadcast %shift_left3A_416 : i32 to vector<16xi32>
    %shift_left3A_418 = arith.shli %and3A_415, %shift_left3A_417 : vector<16xi32>
    %add3A_419 = arith.addi %add3A_409, %shift_left3A_418 : vector<16xi32>
    %add3A_420 = arith.constant 1 : i32
    %add3A_421 = vector.broadcast %add3A_420 : i32 to vector<16xi32>
    %add3A_422 = arith.addi %add3A_419, %add3A_421 : vector<16xi32>
    %swap3A_423 = arith.constant 80 : index
    %swap3A_424 = tpu.vector_load %arg8[%swap3A_423] {strides = array<i32>} : memref<512xi32, #tpu.memory_space<vmem>>, vector<16xi32>,
    %swap3A_425 = vector.shape_cast %swap3A_424 : vector<16xi32> to vector<16xi32>
    %swap3A_426 = vector.shape_cast %add3A_422 : vector<16xi32> to vector<16xi32>
    tpu.vector_store %arg8[%swap3A_423], %swap3A_426 {strides = array<i32>} : memref<512xi32, #tpu.memory_space<vmem>>, vector<16xi32>,
    %get3A_427 = arith.constant 96 : index
    %get3A_428 = tpu.vector_load %arg7[%get3A_427] {strides = array<i32>} : memref<512xi32, #tpu.memory_space<vmem>>, vector<16xi32>,
    %get3A_429 = vector.shape_cast %get3A_428 : vector<16xi32> to vector<16xi32>
    %shift_right_logical3A_430 = arith.constant 14 : i32
    %shift_right_logical3A_431 = vector.broadcast %shift_right_logical3A_430 : i32 to vector<16xi32>
    %shift_right_logical3A_432 = arith.shrui %get3A_429, %shift_right_logical3A_431 : vector<16xi32>
    %shift_left3A_433 = arith.constant 15 : i32
    %shift_left3A_434 = vector.broadcast %shift_left3A_433 : i32 to vector<16xi32>
    %shift_left3A_435 = arith.shli %shift_right_logical3A_432, %shift_left3A_434 : vector<16xi32>
    %and3A_436 = arith.constant 8191 : i32
    %and3A_437 = vector.broadcast %and3A_436 : i32 to vector<16xi32>
    %and3A_438 = arith.andi %get3A_429, %and3A_437 : vector<16xi32>
    %shift_left3A_439 = arith.constant 2 : i32
    %shift_left3A_440 = vector.broadcast %shift_left3A_439 : i32 to vector<16xi32>
    %shift_left3A_441 = arith.shli %and3A_438, %shift_left3A_440 : vector<16xi32>
    %add3A_442 = arith.addi %shift_left3A_435, %shift_left3A_441 : vector<16xi32>
    %shift_right_logical3A_443 = arith.constant 13 : i32
    %shift_right_logical3A_444 = vector.broadcast %shift_right_logical3A_443 : i32 to vector<16xi32>
    %shift_right_logical3A_445 = arith.shrui %get3A_429, %shift_right_logical3A_444 : vector<16xi32>
    %and3A_446 = arith.constant 1 : i32
    %and3A_447 = vector.broadcast %and3A_446 : i32 to vector<16xi32>
    %and3A_448 = arith.andi %shift_right_logical3A_445, %and3A_447 : vector<16xi32>
    %shift_left3A_449 = arith.constant 1 : i32
    %shift_left3A_450 = vector.broadcast %shift_left3A_449 : i32 to vector<16xi32>
    %shift_left3A_451 = arith.shli %and3A_448, %shift_left3A_450 : vector<16xi32>
    %add3A_452 = arith.addi %add3A_442, %shift_left3A_451 : vector<16xi32>
    %add3A_453 = arith.constant 0 : i32
    %add3A_454 = vector.broadcast %add3A_453 : i32 to vector<16xi32>
    %add3A_455 = arith.addi %add3A_452, %add3A_454 : vector<16xi32>
    %swap3A_456 = arith.constant 96 : index
    %swap3A_457 = tpu.vector_load %arg7[%swap3A_456] {strides = array<i32>} : memref<512xi32, #tpu.memory_space<vmem>>, vector<16xi32>,
    %swap3A_458 = vector.shape_cast %swap3A_457 : vector<16xi32> to vector<16xi32>
    %swap3A_459 = vector.shape_cast %add3A_455 : vector<16xi32> to vector<16xi32>
    tpu.vector_store %arg7[%swap3A_456], %swap3A_459 {strides = array<i32>} : memref<512xi32, #tpu.memory_space<vmem>>, vector<16xi32>,
    %get3A_460 = arith.constant 96 : index
    %get3A_461 = tpu.vector_load %arg8[%get3A_460] {strides = array<i32>} : memref<512xi32, #tpu.memory_space<vmem>>, vector<16xi32>,
    %get3A_462 = vector.shape_cast %get3A_461 : vector<16xi32> to vector<16xi32>
    %shift_right_logical3A_463 = arith.constant 14 : i32
    %shift_right_logical3A_464 = vector.broadcast %shift_right_logical3A_463 : i32 to vector<16xi32>
    %shift_right_logical3A_465 = arith.shrui %get3A_462, %shift_right_logical3A_464 : vector<16xi32>
    %shift_left3A_466 = arith.constant 15 : i32
    %shift_left3A_467 = vector.broadcast %shift_left3A_466 : i32 to vector<16xi32>
    %shift_left3A_468 = arith.shli %shift_right_logical3A_465, %shift_left3A_467 : vector<16xi32>
    %and3A_469 = arith.constant 8191 : i32
    %and3A_470 = vector.broadcast %and3A_469 : i32 to vector<16xi32>
    %and3A_471 = arith.andi %get3A_462, %and3A_470 : vector<16xi32>
    %shift_left3A_472 = arith.constant 2 : i32
    %shift_left3A_473 = vector.broadcast %shift_left3A_472 : i32 to vector<16xi32>
    %shift_left3A_474 = arith.shli %and3A_471, %shift_left3A_473 : vector<16xi32>
    %add3A_475 = arith.addi %shift_left3A_468, %shift_left3A_474 : vector<16xi32>
    %shift_right_logical3A_476 = arith.constant 13 : i32
    %shift_right_logical3A_477 = vector.broadcast %shift_right_logical3A_476 : i32 to vector<16xi32>
    %shift_right_logical3A_478 = arith.shrui %get3A_462, %shift_right_logical3A_477 : vector<16xi32>
    %and3A_479 = arith.constant 1 : i32
    %and3A_480 = vector.broadcast %and3A_479 : i32 to vector<16xi32>
    %and3A_481 = arith.andi %shift_right_logical3A_478, %and3A_480 : vector<16xi32>
    %shift_left3A_482 = arith.constant 1 : i32
    %shift_left3A_483 = vector.broadcast %shift_left3A_482 : i32 to vector<16xi32>
    %shift_left3A_484 = arith.shli %and3A_481, %shift_left3A_483 : vector<16xi32>
    %add3A_485 = arith.addi %add3A_475, %shift_left3A_484 : vector<16xi32>
    %add3A_486 = arith.constant 1 : i32
    %add3A_487 = vector.broadcast %add3A_486 : i32 to vector<16xi32>
    %add3A_488 = arith.addi %add3A_485, %add3A_487 : vector<16xi32>
    %swap3A_489 = arith.constant 96 : index
    %swap3A_490 = tpu.vector_load %arg8[%swap3A_489] {strides = array<i32>} : memref<512xi32, #tpu.memory_space<vmem>>, vector<16xi32>,
    %swap3A_491 = vector.shape_cast %swap3A_490 : vector<16xi32> to vector<16xi32>
    %swap3A_492 = vector.shape_cast %add3A_488 : vector<16xi32> to vector<16xi32>
    tpu.vector_store %arg8[%swap3A_489], %swap3A_492 {strides = array<i32>} : memref<512xi32, #tpu.memory_space<vmem>>, vector<16xi32>,
    %get3A_493 = arith.constant 112 : index
    %get3A_494 = tpu.vector_load %arg7[%get3A_493] {strides = array<i32>} : memref<512xi32, #tpu.memory_space<vmem>>, vector<16xi32>,
    %get3A_495 = vector.shape_cast %get3A_494 : vector<16xi32> to vector<16xi32>
    %shift_right_logical3A_496 = arith.constant 14 : i32
    %shift_right_logical3A_497 = vector.broadcast %shift_right_logical3A_496 : i32 to vector<16xi32>
    %shift_right_logical3A_498 = arith.shrui %get3A_495, %shift_right_logical3A_497 : vector<16xi32>
    %shift_left3A_499 = arith.constant 15 : i32
    %shift_left3A_500 = vector.broadcast %shift_left3A_499 : i32 to vector<16xi32>
    %shift_left3A_501 = arith.shli %shift_right_logical3A_498, %shift_left3A_500 : vector<16xi32>
    %and3A_502 = arith.constant 8191 : i32
    %and3A_503 = vector.broadcast %and3A_502 : i32 to vector<16xi32>
    %and3A_504 = arith.andi %get3A_495, %and3A_503 : vector<16xi32>
    %shift_left3A_505 = arith.constant 2 : i32
    %shift_left3A_506 = vector.broadcast %shift_left3A_505 : i32 to vector<16xi32>
    %shift_left3A_507 = arith.shli %and3A_504, %shift_left3A_506 : vector<16xi32>
    %add3A_508 = arith.addi %shift_left3A_501, %shift_left3A_507 : vector<16xi32>
    %shift_right_logical3A_509 = arith.constant 13 : i32
    %shift_right_logical3A_510 = vector.broadcast %shift_right_logical3A_509 : i32 to vector<16xi32>
    %shift_right_logical3A_511 = arith.shrui %get3A_495, %shift_right_logical3A_510 : vector<16xi32>
    %and3A_512 = arith.constant 1 : i32
    %and3A_513 = vector.broadcast %and3A_512 : i32 to vector<16xi32>
    %and3A_514 = arith.andi %shift_right_logical3A_511, %and3A_513 : vector<16xi32>
    %shift_left3A_515 = arith.constant 1 : i32
    %shift_left3A_516 = vector.broadcast %shift_left3A_515 : i32 to vector<16xi32>
    %shift_left3A_517 = arith.shli %and3A_514, %shift_left3A_516 : vector<16xi32>
    %add3A_518 = arith.addi %add3A_508, %shift_left3A_517 : vector<16xi32>
    %add3A_519 = arith.constant 0 : i32
    %add3A_520 = vector.broadcast %add3A_519 : i32 to vector<16xi32>
    %add3A_521 = arith.addi %add3A_518, %add3A_520 : vector<16xi32>
    %swap3A_522 = arith.constant 112 : index
    %swap3A_523 = tpu.vector_load %arg7[%swap3A_522] {strides = array<i32>} : memref<512xi32, #tpu.memory_space<vmem>>, vector<16xi32>,
    %swap3A_524 = vector.shape_cast %swap3A_523 : vector<16xi32> to vector<16xi32>
    %swap3A_525 = vector.shape_cast %add3A_521 : vector<16xi32> to vector<16xi32>
    tpu.vector_store %arg7[%swap3A_522], %swap3A_525 {strides = array<i32>} : memref<512xi32, #tpu.memory_space<vmem>>, vector<16xi32>,
    %get3A_526 = arith.constant 112 : index
    %get3A_527 = tpu.vector_load %arg8[%get3A_526] {strides = array<i32>} : memref<512xi32, #tpu.memory_space<vmem>>, vector<16xi32>,
    %get3A_528 = vector.shape_cast %get3A_527 : vector<16xi32> to vector<16xi32>
    %shift_right_logical3A_529 = arith.constant 14 : i32
    %shift_right_logical3A_530 = vector.broadcast %shift_right_logical3A_529 : i32 to vector<16xi32>
    %shift_right_logical3A_531 = arith.shrui %get3A_528, %shift_right_logical3A_530 : vector<16xi32>
    %shift_left3A_532 = arith.constant 15 : i32
    %shift_left3A_533 = vector.broadcast %shift_left3A_532 : i32 to vector<16xi32>
    %shift_left3A_534 = arith.shli %shift_right_logical3A_531, %shift_left3A_533 : vector<16xi32>
    %and3A_535 = arith.constant 8191 : i32
    %and3A_536 = vector.broadcast %and3A_535 : i32 to vector<16xi32>
    %and3A_537 = arith.andi %get3A_528, %and3A_536 : vector<16xi32>
    %shift_left3A_538 = arith.constant 2 : i32
    %shift_left3A_539 = vector.broadcast %shift_left3A_538 : i32 to vector<16xi32>
    %shift_left3A_540 = arith.shli %and3A_537, %shift_left3A_539 : vector<16xi32>
    %add3A_541 = arith.addi %shift_left3A_534, %shift_left3A_540 : vector<16xi32>
    %shift_right_logical3A_542 = arith.constant 13 : i32
    %shift_right_logical3A_543 = vector.broadcast %shift_right_logical3A_542 : i32 to vector<16xi32>
    %shift_right_logical3A_544 = arith.shrui %get3A_528, %shift_right_logical3A_543 : vector<16xi32>
    %and3A_545 = arith.constant 1 : i32
    %and3A_546 = vector.broadcast %and3A_545 : i32 to vector<16xi32>
    %and3A_547 = arith.andi %shift_right_logical3A_544, %and3A_546 : vector<16xi32>
    %shift_left3A_548 = arith.constant 1 : i32
    %shift_left3A_549 = vector.broadcast %shift_left3A_548 : i32 to vector<16xi32>
    %shift_left3A_550 = arith.shli %and3A_547, %shift_left3A_549 : vector<16xi32>
    %add3A_551 = arith.addi %add3A_541, %shift_left3A_550 : vector<16xi32>
    %add3A_552 = arith.constant 1 : i32
    %add3A_553 = vector.broadcast %add3A_552 : i32 to vector<16xi32>
    %add3A_554 = arith.addi %add3A_551, %add3A_553 : vector<16xi32>
    %swap3A_555 = arith.constant 112 : index
    %swap3A_556 = tpu.vector_load %arg8[%swap3A_555] {strides = array<i32>} : memref<512xi32, #tpu.memory_space<vmem>>, vector<16xi32>,
    %swap3A_557 = vector.shape_cast %swap3A_556 : vector<16xi32> to vector<16xi32>
    %swap3A_558 = vector.shape_cast %add3A_554 : vector<16xi32> to vector<16xi32>
    tpu.vector_store %arg8[%swap3A_555], %swap3A_558 {strides = array<i32>} : memref<512xi32, #tpu.memory_space<vmem>>, vector<16xi32>,
    %get3A_559 = arith.constant 128 : index
    %get3A_560 = tpu.vector_load %arg7[%get3A_559] {strides = array<i32>} : memref<512xi32, #tpu.memory_space<vmem>>, vector<16xi32>,
    %get3A_561 = vector.shape_cast %get3A_560 : vector<16xi32> to vector<16xi32>
    %shift_right_logical3A_562 = arith.constant 14 : i32
    %shift_right_logical3A_563 = vector.broadcast %shift_right_logical3A_562 : i32 to vector<16xi32>
    %shift_right_logical3A_564 = arith.shrui %get3A_561, %shift_right_logical3A_563 : vector<16xi32>
    %shift_left3A_565 = arith.constant 15 : i32
    %shift_left3A_566 = vector.broadcast %shift_left3A_565 : i32 to vector<16xi32>
    %shift_left3A_567 = arith.shli %shift_right_logical3A_564, %shift_left3A_566 : vector<16xi32>
    %and3A_568 = arith.constant 8191 : i32
    %and3A_569 = vector.broadcast %and3A_568 : i32 to vector<16xi32>
    %and3A_570 = arith.andi %get3A_561, %and3A_569 : vector<16xi32>
    %shift_left3A_571 = arith.constant 2 : i32
    %shift_left3A_572 = vector.broadcast %shift_left3A_571 : i32 to vector<16xi32>
    %shift_left3A_573 = arith.shli %and3A_570, %shift_left3A_572 : vector<16xi32>
    %add3A_574 = arith.addi %shift_left3A_567, %shift_left3A_573 : vector<16xi32>
    %shift_right_logical3A_575 = arith.constant 13 : i32
    %shift_right_logical3A_576 = vector.broadcast %shift_right_logical3A_575 : i32 to vector<16xi32>
    %shift_right_logical3A_577 = arith.shrui %get3A_561, %shift_right_logical3A_576 : vector<16xi32>
    %and3A_578 = arith.constant 1 : i32
    %and3A_579 = vector.broadcast %and3A_578 : i32 to vector<16xi32>
    %and3A_580 = arith.andi %shift_right_logical3A_577, %and3A_579 : vector<16xi32>
    %shift_left3A_581 = arith.constant 1 : i32
    %shift_left3A_582 = vector.broadcast %shift_left3A_581 : i32 to vector<16xi32>
    %shift_left3A_583 = arith.shli %and3A_580, %shift_left3A_582 : vector<16xi32>
    %add3A_584 = arith.addi %add3A_574, %shift_left3A_583 : vector<16xi32>
    %add3A_585 = arith.constant 0 : i32
    %add3A_586 = vector.broadcast %add3A_585 : i32 to vector<16xi32>
    %add3A_587 = arith.addi %add3A_584, %add3A_586 : vector<16xi32>
    %swap3A_588 = arith.constant 128 : index
    %swap3A_589 = tpu.vector_load %arg7[%swap3A_588] {strides = array<i32>} : memref<512xi32, #tpu.memory_space<vmem>>, vector<16xi32>,
    %swap3A_590 = vector.shape_cast %swap3A_589 : vector<16xi32> to vector<16xi32>
    %swap3A_591 = vector.shape_cast %add3A_587 : vector<16xi32> to vector<16xi32>
    tpu.vector_store %arg7[%swap3A_588], %swap3A_591 {strides = array<i32>} : memref<512xi32, #tpu.memory_space<vmem>>, vector<16xi32>,
    %get3A_592 = arith.constant 128 : index
    %get3A_593 = tpu.vector_load %arg8[%get3A_592] {strides = array<i32>} : memref<512xi32, #tpu.memory_space<vmem>>, vector<16xi32>,
    %get3A_594 = vector.shape_cast %get3A_593 : vector<16xi32> to vector<16xi32>
    %shift_right_logical3A_595 = arith.constant 14 : i32
    %shift_right_logical3A_596 = vector.broadcast %shift_right_logical3A_595 : i32 to vector<16xi32>
    %shift_right_logical3A_597 = arith.shrui %get3A_594, %shift_right_logical3A_596 : vector<16xi32>
    %shift_left3A_598 = arith.constant 15 : i32
    %shift_left3A_599 = vector.broadcast %shift_left3A_598 : i32 to vector<16xi32>
    %shift_left3A_600 = arith.shli %shift_right_logical3A_597, %shift_left3A_599 : vector<16xi32>
    %and3A_601 = arith.constant 8191 : i32
    %and3A_602 = vector.broadcast %and3A_601 : i32 to vector<16xi32>
    %and3A_603 = arith.andi %get3A_594, %and3A_602 : vector<16xi32>
    %shift_left3A_604 = arith.constant 2 : i32
    %shift_left3A_605 = vector.broadcast %shift_left3A_604 : i32 to vector<16xi32>
    %shift_left3A_606 = arith.shli %and3A_603, %shift_left3A_605 : vector<16xi32>
    %add3A_607 = arith.addi %shift_left3A_600, %shift_left3A_606 : vector<16xi32>
    %shift_right_logical3A_608 = arith.constant 13 : i32
    %shift_right_logical3A_609 = vector.broadcast %shift_right_logical3A_608 : i32 to vector<16xi32>
    %shift_right_logical3A_610 = arith.shrui %get3A_594, %shift_right_logical3A_609 : vector<16xi32>
    %and3A_611 = arith.constant 1 : i32
    %and3A_612 = vector.broadcast %and3A_611 : i32 to vector<16xi32>
    %and3A_613 = arith.andi %shift_right_logical3A_610, %and3A_612 : vector<16xi32>
    %shift_left3A_614 = arith.constant 1 : i32
    %shift_left3A_615 = vector.broadcast %shift_left3A_614 : i32 to vector<16xi32>
    %shift_left3A_616 = arith.shli %and3A_613, %shift_left3A_615 : vector<16xi32>
    %add3A_617 = arith.addi %add3A_607, %shift_left3A_616 : vector<16xi32>
    %add3A_618 = arith.constant 1 : i32
    %add3A_619 = vector.broadcast %add3A_618 : i32 to vector<16xi32>
    %add3A_620 = arith.addi %add3A_617, %add3A_619 : vector<16xi32>
    %swap3A_621 = arith.constant 128 : index
    %swap3A_622 = tpu.vector_load %arg8[%swap3A_621] {strides = array<i32>} : memref<512xi32, #tpu.memory_space<vmem>>, vector<16xi32>,
    %swap3A_623 = vector.shape_cast %swap3A_622 : vector<16xi32> to vector<16xi32>
    %swap3A_624 = vector.shape_cast %add3A_620 : vector<16xi32> to vector<16xi32>
    tpu.vector_store %arg8[%swap3A_621], %swap3A_624 {strides = array<i32>} : memref<512xi32, #tpu.memory_space<vmem>>, vector<16xi32>,
    %get3A_625 = arith.constant 144 : index
    %get3A_626 = tpu.vector_load %arg7[%get3A_625] {strides = array<i32>} : memref<512xi32, #tpu.memory_space<vmem>>, vector<16xi32>,
    %get3A_627 = vector.shape_cast %get3A_626 : vector<16xi32> to vector<16xi32>
    %shift_right_logical3A_628 = arith.constant 14 : i32
    %shift_right_logical3A_629 = vector.broadcast %shift_right_logical3A_628 : i32 to vector<16xi32>
    %shift_right_logical3A_630 = arith.shrui %get3A_627, %shift_right_logical3A_629 : vector<16xi32>
    %shift_left3A_631 = arith.constant 15 : i32
    %shift_left3A_632 = vector.broadcast %shift_left3A_631 : i32 to vector<16xi32>
    %shift_left3A_633 = arith.shli %shift_right_logical3A_630, %shift_left3A_632 : vector<16xi32>
    %and3A_634 = arith.constant 8191 : i32
    %and3A_635 = vector.broadcast %and3A_634 : i32 to vector<16xi32>
    %and3A_636 = arith.andi %get3A_627, %and3A_635 : vector<16xi32>
    %shift_left3A_637 = arith.constant 2 : i32
    %shift_left3A_638 = vector.broadcast %shift_left3A_637 : i32 to vector<16xi32>
    %shift_left3A_639 = arith.shli %and3A_636, %shift_left3A_638 : vector<16xi32>
    %add3A_640 = arith.addi %shift_left3A_633, %shift_left3A_639 : vector<16xi32>
    %shift_right_logical3A_641 = arith.constant 13 : i32
    %shift_right_logical3A_642 = vector.broadcast %shift_right_logical3A_641 : i32 to vector<16xi32>
    %shift_right_logical3A_643 = arith.shrui %get3A_627, %shift_right_logical3A_642 : vector<16xi32>
    %and3A_644 = arith.constant 1 : i32
    %and3A_645 = vector.broadcast %and3A_644 : i32 to vector<16xi32>
    %and3A_646 = arith.andi %shift_right_logical3A_643, %and3A_645 : vector<16xi32>
    %shift_left3A_647 = arith.constant 1 : i32
    %shift_left3A_648 = vector.broadcast %shift_left3A_647 : i32 to vector<16xi32>
    %shift_left3A_649 = arith.shli %and3A_646, %shift_left3A_648 : vector<16xi32>
    %add3A_650 = arith.addi %add3A_640, %shift_left3A_649 : vector<16xi32>
    %add3A_651 = arith.constant 0 : i32
    %add3A_652 = vector.broadcast %add3A_651 : i32 to vector<16xi32>
    %add3A_653 = arith.addi %add3A_650, %add3A_652 : vector<16xi32>
    %swap3A_654 = arith.constant 144 : index
    %swap3A_655 = tpu.vector_load %arg7[%swap3A_654] {strides = array<i32>} : memref<512xi32, #tpu.memory_space<vmem>>, vector<16xi32>,
    %swap3A_656 = vector.shape_cast %swap3A_655 : vector<16xi32> to vector<16xi32>
    %swap3A_657 = vector.shape_cast %add3A_653 : vector<16xi32> to vector<16xi32>
    tpu.vector_store %arg7[%swap3A_654], %swap3A_657 {strides = array<i32>} : memref<512xi32, #tpu.memory_space<vmem>>, vector<16xi32>,
    %get3A_658 = arith.constant 144 : index
    %get3A_659 = tpu.vector_load %arg8[%get3A_658] {strides = array<i32>} : memref<512xi32, #tpu.memory_space<vmem>>, vector<16xi32>,
    %get3A_660 = vector.shape_cast %get3A_659 : vector<16xi32> to vector<16xi32>
    %shift_right_logical3A_661 = arith.constant 14 : i32
    %shift_right_logical3A_662 = vector.broadcast %shift_right_logical3A_661 : i32 to vector<16xi32>
    %shift_right_logical3A_663 = arith.shrui %get3A_660, %shift_right_logical3A_662 : vector<16xi32>
    %shift_left3A_664 = arith.constant 15 : i32
    %shift_left3A_665 = vector.broadcast %shift_left3A_664 : i32 to vector<16xi32>
    %shift_left3A_666 = arith.shli %shift_right_logical3A_663, %shift_left3A_665 : vector<16xi32>
    %and3A_667 = arith.constant 8191 : i32
    %and3A_668 = vector.broadcast %and3A_667 : i32 to vector<16xi32>
    %and3A_669 = arith.andi %get3A_660, %and3A_668 : vector<16xi32>
    %shift_left3A_670 = arith.constant 2 : i32
    %shift_left3A_671 = vector.broadcast %shift_left3A_670 : i32 to vector<16xi32>
    %shift_left3A_672 = arith.shli %and3A_669, %shift_left3A_671 : vector<16xi32>
    %add3A_673 = arith.addi %shift_left3A_666, %shift_left3A_672 : vector<16xi32>
    %shift_right_logical3A_674 = arith.constant 13 : i32
    %shift_right_logical3A_675 = vector.broadcast %shift_right_logical3A_674 : i32 to vector<16xi32>
    %shift_right_logical3A_676 = arith.shrui %get3A_660, %shift_right_logical3A_675 : vector<16xi32>
    %and3A_677 = arith.constant 1 : i32
    %and3A_678 = vector.broadcast %and3A_677 : i32 to vector<16xi32>
    %and3A_679 = arith.andi %shift_right_logical3A_676, %and3A_678 : vector<16xi32>
    %shift_left3A_680 = arith.constant 1 : i32
    %shift_left3A_681 = vector.broadcast %shift_left3A_680 : i32 to vector<16xi32>
    %shift_left3A_682 = arith.shli %and3A_679, %shift_left3A_681 : vector<16xi32>
    %add3A_683 = arith.addi %add3A_673, %shift_left3A_682 : vector<16xi32>
    %add3A_684 = arith.constant 1 : i32
    %add3A_685 = vector.broadcast %add3A_684 : i32 to vector<16xi32>
    %add3A_686 = arith.addi %add3A_683, %add3A_685 : vector<16xi32>
    %swap3A_687 = arith.constant 144 : index
    %swap3A_688 = tpu.vector_load %arg8[%swap3A_687] {strides = array<i32>} : memref<512xi32, #tpu.memory_space<vmem>>, vector<16xi32>,
    %swap3A_689 = vector.shape_cast %swap3A_688 : vector<16xi32> to vector<16xi32>
    %swap3A_690 = vector.shape_cast %add3A_686 : vector<16xi32> to vector<16xi32>
    tpu.vector_store %arg8[%swap3A_687], %swap3A_690 {strides = array<i32>} : memref<512xi32, #tpu.memory_space<vmem>>, vector<16xi32>,
    %get3A_691 = arith.constant 160 : index
    %get3A_692 = tpu.vector_load %arg7[%get3A_691] {strides = array<i32>} : memref<512xi32, #tpu.memory_space<vmem>>, vector<16xi32>,
    %get3A_693 = vector.shape_cast %get3A_692 : vector<16xi32> to vector<16xi32>
    %shift_right_logical3A_694 = arith.constant 14 : i32
    %shift_right_logical3A_695 = vector.broadcast %shift_right_logical3A_694 : i32 to vector<16xi32>
    %shift_right_logical3A_696 = arith.shrui %get3A_693, %shift_right_logical3A_695 : vector<16xi32>
    %shift_left3A_697 = arith.constant 15 : i32
    %shift_left3A_698 = vector.broadcast %shift_left3A_697 : i32 to vector<16xi32>
    %shift_left3A_699 = arith.shli %shift_right_logical3A_696, %shift_left3A_698 : vector<16xi32>
    %and3A_700 = arith.constant 8191 : i32
    %and3A_701 = vector.broadcast %and3A_700 : i32 to vector<16xi32>
    %and3A_702 = arith.andi %get3A_693, %and3A_701 : vector<16xi32>
    %shift_left3A_703 = arith.constant 2 : i32
    %shift_left3A_704 = vector.broadcast %shift_left3A_703 : i32 to vector<16xi32>
    %shift_left3A_705 = arith.shli %and3A_702, %shift_left3A_704 : vector<16xi32>
    %add3A_706 = arith.addi %shift_left3A_699, %shift_left3A_705 : vector<16xi32>
    %shift_right_logical3A_707 = arith.constant 13 : i32
    %shift_right_logical3A_708 = vector.broadcast %shift_right_logical3A_707 : i32 to vector<16xi32>
    %shift_right_logical3A_709 = arith.shrui %get3A_693, %shift_right_logical3A_708 : vector<16xi32>
    %and3A_710 = arith.constant 1 : i32
    %and3A_711 = vector.broadcast %and3A_710 : i32 to vector<16xi32>
    %and3A_712 = arith.andi %shift_right_logical3A_709, %and3A_711 : vector<16xi32>
    %shift_left3A_713 = arith.constant 1 : i32
    %shift_left3A_714 = vector.broadcast %shift_left3A_713 : i32 to vector<16xi32>
    %shift_left3A_715 = arith.shli %and3A_712, %shift_left3A_714 : vector<16xi32>
    %add3A_716 = arith.addi %add3A_706, %shift_left3A_715 : vector<16xi32>
    %add3A_717 = arith.constant 0 : i32
    %add3A_718 = vector.broadcast %add3A_717 : i32 to vector<16xi32>
    %add3A_719 = arith.addi %add3A_716, %add3A_718 : vector<16xi32>
    %swap3A_720 = arith.constant 160 : index
    %swap3A_721 = tpu.vector_load %arg7[%swap3A_720] {strides = array<i32>} : memref<512xi32, #tpu.memory_space<vmem>>, vector<16xi32>,
    %swap3A_722 = vector.shape_cast %swap3A_721 : vector<16xi32> to vector<16xi32>
    %swap3A_723 = vector.shape_cast %add3A_719 : vector<16xi32> to vector<16xi32>
    tpu.vector_store %arg7[%swap3A_720], %swap3A_723 {strides = array<i32>} : memref<512xi32, #tpu.memory_space<vmem>>, vector<16xi32>,
    %get3A_724 = arith.constant 160 : index
    %get3A_725 = tpu.vector_load %arg8[%get3A_724] {strides = array<i32>} : memref<512xi32, #tpu.memory_space<vmem>>, vector<16xi32>,
    %get3A_726 = vector.shape_cast %get3A_725 : vector<16xi32> to vector<16xi32>
    %shift_right_logical3A_727 = arith.constant 14 : i32
    %shift_right_logical3A_728 = vector.broadcast %shift_right_logical3A_727 : i32 to vector<16xi32>
    %shift_right_logical3A_729 = arith.shrui %get3A_726, %shift_right_logical3A_728 : vector<16xi32>
    %shift_left3A_730 = arith.constant 15 : i32
    %shift_left3A_731 = vector.broadcast %shift_left3A_730 : i32 to vector<16xi32>
    %shift_left3A_732 = arith.shli %shift_right_logical3A_729, %shift_left3A_731 : vector<16xi32>
    %and3A_733 = arith.constant 8191 : i32
    %and3A_734 = vector.broadcast %and3A_733 : i32 to vector<16xi32>
    %and3A_735 = arith.andi %get3A_726, %and3A_734 : vector<16xi32>
    %shift_left3A_736 = arith.constant 2 : i32
    %shift_left3A_737 = vector.broadcast %shift_left3A_736 : i32 to vector<16xi32>
    %shift_left3A_738 = arith.shli %and3A_735, %shift_left3A_737 : vector<16xi32>
    %add3A_739 = arith.addi %shift_left3A_732, %shift_left3A_738 : vector<16xi32>
    %shift_right_logical3A_740 = arith.constant 13 : i32
    %shift_right_logical3A_741 = vector.broadcast %shift_right_logical3A_740 : i32 to vector<16xi32>
    %shift_right_logical3A_742 = arith.shrui %get3A_726, %shift_right_logical3A_741 : vector<16xi32>
    %and3A_743 = arith.constant 1 : i32
    %and3A_744 = vector.broadcast %and3A_743 : i32 to vector<16xi32>
    %and3A_745 = arith.andi %shift_right_logical3A_742, %and3A_744 : vector<16xi32>
    %shift_left3A_746 = arith.constant 1 : i32
    %shift_left3A_747 = vector.broadcast %shift_left3A_746 : i32 to vector<16xi32>
    %shift_left3A_748 = arith.shli %and3A_745, %shift_left3A_747 : vector<16xi32>
    %add3A_749 = arith.addi %add3A_739, %shift_left3A_748 : vector<16xi32>
    %add3A_750 = arith.constant 1 : i32
    %add3A_751 = vector.broadcast %add3A_750 : i32 to vector<16xi32>
    %add3A_752 = arith.addi %add3A_749, %add3A_751 : vector<16xi32>
    %swap3A_753 = arith.constant 160 : index
    %swap3A_754 = tpu.vector_load %arg8[%swap3A_753] {strides = array<i32>} : memref<512xi32, #tpu.memory_space<vmem>>, vector<16xi32>,
    %swap3A_755 = vector.shape_cast %swap3A_754 : vector<16xi32> to vector<16xi32>
    %swap3A_756 = vector.shape_cast %add3A_752 : vector<16xi32> to vector<16xi32>
    tpu.vector_store %arg8[%swap3A_753], %swap3A_756 {strides = array<i32>} : memref<512xi32, #tpu.memory_space<vmem>>, vector<16xi32>,
    %get3A_757 = arith.constant 176 : index
    %get3A_758 = tpu.vector_load %arg7[%get3A_757] {strides = array<i32>} : memref<512xi32, #tpu.memory_space<vmem>>, vector<16xi32>,
    %get3A_759 = vector.shape_cast %get3A_758 : vector<16xi32> to vector<16xi32>
    %shift_right_logical3A_760 = arith.constant 14 : i32
    %shift_right_logical3A_761 = vector.broadcast %shift_right_logical3A_760 : i32 to vector<16xi32>
    %shift_right_logical3A_762 = arith.shrui %get3A_759, %shift_right_logical3A_761 : vector<16xi32>
    %shift_left3A_763 = arith.constant 15 : i32
    %shift_left3A_764 = vector.broadcast %shift_left3A_763 : i32 to vector<16xi32>
    %shift_left3A_765 = arith.shli %shift_right_logical3A_762, %shift_left3A_764 : vector<16xi32>
    %and3A_766 = arith.constant 8191 : i32
    %and3A_767 = vector.broadcast %and3A_766 : i32 to vector<16xi32>
    %and3A_768 = arith.andi %get3A_759, %and3A_767 : vector<16xi32>
    %shift_left3A_769 = arith.constant 2 : i32
    %shift_left3A_770 = vector.broadcast %shift_left3A_769 : i32 to vector<16xi32>
    %shift_left3A_771 = arith.shli %and3A_768, %shift_left3A_770 : vector<16xi32>
    %add3A_772 = arith.addi %shift_left3A_765, %shift_left3A_771 : vector<16xi32>
    %shift_right_logical3A_773 = arith.constant 13 : i32
    %shift_right_logical3A_774 = vector.broadcast %shift_right_logical3A_773 : i32 to vector<16xi32>
    %shift_right_logical3A_775 = arith.shrui %get3A_759, %shift_right_logical3A_774 : vector<16xi32>
    %and3A_776 = arith.constant 1 : i32
    %and3A_777 = vector.broadcast %and3A_776 : i32 to vector<16xi32>
    %and3A_778 = arith.andi %shift_right_logical3A_775, %and3A_777 : vector<16xi32>
    %shift_left3A_779 = arith.constant 1 : i32
    %shift_left3A_780 = vector.broadcast %shift_left3A_779 : i32 to vector<16xi32>
    %shift_left3A_781 = arith.shli %and3A_778, %shift_left3A_780 : vector<16xi32>
    %add3A_782 = arith.addi %add3A_772, %shift_left3A_781 : vector<16xi32>
    %add3A_783 = arith.constant 0 : i32
    %add3A_784 = vector.broadcast %add3A_783 : i32 to vector<16xi32>
    %add3A_785 = arith.addi %add3A_782, %add3A_784 : vector<16xi32>
    %swap3A_786 = arith.constant 176 : index
    %swap3A_787 = tpu.vector_load %arg7[%swap3A_786] {strides = array<i32>} : memref<512xi32, #tpu.memory_space<vmem>>, vector<16xi32>,
    %swap3A_788 = vector.shape_cast %swap3A_787 : vector<16xi32> to vector<16xi32>
    %swap3A_789 = vector.shape_cast %add3A_785 : vector<16xi32> to vector<16xi32>
    tpu.vector_store %arg7[%swap3A_786], %swap3A_789 {strides = array<i32>} : memref<512xi32, #tpu.memory_space<vmem>>, vector<16xi32>,
    %get3A_790 = arith.constant 176 : index
    %get3A_791 = tpu.vector_load %arg8[%get3A_790] {strides = array<i32>} : memref<512xi32, #tpu.memory_space<vmem>>, vector<16xi32>,
    %get3A_792 = vector.shape_cast %get3A_791 : vector<16xi32> to vector<16xi32>
    %shift_right_logical3A_793 = arith.constant 14 : i32
    %shift_right_logical3A_794 = vector.broadcast %shift_right_logical3A_793 : i32 to vector<16xi32>
    %shift_right_logical3A_795 = arith.shrui %get3A_792, %shift_right_logical3A_794 : vector<16xi32>
    %shift_left3A_796 = arith.constant 15 : i32
    %shift_left3A_797 = vector.broadcast %shift_left3A_796 : i32 to vector<16xi32>
    %shift_left3A_798 = arith.shli %shift_right_logical3A_795, %shift_left3A_797 : vector<16xi32>
    %and3A_799 = arith.constant 8191 : i32
    %and3A_800 = vector.broadcast %and3A_799 : i32 to vector<16xi32>
    %and3A_801 = arith.andi %get3A_792, %and3A_800 : vector<16xi32>
    %shift_left3A_802 = arith.constant 2 : i32
    %shift_left3A_803 = vector.broadcast %shift_left3A_802 : i32 to vector<16xi32>
    %shift_left3A_804 = arith.shli %and3A_801, %shift_left3A_803 : vector<16xi32>
    %add3A_805 = arith.addi %shift_left3A_798, %shift_left3A_804 : vector<16xi32>
    %shift_right_logical3A_806 = arith.constant 13 : i32
    %shift_right_logical3A_807 = vector.broadcast %shift_right_logical3A_806 : i32 to vector<16xi32>
    %shift_right_logical3A_808 = arith.shrui %get3A_792, %shift_right_logical3A_807 : vector<16xi32>
    %and3A_809 = arith.constant 1 : i32
    %and3A_810 = vector.broadcast %and3A_809 : i32 to vector<16xi32>
    %and3A_811 = arith.andi %shift_right_logical3A_808, %and3A_810 : vector<16xi32>
    %shift_left3A_812 = arith.constant 1 : i32
    %shift_left3A_813 = vector.broadcast %shift_left3A_812 : i32 to vector<16xi32>
    %shift_left3A_814 = arith.shli %and3A_811, %shift_left3A_813 : vector<16xi32>
    %add3A_815 = arith.addi %add3A_805, %shift_left3A_814 : vector<16xi32>
    %add3A_816 = arith.constant 1 : i32
    %add3A_817 = vector.broadcast %add3A_816 : i32 to vector<16xi32>
    %add3A_818 = arith.addi %add3A_815, %add3A_817 : vector<16xi32>
    %swap3A_819 = arith.constant 176 : index
    %swap3A_820 = tpu.vector_load %arg8[%swap3A_819] {strides = array<i32>} : memref<512xi32, #tpu.memory_space<vmem>>, vector<16xi32>,
    %swap3A_821 = vector.shape_cast %swap3A_820 : vector<16xi32> to vector<16xi32>
    %swap3A_822 = vector.shape_cast %add3A_818 : vector<16xi32> to vector<16xi32>
    tpu.vector_store %arg8[%swap3A_819], %swap3A_822 {strides = array<i32>} : memref<512xi32, #tpu.memory_space<vmem>>, vector<16xi32>,
    %get3A_823 = arith.constant 192 : index
    %get3A_824 = tpu.vector_load %arg7[%get3A_823] {strides = array<i32>} : memref<512xi32, #tpu.memory_space<vmem>>, vector<16xi32>,
    %get3A_825 = vector.shape_cast %get3A_824 : vector<16xi32> to vector<16xi32>
    %shift_right_logical3A_826 = arith.constant 14 : i32
    %shift_right_logical3A_827 = vector.broadcast %shift_right_logical3A_826 : i32 to vector<16xi32>
    %shift_right_logical3A_828 = arith.shrui %get3A_825, %shift_right_logical3A_827 : vector<16xi32>
    %shift_left3A_829 = arith.constant 15 : i32
    %shift_left3A_830 = vector.broadcast %shift_left3A_829 : i32 to vector<16xi32>
    %shift_left3A_831 = arith.shli %shift_right_logical3A_828, %shift_left3A_830 : vector<16xi32>
    %and3A_832 = arith.constant 8191 : i32
    %and3A_833 = vector.broadcast %and3A_832 : i32 to vector<16xi32>
    %and3A_834 = arith.andi %get3A_825, %and3A_833 : vector<16xi32>
    %shift_left3A_835 = arith.constant 2 : i32
    %shift_left3A_836 = vector.broadcast %shift_left3A_835 : i32 to vector<16xi32>
    %shift_left3A_837 = arith.shli %and3A_834, %shift_left3A_836 : vector<16xi32>
    %add3A_838 = arith.addi %shift_left3A_831, %shift_left3A_837 : vector<16xi32>
    %shift_right_logical3A_839 = arith.constant 13 : i32
    %shift_right_logical3A_840 = vector.broadcast %shift_right_logical3A_839 : i32 to vector<16xi32>
    %shift_right_logical3A_841 = arith.shrui %get3A_825, %shift_right_logical3A_840 : vector<16xi32>
    %and3A_842 = arith.constant 1 : i32
    %and3A_843 = vector.broadcast %and3A_842 : i32 to vector<16xi32>
    %and3A_844 = arith.andi %shift_right_logical3A_841, %and3A_843 : vector<16xi32>
    %shift_left3A_845 = arith.constant 1 : i32
    %shift_left3A_846 = vector.broadcast %shift_left3A_845 : i32 to vector<16xi32>
    %shift_left3A_847 = arith.shli %and3A_844, %shift_left3A_846 : vector<16xi32>
    %add3A_848 = arith.addi %add3A_838, %shift_left3A_847 : vector<16xi32>
    %add3A_849 = arith.constant 0 : i32
    %add3A_850 = vector.broadcast %add3A_849 : i32 to vector<16xi32>
    %add3A_851 = arith.addi %add3A_848, %add3A_850 : vector<16xi32>
    %swap3A_852 = arith.constant 192 : index
    %swap3A_853 = tpu.vector_load %arg7[%swap3A_852] {strides = array<i32>} : memref<512xi32, #tpu.memory_space<vmem>>, vector<16xi32>,
    %swap3A_854 = vector.shape_cast %swap3A_853 : vector<16xi32> to vector<16xi32>
    %swap3A_855 = vector.shape_cast %add3A_851 : vector<16xi32> to vector<16xi32>
    tpu.vector_store %arg7[%swap3A_852], %swap3A_855 {strides = array<i32>} : memref<512xi32, #tpu.memory_space<vmem>>, vector<16xi32>,
    %get3A_856 = arith.constant 192 : index
    %get3A_857 = tpu.vector_load %arg8[%get3A_856] {strides = array<i32>} : memref<512xi32, #tpu.memory_space<vmem>>, vector<16xi32>,
    %get3A_858 = vector.shape_cast %get3A_857 : vector<16xi32> to vector<16xi32>
    %shift_right_logical3A_859 = arith.constant 14 : i32
    %shift_right_logical3A_860 = vector.broadcast %shift_right_logical3A_859 : i32 to vector<16xi32>
    %shift_right_logical3A_861 = arith.shrui %get3A_858, %shift_right_logical3A_860 : vector<16xi32>
    %shift_left3A_862 = arith.constant 15 : i32
    %shift_left3A_863 = vector.broadcast %shift_left3A_862 : i32 to vector<16xi32>
    %shift_left3A_864 = arith.shli %shift_right_logical3A_861, %shift_left3A_863 : vector<16xi32>
    %and3A_865 = arith.constant 8191 : i32
    %and3A_866 = vector.broadcast %and3A_865 : i32 to vector<16xi32>
    %and3A_867 = arith.andi %get3A_858, %and3A_866 : vector<16xi32>
    %shift_left3A_868 = arith.constant 2 : i32
    %shift_left3A_869 = vector.broadcast %shift_left3A_868 : i32 to vector<16xi32>
    %shift_left3A_870 = arith.shli %and3A_867, %shift_left3A_869 : vector<16xi32>
    %add3A_871 = arith.addi %shift_left3A_864, %shift_left3A_870 : vector<16xi32>
    %shift_right_logical3A_872 = arith.constant 13 : i32
    %shift_right_logical3A_873 = vector.broadcast %shift_right_logical3A_872 : i32 to vector<16xi32>
    %shift_right_logical3A_874 = arith.shrui %get3A_858, %shift_right_logical3A_873 : vector<16xi32>
    %and3A_875 = arith.constant 1 : i32
    %and3A_876 = vector.broadcast %and3A_875 : i32 to vector<16xi32>
    %and3A_877 = arith.andi %shift_right_logical3A_874, %and3A_876 : vector<16xi32>
    %shift_left3A_878 = arith.constant 1 : i32
    %shift_left3A_879 = vector.broadcast %shift_left3A_878 : i32 to vector<16xi32>
    %shift_left3A_880 = arith.shli %and3A_877, %shift_left3A_879 : vector<16xi32>
    %add3A_881 = arith.addi %add3A_871, %shift_left3A_880 : vector<16xi32>
    %add3A_882 = arith.constant 1 : i32
    %add3A_883 = vector.broadcast %add3A_882 : i32 to vector<16xi32>
    %add3A_884 = arith.addi %add3A_881, %add3A_883 : vector<16xi32>
    %swap3A_885 = arith.constant 192 : index
    %swap3A_886 = tpu.vector_load %arg8[%swap3A_885] {strides = array<i32>} : memref<512xi32, #tpu.memory_space<vmem>>, vector<16xi32>,
    %swap3A_887 = vector.shape_cast %swap3A_886 : vector<16xi32> to vector<16xi32>
    %swap3A_888 = vector.shape_cast %add3A_884 : vector<16xi32> to vector<16xi32>
    tpu.vector_store %arg8[%swap3A_885], %swap3A_888 {strides = array<i32>} : memref<512xi32, #tpu.memory_space<vmem>>, vector<16xi32>,
    %get3A_889 = arith.constant 208 : index
    %get3A_890 = tpu.vector_load %arg7[%get3A_889] {strides = array<i32>} : memref<512xi32, #tpu.memory_space<vmem>>, vector<16xi32>,
    %get3A_891 = vector.shape_cast %get3A_890 : vector<16xi32> to vector<16xi32>
    %shift_right_logical3A_892 = arith.constant 14 : i32
    %shift_right_logical3A_893 = vector.broadcast %shift_right_logical3A_892 : i32 to vector<16xi32>
    %shift_right_logical3A_894 = arith.shrui %get3A_891, %shift_right_logical3A_893 : vector<16xi32>
    %shift_left3A_895 = arith.constant 15 : i32
    %shift_left3A_896 = vector.broadcast %shift_left3A_895 : i32 to vector<16xi32>
    %shift_left3A_897 = arith.shli %shift_right_logical3A_894, %shift_left3A_896 : vector<16xi32>
    %and3A_898 = arith.constant 8191 : i32
    %and3A_899 = vector.broadcast %and3A_898 : i32 to vector<16xi32>
    %and3A_900 = arith.andi %get3A_891, %and3A_899 : vector<16xi32>
    %shift_left3A_901 = arith.constant 2 : i32
    %shift_left3A_902 = vector.broadcast %shift_left3A_901 : i32 to vector<16xi32>
    %shift_left3A_903 = arith.shli %and3A_900, %shift_left3A_902 : vector<16xi32>
    %add3A_904 = arith.addi %shift_left3A_897, %shift_left3A_903 : vector<16xi32>
    %shift_right_logical3A_905 = arith.constant 13 : i32
    %shift_right_logical3A_906 = vector.broadcast %shift_right_logical3A_905 : i32 to vector<16xi32>
    %shift_right_logical3A_907 = arith.shrui %get3A_891, %shift_right_logical3A_906 : vector<16xi32>
    %and3A_908 = arith.constant 1 : i32
    %and3A_909 = vector.broadcast %and3A_908 : i32 to vector<16xi32>
    %and3A_910 = arith.andi %shift_right_logical3A_907, %and3A_909 : vector<16xi32>
    %shift_left3A_911 = arith.constant 1 : i32
    %shift_left3A_912 = vector.broadcast %shift_left3A_911 : i32 to vector<16xi32>
    %shift_left3A_913 = arith.shli %and3A_910, %shift_left3A_912 : vector<16xi32>
    %add3A_914 = arith.addi %add3A_904, %shift_left3A_913 : vector<16xi32>
    %add3A_915 = arith.constant 0 : i32
    %add3A_916 = vector.broadcast %add3A_915 : i32 to vector<16xi32>
    %add3A_917 = arith.addi %add3A_914, %add3A_916 : vector<16xi32>
    %swap3A_918 = arith.constant 208 : index
    %swap3A_919 = tpu.vector_load %arg7[%swap3A_918] {strides = array<i32>} : memref<512xi32, #tpu.memory_space<vmem>>, vector<16xi32>,
    %swap3A_920 = vector.shape_cast %swap3A_919 : vector<16xi32> to vector<16xi32>
    %swap3A_921 = vector.shape_cast %add3A_917 : vector<16xi32> to vector<16xi32>
    tpu.vector_store %arg7[%swap3A_918], %swap3A_921 {strides = array<i32>} : memref<512xi32, #tpu.memory_space<vmem>>, vector<16xi32>,
    %get3A_922 = arith.constant 208 : index
    %get3A_923 = tpu.vector_load %arg8[%get3A_922] {strides = array<i32>} : memref<512xi32, #tpu.memory_space<vmem>>, vector<16xi32>,
    %get3A_924 = vector.shape_cast %get3A_923 : vector<16xi32> to vector<16xi32>
    %shift_right_logical3A_925 = arith.constant 14 : i32
    %shift_right_logical3A_926 = vector.broadcast %shift_right_logical3A_925 : i32 to vector<16xi32>
    %shift_right_logical3A_927 = arith.shrui %get3A_924, %shift_right_logical3A_926 : vector<16xi32>
    %shift_left3A_928 = arith.constant 15 : i32
    %shift_left3A_929 = vector.broadcast %shift_left3A_928 : i32 to vector<16xi32>
    %shift_left3A_930 = arith.shli %shift_right_logical3A_927, %shift_left3A_929 : vector<16xi32>
    %and3A_931 = arith.constant 8191 : i32
    %and3A_932 = vector.broadcast %and3A_931 : i32 to vector<16xi32>
    %and3A_933 = arith.andi %get3A_924, %and3A_932 : vector<16xi32>
    %shift_left3A_934 = arith.constant 2 : i32
    %shift_left3A_935 = vector.broadcast %shift_left3A_934 : i32 to vector<16xi32>
    %shift_left3A_936 = arith.shli %and3A_933, %shift_left3A_935 : vector<16xi32>
    %add3A_937 = arith.addi %shift_left3A_930, %shift_left3A_936 : vector<16xi32>
    %shift_right_logical3A_938 = arith.constant 13 : i32
    %shift_right_logical3A_939 = vector.broadcast %shift_right_logical3A_938 : i32 to vector<16xi32>
    %shift_right_logical3A_940 = arith.shrui %get3A_924, %shift_right_logical3A_939 : vector<16xi32>
    %and3A_941 = arith.constant 1 : i32
    %and3A_942 = vector.broadcast %and3A_941 : i32 to vector<16xi32>
    %and3A_943 = arith.andi %shift_right_logical3A_940, %and3A_942 : vector<16xi32>
    %shift_left3A_944 = arith.constant 1 : i32
    %shift_left3A_945 = vector.broadcast %shift_left3A_944 : i32 to vector<16xi32>
    %shift_left3A_946 = arith.shli %and3A_943, %shift_left3A_945 : vector<16xi32>
    %add3A_947 = arith.addi %add3A_937, %shift_left3A_946 : vector<16xi32>
    %add3A_948 = arith.constant 1 : i32
    %add3A_949 = vector.broadcast %add3A_948 : i32 to vector<16xi32>
    %add3A_950 = arith.addi %add3A_947, %add3A_949 : vector<16xi32>
    %swap3A_951 = arith.constant 208 : index
    %swap3A_952 = tpu.vector_load %arg8[%swap3A_951] {strides = array<i32>} : memref<512xi32, #tpu.memory_space<vmem>>, vector<16xi32>,
    %swap3A_953 = vector.shape_cast %swap3A_952 : vector<16xi32> to vector<16xi32>
    %swap3A_954 = vector.shape_cast %add3A_950 : vector<16xi32> to vector<16xi32>
    tpu.vector_store %arg8[%swap3A_951], %swap3A_954 {strides = array<i32>} : memref<512xi32, #tpu.memory_space<vmem>>, vector<16xi32>,
    %get3A_955 = arith.constant 224 : index
    %get3A_956 = tpu.vector_load %arg7[%get3A_955] {strides = array<i32>} : memref<512xi32, #tpu.memory_space<vmem>>, vector<16xi32>,
    %get3A_957 = vector.shape_cast %get3A_956 : vector<16xi32> to vector<16xi32>
    %shift_right_logical3A_958 = arith.constant 14 : i32
    %shift_right_logical3A_959 = vector.broadcast %shift_right_logical3A_958 : i32 to vector<16xi32>
    %shift_right_logical3A_960 = arith.shrui %get3A_957, %shift_right_logical3A_959 : vector<16xi32>
    %shift_left3A_961 = arith.constant 15 : i32
    %shift_left3A_962 = vector.broadcast %shift_left3A_961 : i32 to vector<16xi32>
    %shift_left3A_963 = arith.shli %shift_right_logical3A_960, %shift_left3A_962 : vector<16xi32>
    %and3A_964 = arith.constant 8191 : i32
    %and3A_965 = vector.broadcast %and3A_964 : i32 to vector<16xi32>
    %and3A_966 = arith.andi %get3A_957, %and3A_965 : vector<16xi32>
    %shift_left3A_967 = arith.constant 2 : i32
    %shift_left3A_968 = vector.broadcast %shift_left3A_967 : i32 to vector<16xi32>
    %shift_left3A_969 = arith.shli %and3A_966, %shift_left3A_968 : vector<16xi32>
    %add3A_970 = arith.addi %shift_left3A_963, %shift_left3A_969 : vector<16xi32>
    %shift_right_logical3A_971 = arith.constant 13 : i32
    %shift_right_logical3A_972 = vector.broadcast %shift_right_logical3A_971 : i32 to vector<16xi32>
    %shift_right_logical3A_973 = arith.shrui %get3A_957, %shift_right_logical3A_972 : vector<16xi32>
    %and3A_974 = arith.constant 1 : i32
    %and3A_975 = vector.broadcast %and3A_974 : i32 to vector<16xi32>
    %and3A_976 = arith.andi %shift_right_logical3A_973, %and3A_975 : vector<16xi32>
    %shift_left3A_977 = arith.constant 1 : i32
    %shift_left3A_978 = vector.broadcast %shift_left3A_977 : i32 to vector<16xi32>
    %shift_left3A_979 = arith.shli %and3A_976, %shift_left3A_978 : vector<16xi32>
    %add3A_980 = arith.addi %add3A_970, %shift_left3A_979 : vector<16xi32>
    %add3A_981 = arith.constant 0 : i32
    %add3A_982 = vector.broadcast %add3A_981 : i32 to vector<16xi32>
    %add3A_983 = arith.addi %add3A_980, %add3A_982 : vector<16xi32>
    %swap3A_984 = arith.constant 224 : index
    %swap3A_985 = tpu.vector_load %arg7[%swap3A_984] {strides = array<i32>} : memref<512xi32, #tpu.memory_space<vmem>>, vector<16xi32>,
    %swap3A_986 = vector.shape_cast %swap3A_985 : vector<16xi32> to vector<16xi32>
    %swap3A_987 = vector.shape_cast %add3A_983 : vector<16xi32> to vector<16xi32>
    tpu.vector_store %arg7[%swap3A_984], %swap3A_987 {strides = array<i32>} : memref<512xi32, #tpu.memory_space<vmem>>, vector<16xi32>,
    %get3A_988 = arith.constant 224 : index
    %get3A_989 = tpu.vector_load %arg8[%get3A_988] {strides = array<i32>} : memref<512xi32, #tpu.memory_space<vmem>>, vector<16xi32>,
    %get3A_990 = vector.shape_cast %get3A_989 : vector<16xi32> to vector<16xi32>
    %shift_right_logical3A_991 = arith.constant 14 : i32
    %shift_right_logical3A_992 = vector.broadcast %shift_right_logical3A_991 : i32 to vector<16xi32>
    %shift_right_logical3A_993 = arith.shrui %get3A_990, %shift_right_logical3A_992 : vector<16xi32>
    %shift_left3A_994 = arith.constant 15 : i32
    %shift_left3A_995 = vector.broadcast %shift_left3A_994 : i32 to vector<16xi32>
    %shift_left3A_996 = arith.shli %shift_right_logical3A_993, %shift_left3A_995 : vector<16xi32>
    %and3A_997 = arith.constant 8191 : i32
    %and3A_998 = vector.broadcast %and3A_997 : i32 to vector<16xi32>
    %and3A_999 = arith.andi %get3A_990, %and3A_998 : vector<16xi32>
    %shift_left3A_1000 = arith.constant 2 : i32
    %shift_left3A_1001 = vector.broadcast %shift_left3A_1000 : i32 to vector<16xi32>
    %shift_left3A_1002 = arith.shli %and3A_999, %shift_left3A_1001 : vector<16xi32>
    %add3A_1003 = arith.addi %shift_left3A_996, %shift_left3A_1002 : vector<16xi32>
    %shift_right_logical3A_1004 = arith.constant 13 : i32
    %shift_right_logical3A_1005 = vector.broadcast %shift_right_logical3A_1004 : i32 to vector<16xi32>
    %shift_right_logical3A_1006 = arith.shrui %get3A_990, %shift_right_logical3A_1005 : vector<16xi32>
    %and3A_1007 = arith.constant 1 : i32
    %and3A_1008 = vector.broadcast %and3A_1007 : i32 to vector<16xi32>
    %and3A_1009 = arith.andi %shift_right_logical3A_1006, %and3A_1008 : vector<16xi32>
    %shift_left3A_1010 = arith.constant 1 : i32
    %shift_left3A_1011 = vector.broadcast %shift_left3A_1010 : i32 to vector<16xi32>
    %shift_left3A_1012 = arith.shli %and3A_1009, %shift_left3A_1011 : vector<16xi32>
    %add3A_1013 = arith.addi %add3A_1003, %shift_left3A_1012 : vector<16xi32>
    %add3A_1014 = arith.constant 1 : i32
    %add3A_1015 = vector.broadcast %add3A_1014 : i32 to vector<16xi32>
    %add3A_1016 = arith.addi %add3A_1013, %add3A_1015 : vector<16xi32>
    %swap3A_1017 = arith.constant 224 : index
    %swap3A_1018 = tpu.vector_load %arg8[%swap3A_1017] {strides = array<i32>} : memref<512xi32, #tpu.memory_space<vmem>>, vector<16xi32>,
    %swap3A_1019 = vector.shape_cast %swap3A_1018 : vector<16xi32> to vector<16xi32>
    %swap3A_1020 = vector.shape_cast %add3A_1016 : vector<16xi32> to vector<16xi32>
    tpu.vector_store %arg8[%swap3A_1017], %swap3A_1020 {strides = array<i32>} : memref<512xi32, #tpu.memory_space<vmem>>, vector<16xi32>,
    %get3A_1021 = arith.constant 240 : index
    %get3A_1022 = tpu.vector_load %arg7[%get3A_1021] {strides = array<i32>} : memref<512xi32, #tpu.memory_space<vmem>>, vector<16xi32>,
    %get3A_1023 = vector.shape_cast %get3A_1022 : vector<16xi32> to vector<16xi32>
    %shift_right_logical3A_1024 = arith.constant 14 : i32
    %shift_right_logical3A_1025 = vector.broadcast %shift_right_logical3A_1024 : i32 to vector<16xi32>
    %shift_right_logical3A_1026 = arith.shrui %get3A_1023, %shift_right_logical3A_1025 : vector<16xi32>
    %shift_left3A_1027 = arith.constant 15 : i32
    %shift_left3A_1028 = vector.broadcast %shift_left3A_1027 : i32 to vector<16xi32>
    %shift_left3A_1029 = arith.shli %shift_right_logical3A_1026, %shift_left3A_1028 : vector<16xi32>
    %and3A_1030 = arith.constant 8191 : i32
    %and3A_1031 = vector.broadcast %and3A_1030 : i32 to vector<16xi32>
    %and3A_1032 = arith.andi %get3A_1023, %and3A_1031 : vector<16xi32>
    %shift_left3A_1033 = arith.constant 2 : i32
    %shift_left3A_1034 = vector.broadcast %shift_left3A_1033 : i32 to vector<16xi32>
    %shift_left3A_1035 = arith.shli %and3A_1032, %shift_left3A_1034 : vector<16xi32>
    %add3A_1036 = arith.addi %shift_left3A_1029, %shift_left3A_1035 : vector<16xi32>
    %shift_right_logical3A_1037 = arith.constant 13 : i32
    %shift_right_logical3A_1038 = vector.broadcast %shift_right_logical3A_1037 : i32 to vector<16xi32>
    %shift_right_logical3A_1039 = arith.shrui %get3A_1023, %shift_right_logical3A_1038 : vector<16xi32>
    %and3A_1040 = arith.constant 1 : i32
    %and3A_1041 = vector.broadcast %and3A_1040 : i32 to vector<16xi32>
    %and3A_1042 = arith.andi %shift_right_logical3A_1039, %and3A_1041 : vector<16xi32>
    %shift_left3A_1043 = arith.constant 1 : i32
    %shift_left3A_1044 = vector.broadcast %shift_left3A_1043 : i32 to vector<16xi32>
    %shift_left3A_1045 = arith.shli %and3A_1042, %shift_left3A_1044 : vector<16xi32>
    %add3A_1046 = arith.addi %add3A_1036, %shift_left3A_1045 : vector<16xi32>
    %add3A_1047 = arith.constant 0 : i32
    %add3A_1048 = vector.broadcast %add3A_1047 : i32 to vector<16xi32>
    %add3A_1049 = arith.addi %add3A_1046, %add3A_1048 : vector<16xi32>
    %swap3A_1050 = arith.constant 240 : index
    %swap3A_1051 = tpu.vector_load %arg7[%swap3A_1050] {strides = array<i32>} : memref<512xi32, #tpu.memory_space<vmem>>, vector<16xi32>,
    %swap3A_1052 = vector.shape_cast %swap3A_1051 : vector<16xi32> to vector<16xi32>
    %swap3A_1053 = vector.shape_cast %add3A_1049 : vector<16xi32> to vector<16xi32>
    tpu.vector_store %arg7[%swap3A_1050], %swap3A_1053 {strides = array<i32>} : memref<512xi32, #tpu.memory_space<vmem>>, vector<16xi32>,
    %get3A_1054 = arith.constant 240 : index
    %get3A_1055 = tpu.vector_load %arg8[%get3A_1054] {strides = array<i32>} : memref<512xi32, #tpu.memory_space<vmem>>, vector<16xi32>,
    %get3A_1056 = vector.shape_cast %get3A_1055 : vector<16xi32> to vector<16xi32>
    %shift_right_logical3A_1057 = arith.constant 14 : i32
    %shift_right_logical3A_1058 = vector.broadcast %shift_right_logical3A_1057 : i32 to vector<16xi32>
    %shift_right_logical3A_1059 = arith.shrui %get3A_1056, %shift_right_logical3A_1058 : vector<16xi32>
    %shift_left3A_1060 = arith.constant 15 : i32
    %shift_left3A_1061 = vector.broadcast %shift_left3A_1060 : i32 to vector<16xi32>
    %shift_left3A_1062 = arith.shli %shift_right_logical3A_1059, %shift_left3A_1061 : vector<16xi32>
    %and3A_1063 = arith.constant 8191 : i32
    %and3A_1064 = vector.broadcast %and3A_1063 : i32 to vector<16xi32>
    %and3A_1065 = arith.andi %get3A_1056, %and3A_1064 : vector<16xi32>
    %shift_left3A_1066 = arith.constant 2 : i32
    %shift_left3A_1067 = vector.broadcast %shift_left3A_1066 : i32 to vector<16xi32>
    %shift_left3A_1068 = arith.shli %and3A_1065, %shift_left3A_1067 : vector<16xi32>
    %add3A_1069 = arith.addi %shift_left3A_1062, %shift_left3A_1068 : vector<16xi32>
    %shift_right_logical3A_1070 = arith.constant 13 : i32
    %shift_right_logical3A_1071 = vector.broadcast %shift_right_logical3A_1070 : i32 to vector<16xi32>
    %shift_right_logical3A_1072 = arith.shrui %get3A_1056, %shift_right_logical3A_1071 : vector<16xi32>
    %and3A_1073 = arith.constant 1 : i32
    %and3A_1074 = vector.broadcast %and3A_1073 : i32 to vector<16xi32>
    %and3A_1075 = arith.andi %shift_right_logical3A_1072, %and3A_1074 : vector<16xi32>
    %shift_left3A_1076 = arith.constant 1 : i32
    %shift_left3A_1077 = vector.broadcast %shift_left3A_1076 : i32 to vector<16xi32>
    %shift_left3A_1078 = arith.shli %and3A_1075, %shift_left3A_1077 : vector<16xi32>
    %add3A_1079 = arith.addi %add3A_1069, %shift_left3A_1078 : vector<16xi32>
    %add3A_1080 = arith.constant 1 : i32
    %add3A_1081 = vector.broadcast %add3A_1080 : i32 to vector<16xi32>
    %add3A_1082 = arith.addi %add3A_1079, %add3A_1081 : vector<16xi32>
    %swap3A_1083 = arith.constant 240 : index
    %swap3A_1084 = tpu.vector_load %arg8[%swap3A_1083] {strides = array<i32>} : memref<512xi32, #tpu.memory_space<vmem>>, vector<16xi32>,
    %swap3A_1085 = vector.shape_cast %swap3A_1084 : vector<16xi32> to vector<16xi32>
    %swap3A_1086 = vector.shape_cast %add3A_1082 : vector<16xi32> to vector<16xi32>
    tpu.vector_store %arg8[%swap3A_1083], %swap3A_1086 {strides = array<i32>} : memref<512xi32, #tpu.memory_space<vmem>>, vector<16xi32>,
    %get3A_1087 = arith.constant 256 : index
    %get3A_1088 = tpu.vector_load %arg7[%get3A_1087] {strides = array<i32>} : memref<512xi32, #tpu.memory_space<vmem>>, vector<16xi32>,
    %get3A_1089 = vector.shape_cast %get3A_1088 : vector<16xi32> to vector<16xi32>
    %shift_right_logical3A_1090 = arith.constant 14 : i32
    %shift_right_logical3A_1091 = vector.broadcast %shift_right_logical3A_1090 : i32 to vector<16xi32>
    %shift_right_logical3A_1092 = arith.shrui %get3A_1089, %shift_right_logical3A_1091 : vector<16xi32>
    %shift_left3A_1093 = arith.constant 15 : i32
    %shift_left3A_1094 = vector.broadcast %shift_left3A_1093 : i32 to vector<16xi32>
    %shift_left3A_1095 = arith.shli %shift_right_logical3A_1092, %shift_left3A_1094 : vector<16xi32>
    %and3A_1096 = arith.constant 8191 : i32
    %and3A_1097 = vector.broadcast %and3A_1096 : i32 to vector<16xi32>
    %and3A_1098 = arith.andi %get3A_1089, %and3A_1097 : vector<16xi32>
    %shift_left3A_1099 = arith.constant 2 : i32
    %shift_left3A_1100 = vector.broadcast %shift_left3A_1099 : i32 to vector<16xi32>
    %shift_left3A_1101 = arith.shli %and3A_1098, %shift_left3A_1100 : vector<16xi32>
    %add3A_1102 = arith.addi %shift_left3A_1095, %shift_left3A_1101 : vector<16xi32>
    %shift_right_logical3A_1103 = arith.constant 13 : i32
    %shift_right_logical3A_1104 = vector.broadcast %shift_right_logical3A_1103 : i32 to vector<16xi32>
    %shift_right_logical3A_1105 = arith.shrui %get3A_1089, %shift_right_logical3A_1104 : vector<16xi32>
    %and3A_1106 = arith.constant 1 : i32
    %and3A_1107 = vector.broadcast %and3A_1106 : i32 to vector<16xi32>
    %and3A_1108 = arith.andi %shift_right_logical3A_1105, %and3A_1107 : vector<16xi32>
    %shift_left3A_1109 = arith.constant 1 : i32
    %shift_left3A_1110 = vector.broadcast %shift_left3A_1109 : i32 to vector<16xi32>
    %shift_left3A_1111 = arith.shli %and3A_1108, %shift_left3A_1110 : vector<16xi32>
    %add3A_1112 = arith.addi %add3A_1102, %shift_left3A_1111 : vector<16xi32>
    %add3A_1113 = arith.constant 0 : i32
    %add3A_1114 = vector.broadcast %add3A_1113 : i32 to vector<16xi32>
    %add3A_1115 = arith.addi %add3A_1112, %add3A_1114 : vector<16xi32>
    %swap3A_1116 = arith.constant 256 : index
    %swap3A_1117 = tpu.vector_load %arg7[%swap3A_1116] {strides = array<i32>} : memref<512xi32, #tpu.memory_space<vmem>>, vector<16xi32>,
    %swap3A_1118 = vector.shape_cast %swap3A_1117 : vector<16xi32> to vector<16xi32>
    %swap3A_1119 = vector.shape_cast %add3A_1115 : vector<16xi32> to vector<16xi32>
    tpu.vector_store %arg7[%swap3A_1116], %swap3A_1119 {strides = array<i32>} : memref<512xi32, #tpu.memory_space<vmem>>, vector<16xi32>,
    %get3A_1120 = arith.constant 256 : index
    %get3A_1121 = tpu.vector_load %arg8[%get3A_1120] {strides = array<i32>} : memref<512xi32, #tpu.memory_space<vmem>>, vector<16xi32>,
    %get3A_1122 = vector.shape_cast %get3A_1121 : vector<16xi32> to vector<16xi32>
    %shift_right_logical3A_1123 = arith.constant 14 : i32
    %shift_right_logical3A_1124 = vector.broadcast %shift_right_logical3A_1123 : i32 to vector<16xi32>
    %shift_right_logical3A_1125 = arith.shrui %get3A_1122, %shift_right_logical3A_1124 : vector<16xi32>
    %shift_left3A_1126 = arith.constant 15 : i32
    %shift_left3A_1127 = vector.broadcast %shift_left3A_1126 : i32 to vector<16xi32>
    %shift_left3A_1128 = arith.shli %shift_right_logical3A_1125, %shift_left3A_1127 : vector<16xi32>
    %and3A_1129 = arith.constant 8191 : i32
    %and3A_1130 = vector.broadcast %and3A_1129 : i32 to vector<16xi32>
    %and3A_1131 = arith.andi %get3A_1122, %and3A_1130 : vector<16xi32>
    %shift_left3A_1132 = arith.constant 2 : i32
    %shift_left3A_1133 = vector.broadcast %shift_left3A_1132 : i32 to vector<16xi32>
    %shift_left3A_1134 = arith.shli %and3A_1131, %shift_left3A_1133 : vector<16xi32>
    %add3A_1135 = arith.addi %shift_left3A_1128, %shift_left3A_1134 : vector<16xi32>
    %shift_right_logical3A_1136 = arith.constant 13 : i32
    %shift_right_logical3A_1137 = vector.broadcast %shift_right_logical3A_1136 : i32 to vector<16xi32>
    %shift_right_logical3A_1138 = arith.shrui %get3A_1122, %shift_right_logical3A_1137 : vector<16xi32>
    %and3A_1139 = arith.constant 1 : i32
    %and3A_1140 = vector.broadcast %and3A_1139 : i32 to vector<16xi32>
    %and3A_1141 = arith.andi %shift_right_logical3A_1138, %and3A_1140 : vector<16xi32>
    %shift_left3A_1142 = arith.constant 1 : i32
    %shift_left3A_1143 = vector.broadcast %shift_left3A_1142 : i32 to vector<16xi32>
    %shift_left3A_1144 = arith.shli %and3A_1141, %shift_left3A_1143 : vector<16xi32>
    %add3A_1145 = arith.addi %add3A_1135, %shift_left3A_1144 : vector<16xi32>
    %add3A_1146 = arith.constant 1 : i32
    %add3A_1147 = vector.broadcast %add3A_1146 : i32 to vector<16xi32>
    %add3A_1148 = arith.addi %add3A_1145, %add3A_1147 : vector<16xi32>
    %swap3A_1149 = arith.constant 256 : index
    %swap3A_1150 = tpu.vector_load %arg8[%swap3A_1149] {strides = array<i32>} : memref<512xi32, #tpu.memory_space<vmem>>, vector<16xi32>,
    %swap3A_1151 = vector.shape_cast %swap3A_1150 : vector<16xi32> to vector<16xi32>
    %swap3A_1152 = vector.shape_cast %add3A_1148 : vector<16xi32> to vector<16xi32>
    tpu.vector_store %arg8[%swap3A_1149], %swap3A_1152 {strides = array<i32>} : memref<512xi32, #tpu.memory_space<vmem>>, vector<16xi32>,
    %get3A_1153 = arith.constant 272 : index
    %get3A_1154 = tpu.vector_load %arg7[%get3A_1153] {strides = array<i32>} : memref<512xi32, #tpu.memory_space<vmem>>, vector<16xi32>,
    %get3A_1155 = vector.shape_cast %get3A_1154 : vector<16xi32> to vector<16xi32>
    %shift_right_logical3A_1156 = arith.constant 14 : i32
    %shift_right_logical3A_1157 = vector.broadcast %shift_right_logical3A_1156 : i32 to vector<16xi32>
    %shift_right_logical3A_1158 = arith.shrui %get3A_1155, %shift_right_logical3A_1157 : vector<16xi32>
    %shift_left3A_1159 = arith.constant 15 : i32
    %shift_left3A_1160 = vector.broadcast %shift_left3A_1159 : i32 to vector<16xi32>
    %shift_left3A_1161 = arith.shli %shift_right_logical3A_1158, %shift_left3A_1160 : vector<16xi32>
    %and3A_1162 = arith.constant 8191 : i32
    %and3A_1163 = vector.broadcast %and3A_1162 : i32 to vector<16xi32>
    %and3A_1164 = arith.andi %get3A_1155, %and3A_1163 : vector<16xi32>
    %shift_left3A_1165 = arith.constant 2 : i32
    %shift_left3A_1166 = vector.broadcast %shift_left3A_1165 : i32 to vector<16xi32>
    %shift_left3A_1167 = arith.shli %and3A_1164, %shift_left3A_1166 : vector<16xi32>
    %add3A_1168 = arith.addi %shift_left3A_1161, %shift_left3A_1167 : vector<16xi32>
    %shift_right_logical3A_1169 = arith.constant 13 : i32
    %shift_right_logical3A_1170 = vector.broadcast %shift_right_logical3A_1169 : i32 to vector<16xi32>
    %shift_right_logical3A_1171 = arith.shrui %get3A_1155, %shift_right_logical3A_1170 : vector<16xi32>
    %and3A_1172 = arith.constant 1 : i32
    %and3A_1173 = vector.broadcast %and3A_1172 : i32 to vector<16xi32>
    %and3A_1174 = arith.andi %shift_right_logical3A_1171, %and3A_1173 : vector<16xi32>
    %shift_left3A_1175 = arith.constant 1 : i32
    %shift_left3A_1176 = vector.broadcast %shift_left3A_1175 : i32 to vector<16xi32>
    %shift_left3A_1177 = arith.shli %and3A_1174, %shift_left3A_1176 : vector<16xi32>
    %add3A_1178 = arith.addi %add3A_1168, %shift_left3A_1177 : vector<16xi32>
    %add3A_1179 = arith.constant 0 : i32
    %add3A_1180 = vector.broadcast %add3A_1179 : i32 to vector<16xi32>
    %add3A_1181 = arith.addi %add3A_1178, %add3A_1180 : vector<16xi32>
    %swap3A_1182 = arith.constant 272 : index
    %swap3A_1183 = tpu.vector_load %arg7[%swap3A_1182] {strides = array<i32>} : memref<512xi32, #tpu.memory_space<vmem>>, vector<16xi32>,
    %swap3A_1184 = vector.shape_cast %swap3A_1183 : vector<16xi32> to vector<16xi32>
    %swap3A_1185 = vector.shape_cast %add3A_1181 : vector<16xi32> to vector<16xi32>
    tpu.vector_store %arg7[%swap3A_1182], %swap3A_1185 {strides = array<i32>} : memref<512xi32, #tpu.memory_space<vmem>>, vector<16xi32>,
    %get3A_1186 = arith.constant 272 : index
    %get3A_1187 = tpu.vector_load %arg8[%get3A_1186] {strides = array<i32>} : memref<512xi32, #tpu.memory_space<vmem>>, vector<16xi32>,
    %get3A_1188 = vector.shape_cast %get3A_1187 : vector<16xi32> to vector<16xi32>
    %shift_right_logical3A_1189 = arith.constant 14 : i32
    %shift_right_logical3A_1190 = vector.broadcast %shift_right_logical3A_1189 : i32 to vector<16xi32>
    %shift_right_logical3A_1191 = arith.shrui %get3A_1188, %shift_right_logical3A_1190 : vector<16xi32>
    %shift_left3A_1192 = arith.constant 15 : i32
    %shift_left3A_1193 = vector.broadcast %shift_left3A_1192 : i32 to vector<16xi32>
    %shift_left3A_1194 = arith.shli %shift_right_logical3A_1191, %shift_left3A_1193 : vector<16xi32>
    %and3A_1195 = arith.constant 8191 : i32
    %and3A_1196 = vector.broadcast %and3A_1195 : i32 to vector<16xi32>
    %and3A_1197 = arith.andi %get3A_1188, %and3A_1196 : vector<16xi32>
    %shift_left3A_1198 = arith.constant 2 : i32
    %shift_left3A_1199 = vector.broadcast %shift_left3A_1198 : i32 to vector<16xi32>
    %shift_left3A_1200 = arith.shli %and3A_1197, %shift_left3A_1199 : vector<16xi32>
    %add3A_1201 = arith.addi %shift_left3A_1194, %shift_left3A_1200 : vector<16xi32>
    %shift_right_logical3A_1202 = arith.constant 13 : i32
    %shift_right_logical3A_1203 = vector.broadcast %shift_right_logical3A_1202 : i32 to vector<16xi32>
    %shift_right_logical3A_1204 = arith.shrui %get3A_1188, %shift_right_logical3A_1203 : vector<16xi32>
    %and3A_1205 = arith.constant 1 : i32
    %and3A_1206 = vector.broadcast %and3A_1205 : i32 to vector<16xi32>
    %and3A_1207 = arith.andi %shift_right_logical3A_1204, %and3A_1206 : vector<16xi32>
    %shift_left3A_1208 = arith.constant 1 : i32
    %shift_left3A_1209 = vector.broadcast %shift_left3A_1208 : i32 to vector<16xi32>
    %shift_left3A_1210 = arith.shli %and3A_1207, %shift_left3A_1209 : vector<16xi32>
    %add3A_1211 = arith.addi %add3A_1201, %shift_left3A_1210 : vector<16xi32>
    %add3A_1212 = arith.constant 1 : i32
    %add3A_1213 = vector.broadcast %add3A_1212 : i32 to vector<16xi32>
    %add3A_1214 = arith.addi %add3A_1211, %add3A_1213 : vector<16xi32>
    %swap3A_1215 = arith.constant 272 : index
    %swap3A_1216 = tpu.vector_load %arg8[%swap3A_1215] {strides = array<i32>} : memref<512xi32, #tpu.memory_space<vmem>>, vector<16xi32>,
    %swap3A_1217 = vector.shape_cast %swap3A_1216 : vector<16xi32> to vector<16xi32>
    %swap3A_1218 = vector.shape_cast %add3A_1214 : vector<16xi32> to vector<16xi32>
    tpu.vector_store %arg8[%swap3A_1215], %swap3A_1218 {strides = array<i32>} : memref<512xi32, #tpu.memory_space<vmem>>, vector<16xi32>,
    %get3A_1219 = arith.constant 288 : index
    %get3A_1220 = tpu.vector_load %arg7[%get3A_1219] {strides = array<i32>} : memref<512xi32, #tpu.memory_space<vmem>>, vector<16xi32>,
    %get3A_1221 = vector.shape_cast %get3A_1220 : vector<16xi32> to vector<16xi32>
    %shift_right_logical3A_1222 = arith.constant 14 : i32
    %shift_right_logical3A_1223 = vector.broadcast %shift_right_logical3A_1222 : i32 to vector<16xi32>
    %shift_right_logical3A_1224 = arith.shrui %get3A_1221, %shift_right_logical3A_1223 : vector<16xi32>
    %shift_left3A_1225 = arith.constant 15 : i32
    %shift_left3A_1226 = vector.broadcast %shift_left3A_1225 : i32 to vector<16xi32>
    %shift_left3A_1227 = arith.shli %shift_right_logical3A_1224, %shift_left3A_1226 : vector<16xi32>
    %and3A_1228 = arith.constant 8191 : i32
    %and3A_1229 = vector.broadcast %and3A_1228 : i32 to vector<16xi32>
    %and3A_1230 = arith.andi %get3A_1221, %and3A_1229 : vector<16xi32>
    %shift_left3A_1231 = arith.constant 2 : i32
    %shift_left3A_1232 = vector.broadcast %shift_left3A_1231 : i32 to vector<16xi32>
    %shift_left3A_1233 = arith.shli %and3A_1230, %shift_left3A_1232 : vector<16xi32>
    %add3A_1234 = arith.addi %shift_left3A_1227, %shift_left3A_1233 : vector<16xi32>
    %shift_right_logical3A_1235 = arith.constant 13 : i32
    %shift_right_logical3A_1236 = vector.broadcast %shift_right_logical3A_1235 : i32 to vector<16xi32>
    %shift_right_logical3A_1237 = arith.shrui %get3A_1221, %shift_right_logical3A_1236 : vector<16xi32>
    %and3A_1238 = arith.constant 1 : i32
    %and3A_1239 = vector.broadcast %and3A_1238 : i32 to vector<16xi32>
    %and3A_1240 = arith.andi %shift_right_logical3A_1237, %and3A_1239 : vector<16xi32>
    %shift_left3A_1241 = arith.constant 1 : i32
    %shift_left3A_1242 = vector.broadcast %shift_left3A_1241 : i32 to vector<16xi32>
    %shift_left3A_1243 = arith.shli %and3A_1240, %shift_left3A_1242 : vector<16xi32>
    %add3A_1244 = arith.addi %add3A_1234, %shift_left3A_1243 : vector<16xi32>
    %add3A_1245 = arith.constant 0 : i32
    %add3A_1246 = vector.broadcast %add3A_1245 : i32 to vector<16xi32>
    %add3A_1247 = arith.addi %add3A_1244, %add3A_1246 : vector<16xi32>
    %swap3A_1248 = arith.constant 288 : index
    %swap3A_1249 = tpu.vector_load %arg7[%swap3A_1248] {strides = array<i32>} : memref<512xi32, #tpu.memory_space<vmem>>, vector<16xi32>,
    %swap3A_1250 = vector.shape_cast %swap3A_1249 : vector<16xi32> to vector<16xi32>
    %swap3A_1251 = vector.shape_cast %add3A_1247 : vector<16xi32> to vector<16xi32>
    tpu.vector_store %arg7[%swap3A_1248], %swap3A_1251 {strides = array<i32>} : memref<512xi32, #tpu.memory_space<vmem>>, vector<16xi32>,
    %get3A_1252 = arith.constant 288 : index
    %get3A_1253 = tpu.vector_load %arg8[%get3A_1252] {strides = array<i32>} : memref<512xi32, #tpu.memory_space<vmem>>, vector<16xi32>,
    %get3A_1254 = vector.shape_cast %get3A_1253 : vector<16xi32> to vector<16xi32>
    %shift_right_logical3A_1255 = arith.constant 14 : i32
    %shift_right_logical3A_1256 = vector.broadcast %shift_right_logical3A_1255 : i32 to vector<16xi32>
    %shift_right_logical3A_1257 = arith.shrui %get3A_1254, %shift_right_logical3A_1256 : vector<16xi32>
    %shift_left3A_1258 = arith.constant 15 : i32
    %shift_left3A_1259 = vector.broadcast %shift_left3A_1258 : i32 to vector<16xi32>
    %shift_left3A_1260 = arith.shli %shift_right_logical3A_1257, %shift_left3A_1259 : vector<16xi32>
    %and3A_1261 = arith.constant 8191 : i32
    %and3A_1262 = vector.broadcast %and3A_1261 : i32 to vector<16xi32>
    %and3A_1263 = arith.andi %get3A_1254, %and3A_1262 : vector<16xi32>
    %shift_left3A_1264 = arith.constant 2 : i32
    %shift_left3A_1265 = vector.broadcast %shift_left3A_1264 : i32 to vector<16xi32>
    %shift_left3A_1266 = arith.shli %and3A_1263, %shift_left3A_1265 : vector<16xi32>
    %add3A_1267 = arith.addi %shift_left3A_1260, %shift_left3A_1266 : vector<16xi32>
    %shift_right_logical3A_1268 = arith.constant 13 : i32
    %shift_right_logical3A_1269 = vector.broadcast %shift_right_logical3A_1268 : i32 to vector<16xi32>
    %shift_right_logical3A_1270 = arith.shrui %get3A_1254, %shift_right_logical3A_1269 : vector<16xi32>
    %and3A_1271 = arith.constant 1 : i32
    %and3A_1272 = vector.broadcast %and3A_1271 : i32 to vector<16xi32>
    %and3A_1273 = arith.andi %shift_right_logical3A_1270, %and3A_1272 : vector<16xi32>
    %shift_left3A_1274 = arith.constant 1 : i32
    %shift_left3A_1275 = vector.broadcast %shift_left3A_1274 : i32 to vector<16xi32>
    %shift_left3A_1276 = arith.shli %and3A_1273, %shift_left3A_1275 : vector<16xi32>
    %add3A_1277 = arith.addi %add3A_1267, %shift_left3A_1276 : vector<16xi32>
    %add3A_1278 = arith.constant 1 : i32
    %add3A_1279 = vector.broadcast %add3A_1278 : i32 to vector<16xi32>
    %add3A_1280 = arith.addi %add3A_1277, %add3A_1279 : vector<16xi32>
    %swap3A_1281 = arith.constant 288 : index
    %swap3A_1282 = tpu.vector_load %arg8[%swap3A_1281] {strides = array<i32>} : memref<512xi32, #tpu.memory_space<vmem>>, vector<16xi32>,
    %swap3A_1283 = vector.shape_cast %swap3A_1282 : vector<16xi32> to vector<16xi32>
    %swap3A_1284 = vector.shape_cast %add3A_1280 : vector<16xi32> to vector<16xi32>
    tpu.vector_store %arg8[%swap3A_1281], %swap3A_1284 {strides = array<i32>} : memref<512xi32, #tpu.memory_space<vmem>>, vector<16xi32>,
    %get3A_1285 = arith.constant 304 : index
    %get3A_1286 = tpu.vector_load %arg7[%get3A_1285] {strides = array<i32>} : memref<512xi32, #tpu.memory_space<vmem>>, vector<16xi32>,
    %get3A_1287 = vector.shape_cast %get3A_1286 : vector<16xi32> to vector<16xi32>
    %shift_right_logical3A_1288 = arith.constant 14 : i32
    %shift_right_logical3A_1289 = vector.broadcast %shift_right_logical3A_1288 : i32 to vector<16xi32>
    %shift_right_logical3A_1290 = arith.shrui %get3A_1287, %shift_right_logical3A_1289 : vector<16xi32>
    %shift_left3A_1291 = arith.constant 15 : i32
    %shift_left3A_1292 = vector.broadcast %shift_left3A_1291 : i32 to vector<16xi32>
    %shift_left3A_1293 = arith.shli %shift_right_logical3A_1290, %shift_left3A_1292 : vector<16xi32>
    %and3A_1294 = arith.constant 8191 : i32
    %and3A_1295 = vector.broadcast %and3A_1294 : i32 to vector<16xi32>
    %and3A_1296 = arith.andi %get3A_1287, %and3A_1295 : vector<16xi32>
    %shift_left3A_1297 = arith.constant 2 : i32
    %shift_left3A_1298 = vector.broadcast %shift_left3A_1297 : i32 to vector<16xi32>
    %shift_left3A_1299 = arith.shli %and3A_1296, %shift_left3A_1298 : vector<16xi32>
    %add3A_1300 = arith.addi %shift_left3A_1293, %shift_left3A_1299 : vector<16xi32>
    %shift_right_logical3A_1301 = arith.constant 13 : i32
    %shift_right_logical3A_1302 = vector.broadcast %shift_right_logical3A_1301 : i32 to vector<16xi32>
    %shift_right_logical3A_1303 = arith.shrui %get3A_1287, %shift_right_logical3A_1302 : vector<16xi32>
    %and3A_1304 = arith.constant 1 : i32
    %and3A_1305 = vector.broadcast %and3A_1304 : i32 to vector<16xi32>
    %and3A_1306 = arith.andi %shift_right_logical3A_1303, %and3A_1305 : vector<16xi32>
    %shift_left3A_1307 = arith.constant 1 : i32
    %shift_left3A_1308 = vector.broadcast %shift_left3A_1307 : i32 to vector<16xi32>
    %shift_left3A_1309 = arith.shli %and3A_1306, %shift_left3A_1308 : vector<16xi32>
    %add3A_1310 = arith.addi %add3A_1300, %shift_left3A_1309 : vector<16xi32>
    %add3A_1311 = arith.constant 0 : i32
    %add3A_1312 = vector.broadcast %add3A_1311 : i32 to vector<16xi32>
    %add3A_1313 = arith.addi %add3A_1310, %add3A_1312 : vector<16xi32>
    %swap3A_1314 = arith.constant 304 : index
    %swap3A_1315 = tpu.vector_load %arg7[%swap3A_1314] {strides = array<i32>} : memref<512xi32, #tpu.memory_space<vmem>>, vector<16xi32>,
    %swap3A_1316 = vector.shape_cast %swap3A_1315 : vector<16xi32> to vector<16xi32>
    %swap3A_1317 = vector.shape_cast %add3A_1313 : vector<16xi32> to vector<16xi32>
    tpu.vector_store %arg7[%swap3A_1314], %swap3A_1317 {strides = array<i32>} : memref<512xi32, #tpu.memory_space<vmem>>, vector<16xi32>,
    %get3A_1318 = arith.constant 304 : index
    %get3A_1319 = tpu.vector_load %arg8[%get3A_1318] {strides = array<i32>} : memref<512xi32, #tpu.memory_space<vmem>>, vector<16xi32>,
    %get3A_1320 = vector.shape_cast %get3A_1319 : vector<16xi32> to vector<16xi32>
    %shift_right_logical3A_1321 = arith.constant 14 : i32
    %shift_right_logical3A_1322 = vector.broadcast %shift_right_logical3A_1321 : i32 to vector<16xi32>
    %shift_right_logical3A_1323 = arith.shrui %get3A_1320, %shift_right_logical3A_1322 : vector<16xi32>
    %shift_left3A_1324 = arith.constant 15 : i32
    %shift_left3A_1325 = vector.broadcast %shift_left3A_1324 : i32 to vector<16xi32>
    %shift_left3A_1326 = arith.shli %shift_right_logical3A_1323, %shift_left3A_1325 : vector<16xi32>
    %and3A_1327 = arith.constant 8191 : i32
    %and3A_1328 = vector.broadcast %and3A_1327 : i32 to vector<16xi32>
    %and3A_1329 = arith.andi %get3A_1320, %and3A_1328 : vector<16xi32>
    %shift_left3A_1330 = arith.constant 2 : i32
    %shift_left3A_1331 = vector.broadcast %shift_left3A_1330 : i32 to vector<16xi32>
    %shift_left3A_1332 = arith.shli %and3A_1329, %shift_left3A_1331 : vector<16xi32>
    %add3A_1333 = arith.addi %shift_left3A_1326, %shift_left3A_1332 : vector<16xi32>
    %shift_right_logical3A_1334 = arith.constant 13 : i32
    %shift_right_logical3A_1335 = vector.broadcast %shift_right_logical3A_1334 : i32 to vector<16xi32>
    %shift_right_logical3A_1336 = arith.shrui %get3A_1320, %shift_right_logical3A_1335 : vector<16xi32>
    %and3A_1337 = arith.constant 1 : i32
    %and3A_1338 = vector.broadcast %and3A_1337 : i32 to vector<16xi32>
    %and3A_1339 = arith.andi %shift_right_logical3A_1336, %and3A_1338 : vector<16xi32>
    %shift_left3A_1340 = arith.constant 1 : i32
    %shift_left3A_1341 = vector.broadcast %shift_left3A_1340 : i32 to vector<16xi32>
    %shift_left3A_1342 = arith.shli %and3A_1339, %shift_left3A_1341 : vector<16xi32>
    %add3A_1343 = arith.addi %add3A_1333, %shift_left3A_1342 : vector<16xi32>
    %add3A_1344 = arith.constant 1 : i32
    %add3A_1345 = vector.broadcast %add3A_1344 : i32 to vector<16xi32>
    %add3A_1346 = arith.addi %add3A_1343, %add3A_1345 : vector<16xi32>
    %swap3A_1347 = arith.constant 304 : index
    %swap3A_1348 = tpu.vector_load %arg8[%swap3A_1347] {strides = array<i32>} : memref<512xi32, #tpu.memory_space<vmem>>, vector<16xi32>,
    %swap3A_1349 = vector.shape_cast %swap3A_1348 : vector<16xi32> to vector<16xi32>
    %swap3A_1350 = vector.shape_cast %add3A_1346 : vector<16xi32> to vector<16xi32>
    tpu.vector_store %arg8[%swap3A_1347], %swap3A_1350 {strides = array<i32>} : memref<512xi32, #tpu.memory_space<vmem>>, vector<16xi32>,
    %get3A_1351 = arith.constant 320 : index
    %get3A_1352 = tpu.vector_load %arg7[%get3A_1351] {strides = array<i32>} : memref<512xi32, #tpu.memory_space<vmem>>, vector<16xi32>,
    %get3A_1353 = vector.shape_cast %get3A_1352 : vector<16xi32> to vector<16xi32>
    %shift_right_logical3A_1354 = arith.constant 14 : i32
    %shift_right_logical3A_1355 = vector.broadcast %shift_right_logical3A_1354 : i32 to vector<16xi32>
    %shift_right_logical3A_1356 = arith.shrui %get3A_1353, %shift_right_logical3A_1355 : vector<16xi32>
    %shift_left3A_1357 = arith.constant 15 : i32
    %shift_left3A_1358 = vector.broadcast %shift_left3A_1357 : i32 to vector<16xi32>
    %shift_left3A_1359 = arith.shli %shift_right_logical3A_1356, %shift_left3A_1358 : vector<16xi32>
    %and3A_1360 = arith.constant 8191 : i32
    %and3A_1361 = vector.broadcast %and3A_1360 : i32 to vector<16xi32>
    %and3A_1362 = arith.andi %get3A_1353, %and3A_1361 : vector<16xi32>
    %shift_left3A_1363 = arith.constant 2 : i32
    %shift_left3A_1364 = vector.broadcast %shift_left3A_1363 : i32 to vector<16xi32>
    %shift_left3A_1365 = arith.shli %and3A_1362, %shift_left3A_1364 : vector<16xi32>
    %add3A_1366 = arith.addi %shift_left3A_1359, %shift_left3A_1365 : vector<16xi32>
    %shift_right_logical3A_1367 = arith.constant 13 : i32
    %shift_right_logical3A_1368 = vector.broadcast %shift_right_logical3A_1367 : i32 to vector<16xi32>
    %shift_right_logical3A_1369 = arith.shrui %get3A_1353, %shift_right_logical3A_1368 : vector<16xi32>
    %and3A_1370 = arith.constant 1 : i32
    %and3A_1371 = vector.broadcast %and3A_1370 : i32 to vector<16xi32>
    %and3A_1372 = arith.andi %shift_right_logical3A_1369, %and3A_1371 : vector<16xi32>
    %shift_left3A_1373 = arith.constant 1 : i32
    %shift_left3A_1374 = vector.broadcast %shift_left3A_1373 : i32 to vector<16xi32>
    %shift_left3A_1375 = arith.shli %and3A_1372, %shift_left3A_1374 : vector<16xi32>
    %add3A_1376 = arith.addi %add3A_1366, %shift_left3A_1375 : vector<16xi32>
    %add3A_1377 = arith.constant 0 : i32
    %add3A_1378 = vector.broadcast %add3A_1377 : i32 to vector<16xi32>
    %add3A_1379 = arith.addi %add3A_1376, %add3A_1378 : vector<16xi32>
    %swap3A_1380 = arith.constant 320 : index
    %swap3A_1381 = tpu.vector_load %arg7[%swap3A_1380] {strides = array<i32>} : memref<512xi32, #tpu.memory_space<vmem>>, vector<16xi32>,
    %swap3A_1382 = vector.shape_cast %swap3A_1381 : vector<16xi32> to vector<16xi32>
    %swap3A_1383 = vector.shape_cast %add3A_1379 : vector<16xi32> to vector<16xi32>
    tpu.vector_store %arg7[%swap3A_1380], %swap3A_1383 {strides = array<i32>} : memref<512xi32, #tpu.memory_space<vmem>>, vector<16xi32>,
    %get3A_1384 = arith.constant 320 : index
    %get3A_1385 = tpu.vector_load %arg8[%get3A_1384] {strides = array<i32>} : memref<512xi32, #tpu.memory_space<vmem>>, vector<16xi32>,
    %get3A_1386 = vector.shape_cast %get3A_1385 : vector<16xi32> to vector<16xi32>
    %shift_right_logical3A_1387 = arith.constant 14 : i32
    %shift_right_logical3A_1388 = vector.broadcast %shift_right_logical3A_1387 : i32 to vector<16xi32>
    %shift_right_logical3A_1389 = arith.shrui %get3A_1386, %shift_right_logical3A_1388 : vector<16xi32>
    %shift_left3A_1390 = arith.constant 15 : i32
    %shift_left3A_1391 = vector.broadcast %shift_left3A_1390 : i32 to vector<16xi32>
    %shift_left3A_1392 = arith.shli %shift_right_logical3A_1389, %shift_left3A_1391 : vector<16xi32>
    %and3A_1393 = arith.constant 8191 : i32
    %and3A_1394 = vector.broadcast %and3A_1393 : i32 to vector<16xi32>
    %and3A_1395 = arith.andi %get3A_1386, %and3A_1394 : vector<16xi32>
    %shift_left3A_1396 = arith.constant 2 : i32
    %shift_left3A_1397 = vector.broadcast %shift_left3A_1396 : i32 to vector<16xi32>
    %shift_left3A_1398 = arith.shli %and3A_1395, %shift_left3A_1397 : vector<16xi32>
    %add3A_1399 = arith.addi %shift_left3A_1392, %shift_left3A_1398 : vector<16xi32>
    %shift_right_logical3A_1400 = arith.constant 13 : i32
    %shift_right_logical3A_1401 = vector.broadcast %shift_right_logical3A_1400 : i32 to vector<16xi32>
    %shift_right_logical3A_1402 = arith.shrui %get3A_1386, %shift_right_logical3A_1401 : vector<16xi32>
    %and3A_1403 = arith.constant 1 : i32
    %and3A_1404 = vector.broadcast %and3A_1403 : i32 to vector<16xi32>
    %and3A_1405 = arith.andi %shift_right_logical3A_1402, %and3A_1404 : vector<16xi32>
    %shift_left3A_1406 = arith.constant 1 : i32
    %shift_left3A_1407 = vector.broadcast %shift_left3A_1406 : i32 to vector<16xi32>
    %shift_left3A_1408 = arith.shli %and3A_1405, %shift_left3A_1407 : vector<16xi32>
    %add3A_1409 = arith.addi %add3A_1399, %shift_left3A_1408 : vector<16xi32>
    %add3A_1410 = arith.constant 1 : i32
    %add3A_1411 = vector.broadcast %add3A_1410 : i32 to vector<16xi32>
    %add3A_1412 = arith.addi %add3A_1409, %add3A_1411 : vector<16xi32>
    %swap3A_1413 = arith.constant 320 : index
    %swap3A_1414 = tpu.vector_load %arg8[%swap3A_1413] {strides = array<i32>} : memref<512xi32, #tpu.memory_space<vmem>>, vector<16xi32>,
    %swap3A_1415 = vector.shape_cast %swap3A_1414 : vector<16xi32> to vector<16xi32>
    %swap3A_1416 = vector.shape_cast %add3A_1412 : vector<16xi32> to vector<16xi32>
    tpu.vector_store %arg8[%swap3A_1413], %swap3A_1416 {strides = array<i32>} : memref<512xi32, #tpu.memory_space<vmem>>, vector<16xi32>,
    %get3A_1417 = arith.constant 336 : index
    %get3A_1418 = tpu.vector_load %arg7[%get3A_1417] {strides = array<i32>} : memref<512xi32, #tpu.memory_space<vmem>>, vector<16xi32>,
    %get3A_1419 = vector.shape_cast %get3A_1418 : vector<16xi32> to vector<16xi32>
    %shift_right_logical3A_1420 = arith.constant 14 : i32
    %shift_right_logical3A_1421 = vector.broadcast %shift_right_logical3A_1420 : i32 to vector<16xi32>
    %shift_right_logical3A_1422 = arith.shrui %get3A_1419, %shift_right_logical3A_1421 : vector<16xi32>
    %shift_left3A_1423 = arith.constant 15 : i32
    %shift_left3A_1424 = vector.broadcast %shift_left3A_1423 : i32 to vector<16xi32>
    %shift_left3A_1425 = arith.shli %shift_right_logical3A_1422, %shift_left3A_1424 : vector<16xi32>
    %and3A_1426 = arith.constant 8191 : i32
    %and3A_1427 = vector.broadcast %and3A_1426 : i32 to vector<16xi32>
    %and3A_1428 = arith.andi %get3A_1419, %and3A_1427 : vector<16xi32>
    %shift_left3A_1429 = arith.constant 2 : i32
    %shift_left3A_1430 = vector.broadcast %shift_left3A_1429 : i32 to vector<16xi32>
    %shift_left3A_1431 = arith.shli %and3A_1428, %shift_left3A_1430 : vector<16xi32>
    %add3A_1432 = arith.addi %shift_left3A_1425, %shift_left3A_1431 : vector<16xi32>
    %shift_right_logical3A_1433 = arith.constant 13 : i32
    %shift_right_logical3A_1434 = vector.broadcast %shift_right_logical3A_1433 : i32 to vector<16xi32>
    %shift_right_logical3A_1435 = arith.shrui %get3A_1419, %shift_right_logical3A_1434 : vector<16xi32>
    %and3A_1436 = arith.constant 1 : i32
    %and3A_1437 = vector.broadcast %and3A_1436 : i32 to vector<16xi32>
    %and3A_1438 = arith.andi %shift_right_logical3A_1435, %and3A_1437 : vector<16xi32>
    %shift_left3A_1439 = arith.constant 1 : i32
    %shift_left3A_1440 = vector.broadcast %shift_left3A_1439 : i32 to vector<16xi32>
    %shift_left3A_1441 = arith.shli %and3A_1438, %shift_left3A_1440 : vector<16xi32>
    %add3A_1442 = arith.addi %add3A_1432, %shift_left3A_1441 : vector<16xi32>
    %add3A_1443 = arith.constant 0 : i32
    %add3A_1444 = vector.broadcast %add3A_1443 : i32 to vector<16xi32>
    %add3A_1445 = arith.addi %add3A_1442, %add3A_1444 : vector<16xi32>
    %swap3A_1446 = arith.constant 336 : index
    %swap3A_1447 = tpu.vector_load %arg7[%swap3A_1446] {strides = array<i32>} : memref<512xi32, #tpu.memory_space<vmem>>, vector<16xi32>,
    %swap3A_1448 = vector.shape_cast %swap3A_1447 : vector<16xi32> to vector<16xi32>
    %swap3A_1449 = vector.shape_cast %add3A_1445 : vector<16xi32> to vector<16xi32>
    tpu.vector_store %arg7[%swap3A_1446], %swap3A_1449 {strides = array<i32>} : memref<512xi32, #tpu.memory_space<vmem>>, vector<16xi32>,
    %get3A_1450 = arith.constant 336 : index
    %get3A_1451 = tpu.vector_load %arg8[%get3A_1450] {strides = array<i32>} : memref<512xi32, #tpu.memory_space<vmem>>, vector<16xi32>,
    %get3A_1452 = vector.shape_cast %get3A_1451 : vector<16xi32> to vector<16xi32>
    %shift_right_logical3A_1453 = arith.constant 14 : i32
    %shift_right_logical3A_1454 = vector.broadcast %shift_right_logical3A_1453 : i32 to vector<16xi32>
    %shift_right_logical3A_1455 = arith.shrui %get3A_1452, %shift_right_logical3A_1454 : vector<16xi32>
    %shift_left3A_1456 = arith.constant 15 : i32
    %shift_left3A_1457 = vector.broadcast %shift_left3A_1456 : i32 to vector<16xi32>
    %shift_left3A_1458 = arith.shli %shift_right_logical3A_1455, %shift_left3A_1457 : vector<16xi32>
    %and3A_1459 = arith.constant 8191 : i32
    %and3A_1460 = vector.broadcast %and3A_1459 : i32 to vector<16xi32>
    %and3A_1461 = arith.andi %get3A_1452, %and3A_1460 : vector<16xi32>
    %shift_left3A_1462 = arith.constant 2 : i32
    %shift_left3A_1463 = vector.broadcast %shift_left3A_1462 : i32 to vector<16xi32>
    %shift_left3A_1464 = arith.shli %and3A_1461, %shift_left3A_1463 : vector<16xi32>
    %add3A_1465 = arith.addi %shift_left3A_1458, %shift_left3A_1464 : vector<16xi32>
    %shift_right_logical3A_1466 = arith.constant 13 : i32
    %shift_right_logical3A_1467 = vector.broadcast %shift_right_logical3A_1466 : i32 to vector<16xi32>
    %shift_right_logical3A_1468 = arith.shrui %get3A_1452, %shift_right_logical3A_1467 : vector<16xi32>
    %and3A_1469 = arith.constant 1 : i32
    %and3A_1470 = vector.broadcast %and3A_1469 : i32 to vector<16xi32>
    %and3A_1471 = arith.andi %shift_right_logical3A_1468, %and3A_1470 : vector<16xi32>
    %shift_left3A_1472 = arith.constant 1 : i32
    %shift_left3A_1473 = vector.broadcast %shift_left3A_1472 : i32 to vector<16xi32>
    %shift_left3A_1474 = arith.shli %and3A_1471, %shift_left3A_1473 : vector<16xi32>
    %add3A_1475 = arith.addi %add3A_1465, %shift_left3A_1474 : vector<16xi32>
    %add3A_1476 = arith.constant 1 : i32
    %add3A_1477 = vector.broadcast %add3A_1476 : i32 to vector<16xi32>
    %add3A_1478 = arith.addi %add3A_1475, %add3A_1477 : vector<16xi32>
    %swap3A_1479 = arith.constant 336 : index
    %swap3A_1480 = tpu.vector_load %arg8[%swap3A_1479] {strides = array<i32>} : memref<512xi32, #tpu.memory_space<vmem>>, vector<16xi32>,
    %swap3A_1481 = vector.shape_cast %swap3A_1480 : vector<16xi32> to vector<16xi32>
    %swap3A_1482 = vector.shape_cast %add3A_1478 : vector<16xi32> to vector<16xi32>
    tpu.vector_store %arg8[%swap3A_1479], %swap3A_1482 {strides = array<i32>} : memref<512xi32, #tpu.memory_space<vmem>>, vector<16xi32>,
    %get3A_1483 = arith.constant 352 : index
    %get3A_1484 = tpu.vector_load %arg7[%get3A_1483] {strides = array<i32>} : memref<512xi32, #tpu.memory_space<vmem>>, vector<16xi32>,
    %get3A_1485 = vector.shape_cast %get3A_1484 : vector<16xi32> to vector<16xi32>
    %shift_right_logical3A_1486 = arith.constant 14 : i32
    %shift_right_logical3A_1487 = vector.broadcast %shift_right_logical3A_1486 : i32 to vector<16xi32>
    %shift_right_logical3A_1488 = arith.shrui %get3A_1485, %shift_right_logical3A_1487 : vector<16xi32>
    %shift_left3A_1489 = arith.constant 15 : i32
    %shift_left3A_1490 = vector.broadcast %shift_left3A_1489 : i32 to vector<16xi32>
    %shift_left3A_1491 = arith.shli %shift_right_logical3A_1488, %shift_left3A_1490 : vector<16xi32>
    %and3A_1492 = arith.constant 8191 : i32
    %and3A_1493 = vector.broadcast %and3A_1492 : i32 to vector<16xi32>
    %and3A_1494 = arith.andi %get3A_1485, %and3A_1493 : vector<16xi32>
    %shift_left3A_1495 = arith.constant 2 : i32
    %shift_left3A_1496 = vector.broadcast %shift_left3A_1495 : i32 to vector<16xi32>
    %shift_left3A_1497 = arith.shli %and3A_1494, %shift_left3A_1496 : vector<16xi32>
    %add3A_1498 = arith.addi %shift_left3A_1491, %shift_left3A_1497 : vector<16xi32>
    %shift_right_logical3A_1499 = arith.constant 13 : i32
    %shift_right_logical3A_1500 = vector.broadcast %shift_right_logical3A_1499 : i32 to vector<16xi32>
    %shift_right_logical3A_1501 = arith.shrui %get3A_1485, %shift_right_logical3A_1500 : vector<16xi32>
    %and3A_1502 = arith.constant 1 : i32
    %and3A_1503 = vector.broadcast %and3A_1502 : i32 to vector<16xi32>
    %and3A_1504 = arith.andi %shift_right_logical3A_1501, %and3A_1503 : vector<16xi32>
    %shift_left3A_1505 = arith.constant 1 : i32
    %shift_left3A_1506 = vector.broadcast %shift_left3A_1505 : i32 to vector<16xi32>
    %shift_left3A_1507 = arith.shli %and3A_1504, %shift_left3A_1506 : vector<16xi32>
    %add3A_1508 = arith.addi %add3A_1498, %shift_left3A_1507 : vector<16xi32>
    %add3A_1509 = arith.constant 0 : i32
    %add3A_1510 = vector.broadcast %add3A_1509 : i32 to vector<16xi32>
    %add3A_1511 = arith.addi %add3A_1508, %add3A_1510 : vector<16xi32>
    %swap3A_1512 = arith.constant 352 : index
    %swap3A_1513 = tpu.vector_load %arg7[%swap3A_1512] {strides = array<i32>} : memref<512xi32, #tpu.memory_space<vmem>>, vector<16xi32>,
    %swap3A_1514 = vector.shape_cast %swap3A_1513 : vector<16xi32> to vector<16xi32>
    %swap3A_1515 = vector.shape_cast %add3A_1511 : vector<16xi32> to vector<16xi32>
    tpu.vector_store %arg7[%swap3A_1512], %swap3A_1515 {strides = array<i32>} : memref<512xi32, #tpu.memory_space<vmem>>, vector<16xi32>,
    %get3A_1516 = arith.constant 352 : index
    %get3A_1517 = tpu.vector_load %arg8[%get3A_1516] {strides = array<i32>} : memref<512xi32, #tpu.memory_space<vmem>>, vector<16xi32>,
    %get3A_1518 = vector.shape_cast %get3A_1517 : vector<16xi32> to vector<16xi32>
    %shift_right_logical3A_1519 = arith.constant 14 : i32
    %shift_right_logical3A_1520 = vector.broadcast %shift_right_logical3A_1519 : i32 to vector<16xi32>
    %shift_right_logical3A_1521 = arith.shrui %get3A_1518, %shift_right_logical3A_1520 : vector<16xi32>
    %shift_left3A_1522 = arith.constant 15 : i32
    %shift_left3A_1523 = vector.broadcast %shift_left3A_1522 : i32 to vector<16xi32>
    %shift_left3A_1524 = arith.shli %shift_right_logical3A_1521, %shift_left3A_1523 : vector<16xi32>
    %and3A_1525 = arith.constant 8191 : i32
    %and3A_1526 = vector.broadcast %and3A_1525 : i32 to vector<16xi32>
    %and3A_1527 = arith.andi %get3A_1518, %and3A_1526 : vector<16xi32>
    %shift_left3A_1528 = arith.constant 2 : i32
    %shift_left3A_1529 = vector.broadcast %shift_left3A_1528 : i32 to vector<16xi32>
    %shift_left3A_1530 = arith.shli %and3A_1527, %shift_left3A_1529 : vector<16xi32>
    %add3A_1531 = arith.addi %shift_left3A_1524, %shift_left3A_1530 : vector<16xi32>
    %shift_right_logical3A_1532 = arith.constant 13 : i32
    %shift_right_logical3A_1533 = vector.broadcast %shift_right_logical3A_1532 : i32 to vector<16xi32>
    %shift_right_logical3A_1534 = arith.shrui %get3A_1518, %shift_right_logical3A_1533 : vector<16xi32>
    %and3A_1535 = arith.constant 1 : i32
    %and3A_1536 = vector.broadcast %and3A_1535 : i32 to vector<16xi32>
    %and3A_1537 = arith.andi %shift_right_logical3A_1534, %and3A_1536 : vector<16xi32>
    %shift_left3A_1538 = arith.constant 1 : i32
    %shift_left3A_1539 = vector.broadcast %shift_left3A_1538 : i32 to vector<16xi32>
    %shift_left3A_1540 = arith.shli %and3A_1537, %shift_left3A_1539 : vector<16xi32>
    %add3A_1541 = arith.addi %add3A_1531, %shift_left3A_1540 : vector<16xi32>
    %add3A_1542 = arith.constant 1 : i32
    %add3A_1543 = vector.broadcast %add3A_1542 : i32 to vector<16xi32>
    %add3A_1544 = arith.addi %add3A_1541, %add3A_1543 : vector<16xi32>
    %swap3A_1545 = arith.constant 352 : index
    %swap3A_1546 = tpu.vector_load %arg8[%swap3A_1545] {strides = array<i32>} : memref<512xi32, #tpu.memory_space<vmem>>, vector<16xi32>,
    %swap3A_1547 = vector.shape_cast %swap3A_1546 : vector<16xi32> to vector<16xi32>
    %swap3A_1548 = vector.shape_cast %add3A_1544 : vector<16xi32> to vector<16xi32>
    tpu.vector_store %arg8[%swap3A_1545], %swap3A_1548 {strides = array<i32>} : memref<512xi32, #tpu.memory_space<vmem>>, vector<16xi32>,
    %get3A_1549 = arith.constant 368 : index
    %get3A_1550 = tpu.vector_load %arg7[%get3A_1549] {strides = array<i32>} : memref<512xi32, #tpu.memory_space<vmem>>, vector<16xi32>,
    %get3A_1551 = vector.shape_cast %get3A_1550 : vector<16xi32> to vector<16xi32>
    %shift_right_logical3A_1552 = arith.constant 14 : i32
    %shift_right_logical3A_1553 = vector.broadcast %shift_right_logical3A_1552 : i32 to vector<16xi32>
    %shift_right_logical3A_1554 = arith.shrui %get3A_1551, %shift_right_logical3A_1553 : vector<16xi32>
    %shift_left3A_1555 = arith.constant 15 : i32
    %shift_left3A_1556 = vector.broadcast %shift_left3A_1555 : i32 to vector<16xi32>
    %shift_left3A_1557 = arith.shli %shift_right_logical3A_1554, %shift_left3A_1556 : vector<16xi32>
    %and3A_1558 = arith.constant 8191 : i32
    %and3A_1559 = vector.broadcast %and3A_1558 : i32 to vector<16xi32>
    %and3A_1560 = arith.andi %get3A_1551, %and3A_1559 : vector<16xi32>
    %shift_left3A_1561 = arith.constant 2 : i32
    %shift_left3A_1562 = vector.broadcast %shift_left3A_1561 : i32 to vector<16xi32>
    %shift_left3A_1563 = arith.shli %and3A_1560, %shift_left3A_1562 : vector<16xi32>
    %add3A_1564 = arith.addi %shift_left3A_1557, %shift_left3A_1563 : vector<16xi32>
    %shift_right_logical3A_1565 = arith.constant 13 : i32
    %shift_right_logical3A_1566 = vector.broadcast %shift_right_logical3A_1565 : i32 to vector<16xi32>
    %shift_right_logical3A_1567 = arith.shrui %get3A_1551, %shift_right_logical3A_1566 : vector<16xi32>
    %and3A_1568 = arith.constant 1 : i32
    %and3A_1569 = vector.broadcast %and3A_1568 : i32 to vector<16xi32>
    %and3A_1570 = arith.andi %shift_right_logical3A_1567, %and3A_1569 : vector<16xi32>
    %shift_left3A_1571 = arith.constant 1 : i32
    %shift_left3A_1572 = vector.broadcast %shift_left3A_1571 : i32 to vector<16xi32>
    %shift_left3A_1573 = arith.shli %and3A_1570, %shift_left3A_1572 : vector<16xi32>
    %add3A_1574 = arith.addi %add3A_1564, %shift_left3A_1573 : vector<16xi32>
    %add3A_1575 = arith.constant 0 : i32
    %add3A_1576 = vector.broadcast %add3A_1575 : i32 to vector<16xi32>
    %add3A_1577 = arith.addi %add3A_1574, %add3A_1576 : vector<16xi32>
    %swap3A_1578 = arith.constant 368 : index
    %swap3A_1579 = tpu.vector_load %arg7[%swap3A_1578] {strides = array<i32>} : memref<512xi32, #tpu.memory_space<vmem>>, vector<16xi32>,
    %swap3A_1580 = vector.shape_cast %swap3A_1579 : vector<16xi32> to vector<16xi32>
    %swap3A_1581 = vector.shape_cast %add3A_1577 : vector<16xi32> to vector<16xi32>
    tpu.vector_store %arg7[%swap3A_1578], %swap3A_1581 {strides = array<i32>} : memref<512xi32, #tpu.memory_space<vmem>>, vector<16xi32>,
    %get3A_1582 = arith.constant 368 : index
    %get3A_1583 = tpu.vector_load %arg8[%get3A_1582] {strides = array<i32>} : memref<512xi32, #tpu.memory_space<vmem>>, vector<16xi32>,
    %get3A_1584 = vector.shape_cast %get3A_1583 : vector<16xi32> to vector<16xi32>
    %shift_right_logical3A_1585 = arith.constant 14 : i32
    %shift_right_logical3A_1586 = vector.broadcast %shift_right_logical3A_1585 : i32 to vector<16xi32>
    %shift_right_logical3A_1587 = arith.shrui %get3A_1584, %shift_right_logical3A_1586 : vector<16xi32>
    %shift_left3A_1588 = arith.constant 15 : i32
    %shift_left3A_1589 = vector.broadcast %shift_left3A_1588 : i32 to vector<16xi32>
    %shift_left3A_1590 = arith.shli %shift_right_logical3A_1587, %shift_left3A_1589 : vector<16xi32>
    %and3A_1591 = arith.constant 8191 : i32
    %and3A_1592 = vector.broadcast %and3A_1591 : i32 to vector<16xi32>
    %and3A_1593 = arith.andi %get3A_1584, %and3A_1592 : vector<16xi32>
    %shift_left3A_1594 = arith.constant 2 : i32
    %shift_left3A_1595 = vector.broadcast %shift_left3A_1594 : i32 to vector<16xi32>
    %shift_left3A_1596 = arith.shli %and3A_1593, %shift_left3A_1595 : vector<16xi32>
    %add3A_1597 = arith.addi %shift_left3A_1590, %shift_left3A_1596 : vector<16xi32>
    %shift_right_logical3A_1598 = arith.constant 13 : i32
    %shift_right_logical3A_1599 = vector.broadcast %shift_right_logical3A_1598 : i32 to vector<16xi32>
    %shift_right_logical3A_1600 = arith.shrui %get3A_1584, %shift_right_logical3A_1599 : vector<16xi32>
    %and3A_1601 = arith.constant 1 : i32
    %and3A_1602 = vector.broadcast %and3A_1601 : i32 to vector<16xi32>
    %and3A_1603 = arith.andi %shift_right_logical3A_1600, %and3A_1602 : vector<16xi32>
    %shift_left3A_1604 = arith.constant 1 : i32
    %shift_left3A_1605 = vector.broadcast %shift_left3A_1604 : i32 to vector<16xi32>
    %shift_left3A_1606 = arith.shli %and3A_1603, %shift_left3A_1605 : vector<16xi32>
    %add3A_1607 = arith.addi %add3A_1597, %shift_left3A_1606 : vector<16xi32>
    %add3A_1608 = arith.constant 1 : i32
    %add3A_1609 = vector.broadcast %add3A_1608 : i32 to vector<16xi32>
    %add3A_1610 = arith.addi %add3A_1607, %add3A_1609 : vector<16xi32>
    %swap3A_1611 = arith.constant 368 : index
    %swap3A_1612 = tpu.vector_load %arg8[%swap3A_1611] {strides = array<i32>} : memref<512xi32, #tpu.memory_space<vmem>>, vector<16xi32>,
    %swap3A_1613 = vector.shape_cast %swap3A_1612 : vector<16xi32> to vector<16xi32>
    %swap3A_1614 = vector.shape_cast %add3A_1610 : vector<16xi32> to vector<16xi32>
    tpu.vector_store %arg8[%swap3A_1611], %swap3A_1614 {strides = array<i32>} : memref<512xi32, #tpu.memory_space<vmem>>, vector<16xi32>,
    %get3A_1615 = arith.constant 384 : index
    %get3A_1616 = tpu.vector_load %arg7[%get3A_1615] {strides = array<i32>} : memref<512xi32, #tpu.memory_space<vmem>>, vector<16xi32>,
    %get3A_1617 = vector.shape_cast %get3A_1616 : vector<16xi32> to vector<16xi32>
    %shift_right_logical3A_1618 = arith.constant 14 : i32
    %shift_right_logical3A_1619 = vector.broadcast %shift_right_logical3A_1618 : i32 to vector<16xi32>
    %shift_right_logical3A_1620 = arith.shrui %get3A_1617, %shift_right_logical3A_1619 : vector<16xi32>
    %shift_left3A_1621 = arith.constant 15 : i32
    %shift_left3A_1622 = vector.broadcast %shift_left3A_1621 : i32 to vector<16xi32>
    %shift_left3A_1623 = arith.shli %shift_right_logical3A_1620, %shift_left3A_1622 : vector<16xi32>
    %and3A_1624 = arith.constant 8191 : i32
    %and3A_1625 = vector.broadcast %and3A_1624 : i32 to vector<16xi32>
    %and3A_1626 = arith.andi %get3A_1617, %and3A_1625 : vector<16xi32>
    %shift_left3A_1627 = arith.constant 2 : i32
    %shift_left3A_1628 = vector.broadcast %shift_left3A_1627 : i32 to vector<16xi32>
    %shift_left3A_1629 = arith.shli %and3A_1626, %shift_left3A_1628 : vector<16xi32>
    %add3A_1630 = arith.addi %shift_left3A_1623, %shift_left3A_1629 : vector<16xi32>
    %shift_right_logical3A_1631 = arith.constant 13 : i32
    %shift_right_logical3A_1632 = vector.broadcast %shift_right_logical3A_1631 : i32 to vector<16xi32>
    %shift_right_logical3A_1633 = arith.shrui %get3A_1617, %shift_right_logical3A_1632 : vector<16xi32>
    %and3A_1634 = arith.constant 1 : i32
    %and3A_1635 = vector.broadcast %and3A_1634 : i32 to vector<16xi32>
    %and3A_1636 = arith.andi %shift_right_logical3A_1633, %and3A_1635 : vector<16xi32>
    %shift_left3A_1637 = arith.constant 1 : i32
    %shift_left3A_1638 = vector.broadcast %shift_left3A_1637 : i32 to vector<16xi32>
    %shift_left3A_1639 = arith.shli %and3A_1636, %shift_left3A_1638 : vector<16xi32>
    %add3A_1640 = arith.addi %add3A_1630, %shift_left3A_1639 : vector<16xi32>
    %add3A_1641 = arith.constant 0 : i32
    %add3A_1642 = vector.broadcast %add3A_1641 : i32 to vector<16xi32>
    %add3A_1643 = arith.addi %add3A_1640, %add3A_1642 : vector<16xi32>
    %swap3A_1644 = arith.constant 384 : index
    %swap3A_1645 = tpu.vector_load %arg7[%swap3A_1644] {strides = array<i32>} : memref<512xi32, #tpu.memory_space<vmem>>, vector<16xi32>,
    %swap3A_1646 = vector.shape_cast %swap3A_1645 : vector<16xi32> to vector<16xi32>
    %swap3A_1647 = vector.shape_cast %add3A_1643 : vector<16xi32> to vector<16xi32>
    tpu.vector_store %arg7[%swap3A_1644], %swap3A_1647 {strides = array<i32>} : memref<512xi32, #tpu.memory_space<vmem>>, vector<16xi32>,
    %get3A_1648 = arith.constant 384 : index
    %get3A_1649 = tpu.vector_load %arg8[%get3A_1648] {strides = array<i32>} : memref<512xi32, #tpu.memory_space<vmem>>, vector<16xi32>,
    %get3A_1650 = vector.shape_cast %get3A_1649 : vector<16xi32> to vector<16xi32>
    %shift_right_logical3A_1651 = arith.constant 14 : i32
    %shift_right_logical3A_1652 = vector.broadcast %shift_right_logical3A_1651 : i32 to vector<16xi32>
    %shift_right_logical3A_1653 = arith.shrui %get3A_1650, %shift_right_logical3A_1652 : vector<16xi32>
    %shift_left3A_1654 = arith.constant 15 : i32
    %shift_left3A_1655 = vector.broadcast %shift_left3A_1654 : i32 to vector<16xi32>
    %shift_left3A_1656 = arith.shli %shift_right_logical3A_1653, %shift_left3A_1655 : vector<16xi32>
    %and3A_1657 = arith.constant 8191 : i32
    %and3A_1658 = vector.broadcast %and3A_1657 : i32 to vector<16xi32>
    %and3A_1659 = arith.andi %get3A_1650, %and3A_1658 : vector<16xi32>
    %shift_left3A_1660 = arith.constant 2 : i32
    %shift_left3A_1661 = vector.broadcast %shift_left3A_1660 : i32 to vector<16xi32>
    %shift_left3A_1662 = arith.shli %and3A_1659, %shift_left3A_1661 : vector<16xi32>
    %add3A_1663 = arith.addi %shift_left3A_1656, %shift_left3A_1662 : vector<16xi32>
    %shift_right_logical3A_1664 = arith.constant 13 : i32
    %shift_right_logical3A_1665 = vector.broadcast %shift_right_logical3A_1664 : i32 to vector<16xi32>
    %shift_right_logical3A_1666 = arith.shrui %get3A_1650, %shift_right_logical3A_1665 : vector<16xi32>
    %and3A_1667 = arith.constant 1 : i32
    %and3A_1668 = vector.broadcast %and3A_1667 : i32 to vector<16xi32>
    %and3A_1669 = arith.andi %shift_right_logical3A_1666, %and3A_1668 : vector<16xi32>
    %shift_left3A_1670 = arith.constant 1 : i32
    %shift_left3A_1671 = vector.broadcast %shift_left3A_1670 : i32 to vector<16xi32>
    %shift_left3A_1672 = arith.shli %and3A_1669, %shift_left3A_1671 : vector<16xi32>
    %add3A_1673 = arith.addi %add3A_1663, %shift_left3A_1672 : vector<16xi32>
    %add3A_1674 = arith.constant 1 : i32
    %add3A_1675 = vector.broadcast %add3A_1674 : i32 to vector<16xi32>
    %add3A_1676 = arith.addi %add3A_1673, %add3A_1675 : vector<16xi32>
    %swap3A_1677 = arith.constant 384 : index
    %swap3A_1678 = tpu.vector_load %arg8[%swap3A_1677] {strides = array<i32>} : memref<512xi32, #tpu.memory_space<vmem>>, vector<16xi32>,
    %swap3A_1679 = vector.shape_cast %swap3A_1678 : vector<16xi32> to vector<16xi32>
    %swap3A_1680 = vector.shape_cast %add3A_1676 : vector<16xi32> to vector<16xi32>
    tpu.vector_store %arg8[%swap3A_1677], %swap3A_1680 {strides = array<i32>} : memref<512xi32, #tpu.memory_space<vmem>>, vector<16xi32>,
    %get3A_1681 = arith.constant 400 : index
    %get3A_1682 = tpu.vector_load %arg7[%get3A_1681] {strides = array<i32>} : memref<512xi32, #tpu.memory_space<vmem>>, vector<16xi32>,
    %get3A_1683 = vector.shape_cast %get3A_1682 : vector<16xi32> to vector<16xi32>
    %shift_right_logical3A_1684 = arith.constant 14 : i32
    %shift_right_logical3A_1685 = vector.broadcast %shift_right_logical3A_1684 : i32 to vector<16xi32>
    %shift_right_logical3A_1686 = arith.shrui %get3A_1683, %shift_right_logical3A_1685 : vector<16xi32>
    %shift_left3A_1687 = arith.constant 15 : i32
    %shift_left3A_1688 = vector.broadcast %shift_left3A_1687 : i32 to vector<16xi32>
    %shift_left3A_1689 = arith.shli %shift_right_logical3A_1686, %shift_left3A_1688 : vector<16xi32>
    %and3A_1690 = arith.constant 8191 : i32
    %and3A_1691 = vector.broadcast %and3A_1690 : i32 to vector<16xi32>
    %and3A_1692 = arith.andi %get3A_1683, %and3A_1691 : vector<16xi32>
    %shift_left3A_1693 = arith.constant 2 : i32
    %shift_left3A_1694 = vector.broadcast %shift_left3A_1693 : i32 to vector<16xi32>
    %shift_left3A_1695 = arith.shli %and3A_1692, %shift_left3A_1694 : vector<16xi32>
    %add3A_1696 = arith.addi %shift_left3A_1689, %shift_left3A_1695 : vector<16xi32>
    %shift_right_logical3A_1697 = arith.constant 13 : i32
    %shift_right_logical3A_1698 = vector.broadcast %shift_right_logical3A_1697 : i32 to vector<16xi32>
    %shift_right_logical3A_1699 = arith.shrui %get3A_1683, %shift_right_logical3A_1698 : vector<16xi32>
    %and3A_1700 = arith.constant 1 : i32
    %and3A_1701 = vector.broadcast %and3A_1700 : i32 to vector<16xi32>
    %and3A_1702 = arith.andi %shift_right_logical3A_1699, %and3A_1701 : vector<16xi32>
    %shift_left3A_1703 = arith.constant 1 : i32
    %shift_left3A_1704 = vector.broadcast %shift_left3A_1703 : i32 to vector<16xi32>
    %shift_left3A_1705 = arith.shli %and3A_1702, %shift_left3A_1704 : vector<16xi32>
    %add3A_1706 = arith.addi %add3A_1696, %shift_left3A_1705 : vector<16xi32>
    %add3A_1707 = arith.constant 0 : i32
    %add3A_1708 = vector.broadcast %add3A_1707 : i32 to vector<16xi32>
    %add3A_1709 = arith.addi %add3A_1706, %add3A_1708 : vector<16xi32>
    %swap3A_1710 = arith.constant 400 : index
    %swap3A_1711 = tpu.vector_load %arg7[%swap3A_1710] {strides = array<i32>} : memref<512xi32, #tpu.memory_space<vmem>>, vector<16xi32>,
    %swap3A_1712 = vector.shape_cast %swap3A_1711 : vector<16xi32> to vector<16xi32>
    %swap3A_1713 = vector.shape_cast %add3A_1709 : vector<16xi32> to vector<16xi32>
    tpu.vector_store %arg7[%swap3A_1710], %swap3A_1713 {strides = array<i32>} : memref<512xi32, #tpu.memory_space<vmem>>, vector<16xi32>,
    %get3A_1714 = arith.constant 400 : index
    %get3A_1715 = tpu.vector_load %arg8[%get3A_1714] {strides = array<i32>} : memref<512xi32, #tpu.memory_space<vmem>>, vector<16xi32>,
    %get3A_1716 = vector.shape_cast %get3A_1715 : vector<16xi32> to vector<16xi32>
    %shift_right_logical3A_1717 = arith.constant 14 : i32
    %shift_right_logical3A_1718 = vector.broadcast %shift_right_logical3A_1717 : i32 to vector<16xi32>
    %shift_right_logical3A_1719 = arith.shrui %get3A_1716, %shift_right_logical3A_1718 : vector<16xi32>
    %shift_left3A_1720 = arith.constant 15 : i32
    %shift_left3A_1721 = vector.broadcast %shift_left3A_1720 : i32 to vector<16xi32>
    %shift_left3A_1722 = arith.shli %shift_right_logical3A_1719, %shift_left3A_1721 : vector<16xi32>
    %and3A_1723 = arith.constant 8191 : i32
    %and3A_1724 = vector.broadcast %and3A_1723 : i32 to vector<16xi32>
    %and3A_1725 = arith.andi %get3A_1716, %and3A_1724 : vector<16xi32>
    %shift_left3A_1726 = arith.constant 2 : i32
    %shift_left3A_1727 = vector.broadcast %shift_left3A_1726 : i32 to vector<16xi32>
    %shift_left3A_1728 = arith.shli %and3A_1725, %shift_left3A_1727 : vector<16xi32>
    %add3A_1729 = arith.addi %shift_left3A_1722, %shift_left3A_1728 : vector<16xi32>
    %shift_right_logical3A_1730 = arith.constant 13 : i32
    %shift_right_logical3A_1731 = vector.broadcast %shift_right_logical3A_1730 : i32 to vector<16xi32>
    %shift_right_logical3A_1732 = arith.shrui %get3A_1716, %shift_right_logical3A_1731 : vector<16xi32>
    %and3A_1733 = arith.constant 1 : i32
    %and3A_1734 = vector.broadcast %and3A_1733 : i32 to vector<16xi32>
    %and3A_1735 = arith.andi %shift_right_logical3A_1732, %and3A_1734 : vector<16xi32>
    %shift_left3A_1736 = arith.constant 1 : i32
    %shift_left3A_1737 = vector.broadcast %shift_left3A_1736 : i32 to vector<16xi32>
    %shift_left3A_1738 = arith.shli %and3A_1735, %shift_left3A_1737 : vector<16xi32>
    %add3A_1739 = arith.addi %add3A_1729, %shift_left3A_1738 : vector<16xi32>
    %add3A_1740 = arith.constant 1 : i32
    %add3A_1741 = vector.broadcast %add3A_1740 : i32 to vector<16xi32>
    %add3A_1742 = arith.addi %add3A_1739, %add3A_1741 : vector<16xi32>
    %swap3A_1743 = arith.constant 400 : index
    %swap3A_1744 = tpu.vector_load %arg8[%swap3A_1743] {strides = array<i32>} : memref<512xi32, #tpu.memory_space<vmem>>, vector<16xi32>,
    %swap3A_1745 = vector.shape_cast %swap3A_1744 : vector<16xi32> to vector<16xi32>
    %swap3A_1746 = vector.shape_cast %add3A_1742 : vector<16xi32> to vector<16xi32>
    tpu.vector_store %arg8[%swap3A_1743], %swap3A_1746 {strides = array<i32>} : memref<512xi32, #tpu.memory_space<vmem>>, vector<16xi32>,
    %get3A_1747 = arith.constant 416 : index
    %get3A_1748 = tpu.vector_load %arg7[%get3A_1747] {strides = array<i32>} : memref<512xi32, #tpu.memory_space<vmem>>, vector<16xi32>,
    %get3A_1749 = vector.shape_cast %get3A_1748 : vector<16xi32> to vector<16xi32>
    %shift_right_logical3A_1750 = arith.constant 14 : i32
    %shift_right_logical3A_1751 = vector.broadcast %shift_right_logical3A_1750 : i32 to vector<16xi32>
    %shift_right_logical3A_1752 = arith.shrui %get3A_1749, %shift_right_logical3A_1751 : vector<16xi32>
    %shift_left3A_1753 = arith.constant 15 : i32
    %shift_left3A_1754 = vector.broadcast %shift_left3A_1753 : i32 to vector<16xi32>
    %shift_left3A_1755 = arith.shli %shift_right_logical3A_1752, %shift_left3A_1754 : vector<16xi32>
    %and3A_1756 = arith.constant 8191 : i32
    %and3A_1757 = vector.broadcast %and3A_1756 : i32 to vector<16xi32>
    %and3A_1758 = arith.andi %get3A_1749, %and3A_1757 : vector<16xi32>
    %shift_left3A_1759 = arith.constant 2 : i32
    %shift_left3A_1760 = vector.broadcast %shift_left3A_1759 : i32 to vector<16xi32>
    %shift_left3A_1761 = arith.shli %and3A_1758, %shift_left3A_1760 : vector<16xi32>
    %add3A_1762 = arith.addi %shift_left3A_1755, %shift_left3A_1761 : vector<16xi32>
    %shift_right_logical3A_1763 = arith.constant 13 : i32
    %shift_right_logical3A_1764 = vector.broadcast %shift_right_logical3A_1763 : i32 to vector<16xi32>
    %shift_right_logical3A_1765 = arith.shrui %get3A_1749, %shift_right_logical3A_1764 : vector<16xi32>
    %and3A_1766 = arith.constant 1 : i32
    %and3A_1767 = vector.broadcast %and3A_1766 : i32 to vector<16xi32>
    %and3A_1768 = arith.andi %shift_right_logical3A_1765, %and3A_1767 : vector<16xi32>
    %shift_left3A_1769 = arith.constant 1 : i32
    %shift_left3A_1770 = vector.broadcast %shift_left3A_1769 : i32 to vector<16xi32>
    %shift_left3A_1771 = arith.shli %and3A_1768, %shift_left3A_1770 : vector<16xi32>
    %add3A_1772 = arith.addi %add3A_1762, %shift_left3A_1771 : vector<16xi32>
    %add3A_1773 = arith.constant 0 : i32
    %add3A_1774 = vector.broadcast %add3A_1773 : i32 to vector<16xi32>
    %add3A_1775 = arith.addi %add3A_1772, %add3A_1774 : vector<16xi32>
    %swap3A_1776 = arith.constant 416 : index
    %swap3A_1777 = tpu.vector_load %arg7[%swap3A_1776] {strides = array<i32>} : memref<512xi32, #tpu.memory_space<vmem>>, vector<16xi32>,
    %swap3A_1778 = vector.shape_cast %swap3A_1777 : vector<16xi32> to vector<16xi32>
    %swap3A_1779 = vector.shape_cast %add3A_1775 : vector<16xi32> to vector<16xi32>
    tpu.vector_store %arg7[%swap3A_1776], %swap3A_1779 {strides = array<i32>} : memref<512xi32, #tpu.memory_space<vmem>>, vector<16xi32>,
    %get3A_1780 = arith.constant 416 : index
    %get3A_1781 = tpu.vector_load %arg8[%get3A_1780] {strides = array<i32>} : memref<512xi32, #tpu.memory_space<vmem>>, vector<16xi32>,
    %get3A_1782 = vector.shape_cast %get3A_1781 : vector<16xi32> to vector<16xi32>
    %shift_right_logical3A_1783 = arith.constant 14 : i32
    %shift_right_logical3A_1784 = vector.broadcast %shift_right_logical3A_1783 : i32 to vector<16xi32>
    %shift_right_logical3A_1785 = arith.shrui %get3A_1782, %shift_right_logical3A_1784 : vector<16xi32>
    %shift_left3A_1786 = arith.constant 15 : i32
    %shift_left3A_1787 = vector.broadcast %shift_left3A_1786 : i32 to vector<16xi32>
    %shift_left3A_1788 = arith.shli %shift_right_logical3A_1785, %shift_left3A_1787 : vector<16xi32>
    %and3A_1789 = arith.constant 8191 : i32
    %and3A_1790 = vector.broadcast %and3A_1789 : i32 to vector<16xi32>
    %and3A_1791 = arith.andi %get3A_1782, %and3A_1790 : vector<16xi32>
    %shift_left3A_1792 = arith.constant 2 : i32
    %shift_left3A_1793 = vector.broadcast %shift_left3A_1792 : i32 to vector<16xi32>
    %shift_left3A_1794 = arith.shli %and3A_1791, %shift_left3A_1793 : vector<16xi32>
    %add3A_1795 = arith.addi %shift_left3A_1788, %shift_left3A_1794 : vector<16xi32>
    %shift_right_logical3A_1796 = arith.constant 13 : i32
    %shift_right_logical3A_1797 = vector.broadcast %shift_right_logical3A_1796 : i32 to vector<16xi32>
    %shift_right_logical3A_1798 = arith.shrui %get3A_1782, %shift_right_logical3A_1797 : vector<16xi32>
    %and3A_1799 = arith.constant 1 : i32
    %and3A_1800 = vector.broadcast %and3A_1799 : i32 to vector<16xi32>
    %and3A_1801 = arith.andi %shift_right_logical3A_1798, %and3A_1800 : vector<16xi32>
    %shift_left3A_1802 = arith.constant 1 : i32
    %shift_left3A_1803 = vector.broadcast %shift_left3A_1802 : i32 to vector<16xi32>
    %shift_left3A_1804 = arith.shli %and3A_1801, %shift_left3A_1803 : vector<16xi32>
    %add3A_1805 = arith.addi %add3A_1795, %shift_left3A_1804 : vector<16xi32>
    %add3A_1806 = arith.constant 1 : i32
    %add3A_1807 = vector.broadcast %add3A_1806 : i32 to vector<16xi32>
    %add3A_1808 = arith.addi %add3A_1805, %add3A_1807 : vector<16xi32>
    %swap3A_1809 = arith.constant 416 : index
    %swap3A_1810 = tpu.vector_load %arg8[%swap3A_1809] {strides = array<i32>} : memref<512xi32, #tpu.memory_space<vmem>>, vector<16xi32>,
    %swap3A_1811 = vector.shape_cast %swap3A_1810 : vector<16xi32> to vector<16xi32>
    %swap3A_1812 = vector.shape_cast %add3A_1808 : vector<16xi32> to vector<16xi32>
    tpu.vector_store %arg8[%swap3A_1809], %swap3A_1812 {strides = array<i32>} : memref<512xi32, #tpu.memory_space<vmem>>, vector<16xi32>,
    %get3A_1813 = arith.constant 432 : index
    %get3A_1814 = tpu.vector_load %arg7[%get3A_1813] {strides = array<i32>} : memref<512xi32, #tpu.memory_space<vmem>>, vector<16xi32>,
    %get3A_1815 = vector.shape_cast %get3A_1814 : vector<16xi32> to vector<16xi32>
    %shift_right_logical3A_1816 = arith.constant 14 : i32
    %shift_right_logical3A_1817 = vector.broadcast %shift_right_logical3A_1816 : i32 to vector<16xi32>
    %shift_right_logical3A_1818 = arith.shrui %get3A_1815, %shift_right_logical3A_1817 : vector<16xi32>
    %shift_left3A_1819 = arith.constant 15 : i32
    %shift_left3A_1820 = vector.broadcast %shift_left3A_1819 : i32 to vector<16xi32>
    %shift_left3A_1821 = arith.shli %shift_right_logical3A_1818, %shift_left3A_1820 : vector<16xi32>
    %and3A_1822 = arith.constant 8191 : i32
    %and3A_1823 = vector.broadcast %and3A_1822 : i32 to vector<16xi32>
    %and3A_1824 = arith.andi %get3A_1815, %and3A_1823 : vector<16xi32>
    %shift_left3A_1825 = arith.constant 2 : i32
    %shift_left3A_1826 = vector.broadcast %shift_left3A_1825 : i32 to vector<16xi32>
    %shift_left3A_1827 = arith.shli %and3A_1824, %shift_left3A_1826 : vector<16xi32>
    %add3A_1828 = arith.addi %shift_left3A_1821, %shift_left3A_1827 : vector<16xi32>
    %shift_right_logical3A_1829 = arith.constant 13 : i32
    %shift_right_logical3A_1830 = vector.broadcast %shift_right_logical3A_1829 : i32 to vector<16xi32>
    %shift_right_logical3A_1831 = arith.shrui %get3A_1815, %shift_right_logical3A_1830 : vector<16xi32>
    %and3A_1832 = arith.constant 1 : i32
    %and3A_1833 = vector.broadcast %and3A_1832 : i32 to vector<16xi32>
    %and3A_1834 = arith.andi %shift_right_logical3A_1831, %and3A_1833 : vector<16xi32>
    %shift_left3A_1835 = arith.constant 1 : i32
    %shift_left3A_1836 = vector.broadcast %shift_left3A_1835 : i32 to vector<16xi32>
    %shift_left3A_1837 = arith.shli %and3A_1834, %shift_left3A_1836 : vector<16xi32>
    %add3A_1838 = arith.addi %add3A_1828, %shift_left3A_1837 : vector<16xi32>
    %add3A_1839 = arith.constant 0 : i32
    %add3A_1840 = vector.broadcast %add3A_1839 : i32 to vector<16xi32>
    %add3A_1841 = arith.addi %add3A_1838, %add3A_1840 : vector<16xi32>
    %swap3A_1842 = arith.constant 432 : index
    %swap3A_1843 = tpu.vector_load %arg7[%swap3A_1842] {strides = array<i32>} : memref<512xi32, #tpu.memory_space<vmem>>, vector<16xi32>,
    %swap3A_1844 = vector.shape_cast %swap3A_1843 : vector<16xi32> to vector<16xi32>
    %swap3A_1845 = vector.shape_cast %add3A_1841 : vector<16xi32> to vector<16xi32>
    tpu.vector_store %arg7[%swap3A_1842], %swap3A_1845 {strides = array<i32>} : memref<512xi32, #tpu.memory_space<vmem>>, vector<16xi32>,
    %get3A_1846 = arith.constant 432 : index
    %get3A_1847 = tpu.vector_load %arg8[%get3A_1846] {strides = array<i32>} : memref<512xi32, #tpu.memory_space<vmem>>, vector<16xi32>,
    %get3A_1848 = vector.shape_cast %get3A_1847 : vector<16xi32> to vector<16xi32>
    %shift_right_logical3A_1849 = arith.constant 14 : i32
    %shift_right_logical3A_1850 = vector.broadcast %shift_right_logical3A_1849 : i32 to vector<16xi32>
    %shift_right_logical3A_1851 = arith.shrui %get3A_1848, %shift_right_logical3A_1850 : vector<16xi32>
    %shift_left3A_1852 = arith.constant 15 : i32
    %shift_left3A_1853 = vector.broadcast %shift_left3A_1852 : i32 to vector<16xi32>
    %shift_left3A_1854 = arith.shli %shift_right_logical3A_1851, %shift_left3A_1853 : vector<16xi32>
    %and3A_1855 = arith.constant 8191 : i32
    %and3A_1856 = vector.broadcast %and3A_1855 : i32 to vector<16xi32>
    %and3A_1857 = arith.andi %get3A_1848, %and3A_1856 : vector<16xi32>
    %shift_left3A_1858 = arith.constant 2 : i32
    %shift_left3A_1859 = vector.broadcast %shift_left3A_1858 : i32 to vector<16xi32>
    %shift_left3A_1860 = arith.shli %and3A_1857, %shift_left3A_1859 : vector<16xi32>
    %add3A_1861 = arith.addi %shift_left3A_1854, %shift_left3A_1860 : vector<16xi32>
    %shift_right_logical3A_1862 = arith.constant 13 : i32
    %shift_right_logical3A_1863 = vector.broadcast %shift_right_logical3A_1862 : i32 to vector<16xi32>
    %shift_right_logical3A_1864 = arith.shrui %get3A_1848, %shift_right_logical3A_1863 : vector<16xi32>
    %and3A_1865 = arith.constant 1 : i32
    %and3A_1866 = vector.broadcast %and3A_1865 : i32 to vector<16xi32>
    %and3A_1867 = arith.andi %shift_right_logical3A_1864, %and3A_1866 : vector<16xi32>
    %shift_left3A_1868 = arith.constant 1 : i32
    %shift_left3A_1869 = vector.broadcast %shift_left3A_1868 : i32 to vector<16xi32>
    %shift_left3A_1870 = arith.shli %and3A_1867, %shift_left3A_1869 : vector<16xi32>
    %add3A_1871 = arith.addi %add3A_1861, %shift_left3A_1870 : vector<16xi32>
    %add3A_1872 = arith.constant 1 : i32
    %add3A_1873 = vector.broadcast %add3A_1872 : i32 to vector<16xi32>
    %add3A_1874 = arith.addi %add3A_1871, %add3A_1873 : vector<16xi32>
    %swap3A_1875 = arith.constant 432 : index
    %swap3A_1876 = tpu.vector_load %arg8[%swap3A_1875] {strides = array<i32>} : memref<512xi32, #tpu.memory_space<vmem>>, vector<16xi32>,
    %swap3A_1877 = vector.shape_cast %swap3A_1876 : vector<16xi32> to vector<16xi32>
    %swap3A_1878 = vector.shape_cast %add3A_1874 : vector<16xi32> to vector<16xi32>
    tpu.vector_store %arg8[%swap3A_1875], %swap3A_1878 {strides = array<i32>} : memref<512xi32, #tpu.memory_space<vmem>>, vector<16xi32>,
    %get3A_1879 = arith.constant 448 : index
    %get3A_1880 = tpu.vector_load %arg7[%get3A_1879] {strides = array<i32>} : memref<512xi32, #tpu.memory_space<vmem>>, vector<16xi32>,
    %get3A_1881 = vector.shape_cast %get3A_1880 : vector<16xi32> to vector<16xi32>
    %shift_right_logical3A_1882 = arith.constant 14 : i32
    %shift_right_logical3A_1883 = vector.broadcast %shift_right_logical3A_1882 : i32 to vector<16xi32>
    %shift_right_logical3A_1884 = arith.shrui %get3A_1881, %shift_right_logical3A_1883 : vector<16xi32>
    %shift_left3A_1885 = arith.constant 15 : i32
    %shift_left3A_1886 = vector.broadcast %shift_left3A_1885 : i32 to vector<16xi32>
    %shift_left3A_1887 = arith.shli %shift_right_logical3A_1884, %shift_left3A_1886 : vector<16xi32>
    %and3A_1888 = arith.constant 8191 : i32
    %and3A_1889 = vector.broadcast %and3A_1888 : i32 to vector<16xi32>
    %and3A_1890 = arith.andi %get3A_1881, %and3A_1889 : vector<16xi32>
    %shift_left3A_1891 = arith.constant 2 : i32
    %shift_left3A_1892 = vector.broadcast %shift_left3A_1891 : i32 to vector<16xi32>
    %shift_left3A_1893 = arith.shli %and3A_1890, %shift_left3A_1892 : vector<16xi32>
    %add3A_1894 = arith.addi %shift_left3A_1887, %shift_left3A_1893 : vector<16xi32>
    %shift_right_logical3A_1895 = arith.constant 13 : i32
    %shift_right_logical3A_1896 = vector.broadcast %shift_right_logical3A_1895 : i32 to vector<16xi32>
    %shift_right_logical3A_1897 = arith.shrui %get3A_1881, %shift_right_logical3A_1896 : vector<16xi32>
    %and3A_1898 = arith.constant 1 : i32
    %and3A_1899 = vector.broadcast %and3A_1898 : i32 to vector<16xi32>
    %and3A_1900 = arith.andi %shift_right_logical3A_1897, %and3A_1899 : vector<16xi32>
    %shift_left3A_1901 = arith.constant 1 : i32
    %shift_left3A_1902 = vector.broadcast %shift_left3A_1901 : i32 to vector<16xi32>
    %shift_left3A_1903 = arith.shli %and3A_1900, %shift_left3A_1902 : vector<16xi32>
    %add3A_1904 = arith.addi %add3A_1894, %shift_left3A_1903 : vector<16xi32>
    %add3A_1905 = arith.constant 0 : i32
    %add3A_1906 = vector.broadcast %add3A_1905 : i32 to vector<16xi32>
    %add3A_1907 = arith.addi %add3A_1904, %add3A_1906 : vector<16xi32>
    %swap3A_1908 = arith.constant 448 : index
    %swap3A_1909 = tpu.vector_load %arg7[%swap3A_1908] {strides = array<i32>} : memref<512xi32, #tpu.memory_space<vmem>>, vector<16xi32>,
    %swap3A_1910 = vector.shape_cast %swap3A_1909 : vector<16xi32> to vector<16xi32>
    %swap3A_1911 = vector.shape_cast %add3A_1907 : vector<16xi32> to vector<16xi32>
    tpu.vector_store %arg7[%swap3A_1908], %swap3A_1911 {strides = array<i32>} : memref<512xi32, #tpu.memory_space<vmem>>, vector<16xi32>,
    %get3A_1912 = arith.constant 448 : index
    %get3A_1913 = tpu.vector_load %arg8[%get3A_1912] {strides = array<i32>} : memref<512xi32, #tpu.memory_space<vmem>>, vector<16xi32>,
    %get3A_1914 = vector.shape_cast %get3A_1913 : vector<16xi32> to vector<16xi32>
    %shift_right_logical3A_1915 = arith.constant 14 : i32
    %shift_right_logical3A_1916 = vector.broadcast %shift_right_logical3A_1915 : i32 to vector<16xi32>
    %shift_right_logical3A_1917 = arith.shrui %get3A_1914, %shift_right_logical3A_1916 : vector<16xi32>
    %shift_left3A_1918 = arith.constant 15 : i32
    %shift_left3A_1919 = vector.broadcast %shift_left3A_1918 : i32 to vector<16xi32>
    %shift_left3A_1920 = arith.shli %shift_right_logical3A_1917, %shift_left3A_1919 : vector<16xi32>
    %and3A_1921 = arith.constant 8191 : i32
    %and3A_1922 = vector.broadcast %and3A_1921 : i32 to vector<16xi32>
    %and3A_1923 = arith.andi %get3A_1914, %and3A_1922 : vector<16xi32>
    %shift_left3A_1924 = arith.constant 2 : i32
    %shift_left3A_1925 = vector.broadcast %shift_left3A_1924 : i32 to vector<16xi32>
    %shift_left3A_1926 = arith.shli %and3A_1923, %shift_left3A_1925 : vector<16xi32>
    %add3A_1927 = arith.addi %shift_left3A_1920, %shift_left3A_1926 : vector<16xi32>
    %shift_right_logical3A_1928 = arith.constant 13 : i32
    %shift_right_logical3A_1929 = vector.broadcast %shift_right_logical3A_1928 : i32 to vector<16xi32>
    %shift_right_logical3A_1930 = arith.shrui %get3A_1914, %shift_right_logical3A_1929 : vector<16xi32>
    %and3A_1931 = arith.constant 1 : i32
    %and3A_1932 = vector.broadcast %and3A_1931 : i32 to vector<16xi32>
    %and3A_1933 = arith.andi %shift_right_logical3A_1930, %and3A_1932 : vector<16xi32>
    %shift_left3A_1934 = arith.constant 1 : i32
    %shift_left3A_1935 = vector.broadcast %shift_left3A_1934 : i32 to vector<16xi32>
    %shift_left3A_1936 = arith.shli %and3A_1933, %shift_left3A_1935 : vector<16xi32>
    %add3A_1937 = arith.addi %add3A_1927, %shift_left3A_1936 : vector<16xi32>
    %add3A_1938 = arith.constant 1 : i32
    %add3A_1939 = vector.broadcast %add3A_1938 : i32 to vector<16xi32>
    %add3A_1940 = arith.addi %add3A_1937, %add3A_1939 : vector<16xi32>
    %swap3A_1941 = arith.constant 448 : index
    %swap3A_1942 = tpu.vector_load %arg8[%swap3A_1941] {strides = array<i32>} : memref<512xi32, #tpu.memory_space<vmem>>, vector<16xi32>,
    %swap3A_1943 = vector.shape_cast %swap3A_1942 : vector<16xi32> to vector<16xi32>
    %swap3A_1944 = vector.shape_cast %add3A_1940 : vector<16xi32> to vector<16xi32>
    tpu.vector_store %arg8[%swap3A_1941], %swap3A_1944 {strides = array<i32>} : memref<512xi32, #tpu.memory_space<vmem>>, vector<16xi32>,
    %get3A_1945 = arith.constant 464 : index
    %get3A_1946 = tpu.vector_load %arg7[%get3A_1945] {strides = array<i32>} : memref<512xi32, #tpu.memory_space<vmem>>, vector<16xi32>,
    %get3A_1947 = vector.shape_cast %get3A_1946 : vector<16xi32> to vector<16xi32>
    %shift_right_logical3A_1948 = arith.constant 14 : i32
    %shift_right_logical3A_1949 = vector.broadcast %shift_right_logical3A_1948 : i32 to vector<16xi32>
    %shift_right_logical3A_1950 = arith.shrui %get3A_1947, %shift_right_logical3A_1949 : vector<16xi32>
    %shift_left3A_1951 = arith.constant 15 : i32
    %shift_left3A_1952 = vector.broadcast %shift_left3A_1951 : i32 to vector<16xi32>
    %shift_left3A_1953 = arith.shli %shift_right_logical3A_1950, %shift_left3A_1952 : vector<16xi32>
    %and3A_1954 = arith.constant 8191 : i32
    %and3A_1955 = vector.broadcast %and3A_1954 : i32 to vector<16xi32>
    %and3A_1956 = arith.andi %get3A_1947, %and3A_1955 : vector<16xi32>
    %shift_left3A_1957 = arith.constant 2 : i32
    %shift_left3A_1958 = vector.broadcast %shift_left3A_1957 : i32 to vector<16xi32>
    %shift_left3A_1959 = arith.shli %and3A_1956, %shift_left3A_1958 : vector<16xi32>
    %add3A_1960 = arith.addi %shift_left3A_1953, %shift_left3A_1959 : vector<16xi32>
    %shift_right_logical3A_1961 = arith.constant 13 : i32
    %shift_right_logical3A_1962 = vector.broadcast %shift_right_logical3A_1961 : i32 to vector<16xi32>
    %shift_right_logical3A_1963 = arith.shrui %get3A_1947, %shift_right_logical3A_1962 : vector<16xi32>
    %and3A_1964 = arith.constant 1 : i32
    %and3A_1965 = vector.broadcast %and3A_1964 : i32 to vector<16xi32>
    %and3A_1966 = arith.andi %shift_right_logical3A_1963, %and3A_1965 : vector<16xi32>
    %shift_left3A_1967 = arith.constant 1 : i32
    %shift_left3A_1968 = vector.broadcast %shift_left3A_1967 : i32 to vector<16xi32>
    %shift_left3A_1969 = arith.shli %and3A_1966, %shift_left3A_1968 : vector<16xi32>
    %add3A_1970 = arith.addi %add3A_1960, %shift_left3A_1969 : vector<16xi32>
    %add3A_1971 = arith.constant 0 : i32
    %add3A_1972 = vector.broadcast %add3A_1971 : i32 to vector<16xi32>
    %add3A_1973 = arith.addi %add3A_1970, %add3A_1972 : vector<16xi32>
    %swap3A_1974 = arith.constant 464 : index
    %swap3A_1975 = tpu.vector_load %arg7[%swap3A_1974] {strides = array<i32>} : memref<512xi32, #tpu.memory_space<vmem>>, vector<16xi32>,
    %swap3A_1976 = vector.shape_cast %swap3A_1975 : vector<16xi32> to vector<16xi32>
    %swap3A_1977 = vector.shape_cast %add3A_1973 : vector<16xi32> to vector<16xi32>
    tpu.vector_store %arg7[%swap3A_1974], %swap3A_1977 {strides = array<i32>} : memref<512xi32, #tpu.memory_space<vmem>>, vector<16xi32>,
    %get3A_1978 = arith.constant 464 : index
    %get3A_1979 = tpu.vector_load %arg8[%get3A_1978] {strides = array<i32>} : memref<512xi32, #tpu.memory_space<vmem>>, vector<16xi32>,
    %get3A_1980 = vector.shape_cast %get3A_1979 : vector<16xi32> to vector<16xi32>
    %shift_right_logical3A_1981 = arith.constant 14 : i32
    %shift_right_logical3A_1982 = vector.broadcast %shift_right_logical3A_1981 : i32 to vector<16xi32>
    %shift_right_logical3A_1983 = arith.shrui %get3A_1980, %shift_right_logical3A_1982 : vector<16xi32>
    %shift_left3A_1984 = arith.constant 15 : i32
    %shift_left3A_1985 = vector.broadcast %shift_left3A_1984 : i32 to vector<16xi32>
    %shift_left3A_1986 = arith.shli %shift_right_logical3A_1983, %shift_left3A_1985 : vector<16xi32>
    %and3A_1987 = arith.constant 8191 : i32
    %and3A_1988 = vector.broadcast %and3A_1987 : i32 to vector<16xi32>
    %and3A_1989 = arith.andi %get3A_1980, %and3A_1988 : vector<16xi32>
    %shift_left3A_1990 = arith.constant 2 : i32
    %shift_left3A_1991 = vector.broadcast %shift_left3A_1990 : i32 to vector<16xi32>
    %shift_left3A_1992 = arith.shli %and3A_1989, %shift_left3A_1991 : vector<16xi32>
    %add3A_1993 = arith.addi %shift_left3A_1986, %shift_left3A_1992 : vector<16xi32>
    %shift_right_logical3A_1994 = arith.constant 13 : i32
    %shift_right_logical3A_1995 = vector.broadcast %shift_right_logical3A_1994 : i32 to vector<16xi32>
    %shift_right_logical3A_1996 = arith.shrui %get3A_1980, %shift_right_logical3A_1995 : vector<16xi32>
    %and3A_1997 = arith.constant 1 : i32
    %and3A_1998 = vector.broadcast %and3A_1997 : i32 to vector<16xi32>
    %and3A_1999 = arith.andi %shift_right_logical3A_1996, %and3A_1998 : vector<16xi32>
    %shift_left3A_2000 = arith.constant 1 : i32
    %shift_left3A_2001 = vector.broadcast %shift_left3A_2000 : i32 to vector<16xi32>
    %shift_left3A_2002 = arith.shli %and3A_1999, %shift_left3A_2001 : vector<16xi32>
    %add3A_2003 = arith.addi %add3A_1993, %shift_left3A_2002 : vector<16xi32>
    %add3A_2004 = arith.constant 1 : i32
    %add3A_2005 = vector.broadcast %add3A_2004 : i32 to vector<16xi32>
    %add3A_2006 = arith.addi %add3A_2003, %add3A_2005 : vector<16xi32>
    %swap3A_2007 = arith.constant 464 : index
    %swap3A_2008 = tpu.vector_load %arg8[%swap3A_2007] {strides = array<i32>} : memref<512xi32, #tpu.memory_space<vmem>>, vector<16xi32>,
    %swap3A_2009 = vector.shape_cast %swap3A_2008 : vector<16xi32> to vector<16xi32>
    %swap3A_2010 = vector.shape_cast %add3A_2006 : vector<16xi32> to vector<16xi32>
    tpu.vector_store %arg8[%swap3A_2007], %swap3A_2010 {strides = array<i32>} : memref<512xi32, #tpu.memory_space<vmem>>, vector<16xi32>,
    %get3A_2011 = arith.constant 480 : index
    %get3A_2012 = tpu.vector_load %arg7[%get3A_2011] {strides = array<i32>} : memref<512xi32, #tpu.memory_space<vmem>>, vector<16xi32>,
    %get3A_2013 = vector.shape_cast %get3A_2012 : vector<16xi32> to vector<16xi32>
    %shift_right_logical3A_2014 = arith.constant 14 : i32
    %shift_right_logical3A_2015 = vector.broadcast %shift_right_logical3A_2014 : i32 to vector<16xi32>
    %shift_right_logical3A_2016 = arith.shrui %get3A_2013, %shift_right_logical3A_2015 : vector<16xi32>
    %shift_left3A_2017 = arith.constant 15 : i32
    %shift_left3A_2018 = vector.broadcast %shift_left3A_2017 : i32 to vector<16xi32>
    %shift_left3A_2019 = arith.shli %shift_right_logical3A_2016, %shift_left3A_2018 : vector<16xi32>
    %and3A_2020 = arith.constant 8191 : i32
    %and3A_2021 = vector.broadcast %and3A_2020 : i32 to vector<16xi32>
    %and3A_2022 = arith.andi %get3A_2013, %and3A_2021 : vector<16xi32>
    %shift_left3A_2023 = arith.constant 2 : i32
    %shift_left3A_2024 = vector.broadcast %shift_left3A_2023 : i32 to vector<16xi32>
    %shift_left3A_2025 = arith.shli %and3A_2022, %shift_left3A_2024 : vector<16xi32>
    %add3A_2026 = arith.addi %shift_left3A_2019, %shift_left3A_2025 : vector<16xi32>
    %shift_right_logical3A_2027 = arith.constant 13 : i32
    %shift_right_logical3A_2028 = vector.broadcast %shift_right_logical3A_2027 : i32 to vector<16xi32>
    %shift_right_logical3A_2029 = arith.shrui %get3A_2013, %shift_right_logical3A_2028 : vector<16xi32>
    %and3A_2030 = arith.constant 1 : i32
    %and3A_2031 = vector.broadcast %and3A_2030 : i32 to vector<16xi32>
    %and3A_2032 = arith.andi %shift_right_logical3A_2029, %and3A_2031 : vector<16xi32>
    %shift_left3A_2033 = arith.constant 1 : i32
    %shift_left3A_2034 = vector.broadcast %shift_left3A_2033 : i32 to vector<16xi32>
    %shift_left3A_2035 = arith.shli %and3A_2032, %shift_left3A_2034 : vector<16xi32>
    %add3A_2036 = arith.addi %add3A_2026, %shift_left3A_2035 : vector<16xi32>
    %add3A_2037 = arith.constant 0 : i32
    %add3A_2038 = vector.broadcast %add3A_2037 : i32 to vector<16xi32>
    %add3A_2039 = arith.addi %add3A_2036, %add3A_2038 : vector<16xi32>
    %swap3A_2040 = arith.constant 480 : index
    %swap3A_2041 = tpu.vector_load %arg7[%swap3A_2040] {strides = array<i32>} : memref<512xi32, #tpu.memory_space<vmem>>, vector<16xi32>,
    %swap3A_2042 = vector.shape_cast %swap3A_2041 : vector<16xi32> to vector<16xi32>
    %swap3A_2043 = vector.shape_cast %add3A_2039 : vector<16xi32> to vector<16xi32>
    tpu.vector_store %arg7[%swap3A_2040], %swap3A_2043 {strides = array<i32>} : memref<512xi32, #tpu.memory_space<vmem>>, vector<16xi32>,
    %get3A_2044 = arith.constant 480 : index
    %get3A_2045 = tpu.vector_load %arg8[%get3A_2044] {strides = array<i32>} : memref<512xi32, #tpu.memory_space<vmem>>, vector<16xi32>,
    %get3A_2046 = vector.shape_cast %get3A_2045 : vector<16xi32> to vector<16xi32>
    %shift_right_logical3A_2047 = arith.constant 14 : i32
    %shift_right_logical3A_2048 = vector.broadcast %shift_right_logical3A_2047 : i32 to vector<16xi32>
    %shift_right_logical3A_2049 = arith.shrui %get3A_2046, %shift_right_logical3A_2048 : vector<16xi32>
    %shift_left3A_2050 = arith.constant 15 : i32
    %shift_left3A_2051 = vector.broadcast %shift_left3A_2050 : i32 to vector<16xi32>
    %shift_left3A_2052 = arith.shli %shift_right_logical3A_2049, %shift_left3A_2051 : vector<16xi32>
    %and3A_2053 = arith.constant 8191 : i32
    %and3A_2054 = vector.broadcast %and3A_2053 : i32 to vector<16xi32>
    %and3A_2055 = arith.andi %get3A_2046, %and3A_2054 : vector<16xi32>
    %shift_left3A_2056 = arith.constant 2 : i32
    %shift_left3A_2057 = vector.broadcast %shift_left3A_2056 : i32 to vector<16xi32>
    %shift_left3A_2058 = arith.shli %and3A_2055, %shift_left3A_2057 : vector<16xi32>
    %add3A_2059 = arith.addi %shift_left3A_2052, %shift_left3A_2058 : vector<16xi32>
    %shift_right_logical3A_2060 = arith.constant 13 : i32
    %shift_right_logical3A_2061 = vector.broadcast %shift_right_logical3A_2060 : i32 to vector<16xi32>
    %shift_right_logical3A_2062 = arith.shrui %get3A_2046, %shift_right_logical3A_2061 : vector<16xi32>
    %and3A_2063 = arith.constant 1 : i32
    %and3A_2064 = vector.broadcast %and3A_2063 : i32 to vector<16xi32>
    %and3A_2065 = arith.andi %shift_right_logical3A_2062, %and3A_2064 : vector<16xi32>
    %shift_left3A_2066 = arith.constant 1 : i32
    %shift_left3A_2067 = vector.broadcast %shift_left3A_2066 : i32 to vector<16xi32>
    %shift_left3A_2068 = arith.shli %and3A_2065, %shift_left3A_2067 : vector<16xi32>
    %add3A_2069 = arith.addi %add3A_2059, %shift_left3A_2068 : vector<16xi32>
    %add3A_2070 = arith.constant 1 : i32
    %add3A_2071 = vector.broadcast %add3A_2070 : i32 to vector<16xi32>
    %add3A_2072 = arith.addi %add3A_2069, %add3A_2071 : vector<16xi32>
    %swap3A_2073 = arith.constant 480 : index
    %swap3A_2074 = tpu.vector_load %arg8[%swap3A_2073] {strides = array<i32>} : memref<512xi32, #tpu.memory_space<vmem>>, vector<16xi32>,
    %swap3A_2075 = vector.shape_cast %swap3A_2074 : vector<16xi32> to vector<16xi32>
    %swap3A_2076 = vector.shape_cast %add3A_2072 : vector<16xi32> to vector<16xi32>
    tpu.vector_store %arg8[%swap3A_2073], %swap3A_2076 {strides = array<i32>} : memref<512xi32, #tpu.memory_space<vmem>>, vector<16xi32>,
    %get3A_2077 = arith.constant 496 : index
    %get3A_2078 = tpu.vector_load %arg7[%get3A_2077] {strides = array<i32>} : memref<512xi32, #tpu.memory_space<vmem>>, vector<16xi32>,
    %get3A_2079 = vector.shape_cast %get3A_2078 : vector<16xi32> to vector<16xi32>
    %shift_right_logical3A_2080 = arith.constant 14 : i32
    %shift_right_logical3A_2081 = vector.broadcast %shift_right_logical3A_2080 : i32 to vector<16xi32>
    %shift_right_logical3A_2082 = arith.shrui %get3A_2079, %shift_right_logical3A_2081 : vector<16xi32>
    %shift_left3A_2083 = arith.constant 15 : i32
    %shift_left3A_2084 = vector.broadcast %shift_left3A_2083 : i32 to vector<16xi32>
    %shift_left3A_2085 = arith.shli %shift_right_logical3A_2082, %shift_left3A_2084 : vector<16xi32>
    %and3A_2086 = arith.constant 8191 : i32
    %and3A_2087 = vector.broadcast %and3A_2086 : i32 to vector<16xi32>
    %and3A_2088 = arith.andi %get3A_2079, %and3A_2087 : vector<16xi32>
    %shift_left3A_2089 = arith.constant 2 : i32
    %shift_left3A_2090 = vector.broadcast %shift_left3A_2089 : i32 to vector<16xi32>
    %shift_left3A_2091 = arith.shli %and3A_2088, %shift_left3A_2090 : vector<16xi32>
    %add3A_2092 = arith.addi %shift_left3A_2085, %shift_left3A_2091 : vector<16xi32>
    %shift_right_logical3A_2093 = arith.constant 13 : i32
    %shift_right_logical3A_2094 = vector.broadcast %shift_right_logical3A_2093 : i32 to vector<16xi32>
    %shift_right_logical3A_2095 = arith.shrui %get3A_2079, %shift_right_logical3A_2094 : vector<16xi32>
    %and3A_2096 = arith.constant 1 : i32
    %and3A_2097 = vector.broadcast %and3A_2096 : i32 to vector<16xi32>
    %and3A_2098 = arith.andi %shift_right_logical3A_2095, %and3A_2097 : vector<16xi32>
    %shift_left3A_2099 = arith.constant 1 : i32
    %shift_left3A_2100 = vector.broadcast %shift_left3A_2099 : i32 to vector<16xi32>
    %shift_left3A_2101 = arith.shli %and3A_2098, %shift_left3A_2100 : vector<16xi32>
    %add3A_2102 = arith.addi %add3A_2092, %shift_left3A_2101 : vector<16xi32>
    %add3A_2103 = arith.constant 0 : i32
    %add3A_2104 = vector.broadcast %add3A_2103 : i32 to vector<16xi32>
    %add3A_2105 = arith.addi %add3A_2102, %add3A_2104 : vector<16xi32>
    %swap3A_2106 = arith.constant 496 : index
    %swap3A_2107 = tpu.vector_load %arg7[%swap3A_2106] {strides = array<i32>} : memref<512xi32, #tpu.memory_space<vmem>>, vector<16xi32>,
    %swap3A_2108 = vector.shape_cast %swap3A_2107 : vector<16xi32> to vector<16xi32>
    %swap3A_2109 = vector.shape_cast %add3A_2105 : vector<16xi32> to vector<16xi32>
    tpu.vector_store %arg7[%swap3A_2106], %swap3A_2109 {strides = array<i32>} : memref<512xi32, #tpu.memory_space<vmem>>, vector<16xi32>,
    %get3A_2110 = arith.constant 496 : index
    %get3A_2111 = tpu.vector_load %arg8[%get3A_2110] {strides = array<i32>} : memref<512xi32, #tpu.memory_space<vmem>>, vector<16xi32>,
    %get3A_2112 = vector.shape_cast %get3A_2111 : vector<16xi32> to vector<16xi32>
    %shift_right_logical3A_2113 = arith.constant 14 : i32
    %shift_right_logical3A_2114 = vector.broadcast %shift_right_logical3A_2113 : i32 to vector<16xi32>
    %shift_right_logical3A_2115 = arith.shrui %get3A_2112, %shift_right_logical3A_2114 : vector<16xi32>
    %shift_left3A_2116 = arith.constant 15 : i32
    %shift_left3A_2117 = vector.broadcast %shift_left3A_2116 : i32 to vector<16xi32>
    %shift_left3A_2118 = arith.shli %shift_right_logical3A_2115, %shift_left3A_2117 : vector<16xi32>
    %and3A_2119 = arith.constant 8191 : i32
    %and3A_2120 = vector.broadcast %and3A_2119 : i32 to vector<16xi32>
    %and3A_2121 = arith.andi %get3A_2112, %and3A_2120 : vector<16xi32>
    %shift_left3A_2122 = arith.constant 2 : i32
    %shift_left3A_2123 = vector.broadcast %shift_left3A_2122 : i32 to vector<16xi32>
    %shift_left3A_2124 = arith.shli %and3A_2121, %shift_left3A_2123 : vector<16xi32>
    %add3A_2125 = arith.addi %shift_left3A_2118, %shift_left3A_2124 : vector<16xi32>
    %shift_right_logical3A_2126 = arith.constant 13 : i32
    %shift_right_logical3A_2127 = vector.broadcast %shift_right_logical3A_2126 : i32 to vector<16xi32>
    %shift_right_logical3A_2128 = arith.shrui %get3A_2112, %shift_right_logical3A_2127 : vector<16xi32>
    %and3A_2129 = arith.constant 1 : i32
    %and3A_2130 = vector.broadcast %and3A_2129 : i32 to vector<16xi32>
    %and3A_2131 = arith.andi %shift_right_logical3A_2128, %and3A_2130 : vector<16xi32>
    %shift_left3A_2132 = arith.constant 1 : i32
    %shift_left3A_2133 = vector.broadcast %shift_left3A_2132 : i32 to vector<16xi32>
    %shift_left3A_2134 = arith.shli %and3A_2131, %shift_left3A_2133 : vector<16xi32>
    %add3A_2135 = arith.addi %add3A_2125, %shift_left3A_2134 : vector<16xi32>
    %add3A_2136 = arith.constant 1 : i32
    %add3A_2137 = vector.broadcast %add3A_2136 : i32 to vector<16xi32>
    %add3A_2138 = arith.addi %add3A_2135, %add3A_2137 : vector<16xi32>
    %swap3A_2139 = arith.constant 496 : index
    %swap3A_2140 = tpu.vector_load %arg8[%swap3A_2139] {strides = array<i32>} : memref<512xi32, #tpu.memory_space<vmem>>, vector<16xi32>,
    %swap3A_2141 = vector.shape_cast %swap3A_2140 : vector<16xi32> to vector<16xi32>
    %swap3A_2142 = vector.shape_cast %add3A_2138 : vector<16xi32> to vector<16xi32>
    tpu.vector_store %arg8[%swap3A_2139], %swap3A_2142 {strides = array<i32>} : memref<512xi32, #tpu.memory_space<vmem>>, vector<16xi32>,
    %dma_start3A = arith.constant 0 : i32
    %dma_start3A_2143 = arith.constant 0 : i32
    %dma_start3A_2144 = tpu.memref_slice %arg4[%dma_start3A, %dma_start3A_2143] : memref<229376x32xf32, #tpu.memory_space<hbm>> -> memref<229376x32xf32, #tpu.memory_space<hbm>>
    tpu.enqueue_indirect_dma source(%dma_start3A_2144 : memref<229376x32xf32, #tpu.memory_space<hbm>>) target(%arg9 : memref<512x32xf32, #tpu.memory_space<vmem>>) offsets(%arg7 : memref<512xi32, #tpu.memory_space<vmem>>) semaphore(%arg11 : memref<!tpu.dma_semaphore, #tpu.memory_space<semaphore_mem>>)
    %dma_start3A_2145 = arith.constant 0 : i32
    %dma_start3A_2146 = arith.constant 0 : i32
    %dma_start3A_2147 = tpu.memref_slice %arg4[%dma_start3A_2145, %dma_start3A_2146] : memref<229376x32xf32, #tpu.memory_space<hbm>> -> memref<229376x32xf32, #tpu.memory_space<hbm>>
    tpu.enqueue_indirect_dma source(%dma_start3A_2147 : memref<229376x32xf32, #tpu.memory_space<hbm>>) target(%arg10 : memref<512x32xf32, #tpu.memory_space<vmem>>) offsets(%arg8 : memref<512xi32, #tpu.memory_space<vmem>>) semaphore(%arg12 : memref<!tpu.dma_semaphore, #tpu.memory_space<semaphore_mem>>)
    %dma_wait3A = arith.constant 0 : i32
    %dma_wait3A_2148 = arith.constant 0 : i32
    %dma_wait3A_2149 = tpu.memref_slice %arg4[%dma_wait3A, %dma_wait3A_2148] : memref<229376x32xf32, #tpu.memory_space<hbm>> -> memref<229376x32xf32, #tpu.memory_space<hbm>>
    tpu.wait_indirect_dma semaphore(%arg11 : memref<!tpu.dma_semaphore, #tpu.memory_space<semaphore_mem>>) src(%dma_wait3A_2149 : memref<229376x32xf32, #tpu.memory_space<hbm>>) dst(%arg9 : memref<512x32xf32, #tpu.memory_space<vmem>>)
    %dma_wait3A_2150 = arith.constant 0 : i32
    %dma_wait3A_2151 = arith.constant 0 : i32
    %dma_wait3A_2152 = tpu.memref_slice %arg4[%dma_wait3A_2150, %dma_wait3A_2151] : memref<229376x32xf32, #tpu.memory_space<hbm>> -> memref<229376x32xf32, #tpu.memory_space<hbm>>
    tpu.wait_indirect_dma semaphore(%arg12 : memref<!tpu.dma_semaphore, #tpu.memory_space<semaphore_mem>>) src(%dma_wait3A_2152 : memref<229376x32xf32, #tpu.memory_space<hbm>>) dst(%arg10 : memref<512x32xf32, #tpu.memory_space<vmem>>)
    %mul3A_2153 = arith.constant 32 : i32
    %mul3A_2154 = arith.muli %mul3A_2153, %select_n3A : i32
    "tpu.region"() ({
      %run_scoped3A = tpu.sem_alloc : memref<!tpu.dma_semaphore, #tpu.memory_space<semaphore_mem>>
      %dma_start3A_2157 = tpu.memref_slice %arg5[%mul3A_34, %mul3A_2154] : memref<4096x128xf32, #tpu.memory_space<hbm>> -> memref<512x32xf32, #tpu.memory_space<hbm>>
      %dma_start3A_2158 = tpu.memref_slice %arg5[%mul3A_34, %mul3A_2154] : memref<4096x128xf32, #tpu.memory_space<hbm>> -> memref<512x32xf32, #tpu.memory_space<hbm>>
      tpu.enqueue_dma source(%arg9 : memref<512x32xf32, #tpu.memory_space<vmem>>) target(%dma_start3A_2158 : memref<512x32xf32, #tpu.memory_space<hbm>>) target_semaphore(%run_scoped3A : memref<!tpu.dma_semaphore, #tpu.memory_space<semaphore_mem>>)
      %dma_wait3A_2159 = tpu.memref_slice %arg5[%mul3A_34, %mul3A_2154] : memref<4096x128xf32, #tpu.memory_space<hbm>> -> memref<512x32xf32, #tpu.memory_space<hbm>>
      %dma_wait3A_2160 = tpu.memref_slice %arg5[%mul3A_34, %mul3A_2154] : memref<4096x128xf32, #tpu.memory_space<hbm>> -> memref<512x32xf32, #tpu.memory_space<hbm>>
      tpu.wait_dma2 semaphore(%run_scoped3A : memref<!tpu.dma_semaphore, #tpu.memory_space<semaphore_mem>>) src(%arg9 : memref<512x32xf32, #tpu.memory_space<vmem>>) dst(%dma_wait3A_2160 : memref<512x32xf32, #tpu.memory_space<hbm>>)
      tpu.yield
    }) : () -> ()
    %mul3A_2155 = arith.constant 32 : i32
    %mul3A_2156 = arith.muli %mul3A_2155, %select_n3A : i32
    "tpu.region"() ({
      %run_scoped3A = tpu.sem_alloc : memref<!tpu.dma_semaphore, #tpu.memory_space<semaphore_mem>>
      %dma_start3A_2157 = tpu.memref_slice %arg6[%mul3A_34, %mul3A_2156] : memref<4096x128xf32, #tpu.memory_space<hbm>> -> memref<512x32xf32, #tpu.memory_space<hbm>>
      %dma_start3A_2158 = tpu.memref_slice %arg6[%mul3A_34, %mul3A_2156] : memref<4096x128xf32, #tpu.memory_space<hbm>> -> memref<512x32xf32, #tpu.memory_space<hbm>>
      tpu.enqueue_dma source(%arg10 : memref<512x32xf32, #tpu.memory_space<vmem>>) target(%dma_start3A_2158 : memref<512x32xf32, #tpu.memory_space<hbm>>) target_semaphore(%run_scoped3A : memref<!tpu.dma_semaphore, #tpu.memory_space<semaphore_mem>>)
      %dma_wait3A_2159 = tpu.memref_slice %arg6[%mul3A_34, %mul3A_2156] : memref<4096x128xf32, #tpu.memory_space<hbm>> -> memref<512x32xf32, #tpu.memory_space<hbm>>
      %dma_wait3A_2160 = tpu.memref_slice %arg6[%mul3A_34, %mul3A_2156] : memref<4096x128xf32, #tpu.memory_space<hbm>> -> memref<512x32xf32, #tpu.memory_space<hbm>>
      tpu.wait_dma2 semaphore(%run_scoped3A : memref<!tpu.dma_semaphore, #tpu.memory_space<semaphore_mem>>) src(%arg10 : memref<512x32xf32, #tpu.memory_space<vmem>>) dst(%dma_wait3A_2160 : memref<512x32xf32, #tpu.memory_space<hbm>>)
      tpu.yield
    }) : () -> ()
    return
  }
}

module attributes {stable_mosaic.version = 14 : i64} {
  func.func @_repack_body(%arg0: i32, %arg1: memref<64x16384xf32, #tpu.memory_space<vmem>>, %arg2: memref<64x16384xf32, #tpu.memory_space<vmem>>, %arg3: memref<8192x128xf32, #tpu.memory_space<vmem>>) attributes {dimension_semantics = [#tpu.dimension_semantics<arbitrary>], iteration_bounds = array<i64: 7>, scalar_prefetch = 0 : i64, scratch_operands = 0 : i64, tpu.core_type = #tpu.core_type<tc>, window_params = [{transform_indices = @transform_0, window_bounds = array<i64: 64, 16384>}, {transform_indices = @transform_1, window_bounds = array<i64: 64, 16384>}, {transform_indices = @transform_2, window_bounds = array<i64: 8192, 128>}]} {
    %get3A = arith.constant 0 : index
    %get3A_0 = arith.constant 0 : index
    %get3A_1 = vector.load %arg1[%get3A, %get3A_0] : memref<64x16384xf32, #tpu.memory_space<vmem>>, vector<64x16384xf32>
    %convert_element_type3A = arith.truncf %get3A_1 : vector<64x16384xf32> to vector<64x16384xbf16>
    %convert_element_type3A_2 = arith.extf %convert_element_type3A : vector<64x16384xbf16> to vector<64x16384xf32>
    %bitcast_convert_type3A = tpu.bitcast %convert_element_type3A_2 : vector<64x16384xf32> -> vector<64x16384xi32>
    %slice3A = vector.extract_strided_slice %bitcast_convert_type3A {offsets = [0, 0], sizes = [32, 16384], strides = [1, 1]} : vector<64x16384xi32> to vector<32x16384xi32>
    %shift_right_logical3A = arith.constant 16 : i32
    %shift_right_logical3A_3 = vector.broadcast %shift_right_logical3A : i32 to vector<32x16384xi32>
    %shift_right_logical3A_4 = arith.shrui %slice3A, %shift_right_logical3A_3 : vector<32x16384xi32>
    %slice3A_5 = vector.extract_strided_slice %bitcast_convert_type3A {offsets = [32, 0], sizes = [32, 16384], strides = [1, 1]} : vector<64x16384xi32> to vector<32x16384xi32>
    %and3A = arith.constant -65536 : i32
    %and3A_6 = vector.broadcast %and3A : i32 to vector<32x16384xi32>
    %and3A_7 = arith.andi %slice3A_5, %and3A_6 : vector<32x16384xi32>
    %or3A = arith.ori %and3A_7, %shift_right_logical3A_4 : vector<32x16384xi32>
    %get3A_8 = arith.constant 0 : index
    %get3A_9 = arith.constant 0 : index
    %get3A_10 = vector.load %arg2[%get3A_8, %get3A_9] : memref<64x16384xf32, #tpu.memory_space<vmem>>, vector<64x16384xf32>
    %convert_element_type3A_11 = arith.truncf %get3A_10 : vector<64x16384xf32> to vector<64x16384xbf16>
    %convert_element_type3A_12 = arith.extf %convert_element_type3A_11 : vector<64x16384xbf16> to vector<64x16384xf32>
    %bitcast_convert_type3A_13 = tpu.bitcast %convert_element_type3A_12 : vector<64x16384xf32> -> vector<64x16384xi32>
    %slice3A_14 = vector.extract_strided_slice %bitcast_convert_type3A_13 {offsets = [0, 0], sizes = [32, 16384], strides = [1, 1]} : vector<64x16384xi32> to vector<32x16384xi32>
    %shift_right_logical3A_15 = arith.constant 16 : i32
    %shift_right_logical3A_16 = vector.broadcast %shift_right_logical3A_15 : i32 to vector<32x16384xi32>
    %shift_right_logical3A_17 = arith.shrui %slice3A_14, %shift_right_logical3A_16 : vector<32x16384xi32>
    %slice3A_18 = vector.extract_strided_slice %bitcast_convert_type3A_13 {offsets = [32, 0], sizes = [32, 16384], strides = [1, 1]} : vector<64x16384xi32> to vector<32x16384xi32>
    %and3A_19 = arith.constant -65536 : i32
    %and3A_20 = vector.broadcast %and3A_19 : i32 to vector<32x16384xi32>
    %and3A_21 = arith.andi %slice3A_18, %and3A_20 : vector<32x16384xi32>
    %or3A_22 = arith.ori %and3A_21, %shift_right_logical3A_17 : vector<32x16384xi32>
    %slice3A_23 = vector.extract_strided_slice %or3A {offsets = [0, 0], sizes = [32, 8192], strides = [1, 1]} : vector<32x16384xi32> to vector<32x8192xi32>
    %slice3A_24 = vector.extract_strided_slice %or3A_22 {offsets = [0, 0], sizes = [32, 8192], strides = [1, 1]} : vector<32x16384xi32> to vector<32x8192xi32>
    %slice3A_25 = vector.extract_strided_slice %or3A {offsets = [0, 8192], sizes = [32, 8192], strides = [1, 1]} : vector<32x16384xi32> to vector<32x8192xi32>
    %slice3A_26 = vector.extract_strided_slice %or3A_22 {offsets = [0, 8192], sizes = [32, 8192], strides = [1, 1]} : vector<32x16384xi32> to vector<32x8192xi32>
    %concatenate3A = tpu.concatenate %slice3A_23, %slice3A_24, %slice3A_25, %slice3A_26 in 0 : vector<32x8192xi32>, vector<32x8192xi32>, vector<32x8192xi32>, vector<32x8192xi32> -> vector<128x8192xi32>
    %bitcast_convert_type3A_27 = tpu.bitcast %concatenate3A : vector<128x8192xi32> -> vector<128x8192xf32>
    %transpose3A = tpu.transpose %bitcast_convert_type3A_27, [1, 0] : vector<128x8192xf32> -> vector<8192x128xf32>
    %swap3A = arith.constant 0 : index
    %swap3A_28 = arith.constant 0 : index
    %swap3A_29 = vector.load %arg3[%swap3A, %swap3A_28] : memref<8192x128xf32, #tpu.memory_space<vmem>>, vector<8192x128xf32>
    tpu.vector_store %arg3[%swap3A, %swap3A_28], %transpose3A {strides = array<i32>} : memref<8192x128xf32, #tpu.memory_space<vmem>>, vector<8192x128xf32>,
    return
  }
  func.func @transform_0(%arg0: i32) -> (i32, i32) {
    %c0_i32 = arith.constant 0 : i32
    %c0_i32_0 = arith.constant 0 : i32
    return %c0_i32, %arg0 : i32, i32
  }
  func.func @transform_1(%arg0: i32) -> (i32, i32) {
    %c0_i32 = arith.constant 0 : i32
    %c0_i32_0 = arith.constant 0 : i32
    return %c0_i32, %arg0 : i32, i32
  }
  func.func @transform_2(%arg0: i32) -> (i32, i32) {
    %c0_i32 = arith.constant 0 : i32
    %c0_i32_0 = arith.constant 0 : i32
    return %arg0, %c0_i32 : i32, i32
  }
}

module attributes {stable_mosaic.version = 14 : i64} {
  func.func @_mlp_body(%arg0: i32, %arg1: memref<4096x128xf32, #tpu.memory_space<vmem>>, %arg2: memref<4096x128xf32, #tpu.memory_space<vmem>>, %arg3: memref<128x256xbf16, #tpu.memory_space<vmem>>, %arg4: memref<128x256xbf16, #tpu.memory_space<vmem>>, %arg5: memref<128x256xbf16, #tpu.memory_space<vmem>>, %arg6: memref<128x256xbf16, #tpu.memory_space<vmem>>, %arg7: memref<1x256xf32, #tpu.memory_space<vmem>>, %arg8: memref<256x128xbf16, #tpu.memory_space<vmem>>, %arg9: memref<1x128xf32, #tpu.memory_space<vmem>>, %arg10: memref<128x4xbf16, #tpu.memory_space<vmem>>, %arg11: memref<1x4xf32, #tpu.memory_space<vmem>>, %arg12: memref<4x4096xf32, #tpu.memory_space<vmem>>) attributes {dimension_semantics = [#tpu.dimension_semantics<arbitrary>], iteration_bounds = array<i64: 1>, scalar_prefetch = 0 : i64, scratch_operands = 0 : i64, tpu.core_type = #tpu.core_type<tc>, window_params = [{transform_indices = @transform_0, window_bounds = array<i64: 4096, 128>}, {transform_indices = @transform_1, window_bounds = array<i64: 4096, 128>}, {pipeline_mode = #tpu.pipeline_mode<synchronous>, transform_indices = @transform_2, window_bounds = array<i64: 128, 256>}, {pipeline_mode = #tpu.pipeline_mode<synchronous>, transform_indices = @transform_3, window_bounds = array<i64: 128, 256>}, {pipeline_mode = #tpu.pipeline_mode<synchronous>, transform_indices = @transform_4, window_bounds = array<i64: 128, 256>}, {pipeline_mode = #tpu.pipeline_mode<synchronous>, transform_indices = @transform_5, window_bounds = array<i64: 128, 256>}, {pipeline_mode = #tpu.pipeline_mode<synchronous>, transform_indices = @transform_6, window_bounds = array<i64: 1, 256>}, {pipeline_mode = #tpu.pipeline_mode<synchronous>, transform_indices = @transform_7, window_bounds = array<i64: 256, 128>}, {pipeline_mode = #tpu.pipeline_mode<synchronous>, transform_indices = @transform_8, window_bounds = array<i64: 1, 128>}, {pipeline_mode = #tpu.pipeline_mode<synchronous>, transform_indices = @transform_9, window_bounds = array<i64: 128, 4>}, {pipeline_mode = #tpu.pipeline_mode<synchronous>, transform_indices = @transform_10, window_bounds = array<i64: 1, 4>}, {transform_indices = @transform_11, window_bounds = array<i64: 4, 4096>}]} {
    %get3A = arith.constant 0 : index
    %get3A_0 = arith.constant 0 : index
    %get3A_1 = vector.load %arg1[%get3A, %get3A_0] : memref<4096x128xf32, #tpu.memory_space<vmem>>, vector<4096x128xf32>
    %bitcast_convert_type3A = tpu.bitcast %get3A_1 : vector<4096x128xf32> -> vector<4096x128xi32>
    %shift_left3A = arith.constant 16 : i32
    %shift_left3A_2 = vector.broadcast %shift_left3A : i32 to vector<4096x128xi32>
    %shift_left3A_3 = arith.shli %bitcast_convert_type3A, %shift_left3A_2 : vector<4096x128xi32>
    %bitcast_convert_type3A_4 = tpu.bitcast %shift_left3A_3 : vector<4096x128xi32> -> vector<4096x128xf32>
    %and3A = arith.constant -65536 : i32
    %and3A_5 = vector.broadcast %and3A : i32 to vector<4096x128xi32>
    %and3A_6 = arith.andi %bitcast_convert_type3A, %and3A_5 : vector<4096x128xi32>
    %bitcast_convert_type3A_7 = tpu.bitcast %and3A_6 : vector<4096x128xi32> -> vector<4096x128xf32>
    %convert_element_type3A = arith.truncf %bitcast_convert_type3A_4 : vector<4096x128xf32> to vector<4096x128xbf16>
    %convert_element_type3A_8 = arith.truncf %bitcast_convert_type3A_7 : vector<4096x128xf32> to vector<4096x128xbf16>
    %get3A_9 = arith.constant 0 : index
    %get3A_10 = arith.constant 0 : index
    %get3A_11 = vector.load %arg2[%get3A_9, %get3A_10] : memref<4096x128xf32, #tpu.memory_space<vmem>>, vector<4096x128xf32>
    %bitcast_convert_type3A_12 = tpu.bitcast %get3A_11 : vector<4096x128xf32> -> vector<4096x128xi32>
    %shift_left3A_13 = arith.constant 16 : i32
    %shift_left3A_14 = vector.broadcast %shift_left3A_13 : i32 to vector<4096x128xi32>
    %shift_left3A_15 = arith.shli %bitcast_convert_type3A_12, %shift_left3A_14 : vector<4096x128xi32>
    %bitcast_convert_type3A_16 = tpu.bitcast %shift_left3A_15 : vector<4096x128xi32> -> vector<4096x128xf32>
    %and3A_17 = arith.constant -65536 : i32
    %and3A_18 = vector.broadcast %and3A_17 : i32 to vector<4096x128xi32>
    %and3A_19 = arith.andi %bitcast_convert_type3A_12, %and3A_18 : vector<4096x128xi32>
    %bitcast_convert_type3A_20 = tpu.bitcast %and3A_19 : vector<4096x128xi32> -> vector<4096x128xf32>
    %convert_element_type3A_21 = arith.truncf %bitcast_convert_type3A_16 : vector<4096x128xf32> to vector<4096x128xbf16>
    %convert_element_type3A_22 = arith.truncf %bitcast_convert_type3A_20 : vector<4096x128xf32> to vector<4096x128xbf16>
    %get3A_23 = arith.constant 0 : index
    %get3A_24 = arith.constant 0 : index
    %get3A_25 = vector.load %arg3[%get3A_23, %get3A_24] : memref<128x256xbf16, #tpu.memory_space<vmem>>, vector<128x256xbf16>
    %dot_general3A = arith.constant dense<0.000000e+00> : vector<4096x256xf32>
    %dot_general3A_26 = tpu.matmul %convert_element_type3A, %get3A_25, %dot_general3A {dimension_numbers = #tpu.dot_dimension_numbers<[1], [0], [0], [1], [0, 0, 1, 1], [], []>, transpose_lhs_hint = false} : vector<4096x128xbf16>, vector<128x256xbf16>, vector<4096x256xf32> -> vector<4096x256xf32>
    %get3A_27 = arith.constant 0 : index
    %get3A_28 = arith.constant 0 : index
    %get3A_29 = vector.load %arg4[%get3A_27, %get3A_28] : memref<128x256xbf16, #tpu.memory_space<vmem>>, vector<128x256xbf16>
    %dot_general3A_30 = arith.constant dense<0.000000e+00> : vector<4096x256xf32>
    %dot_general3A_31 = tpu.matmul %convert_element_type3A_8, %get3A_29, %dot_general3A_30 {dimension_numbers = #tpu.dot_dimension_numbers<[1], [0], [0], [1], [0, 0, 1, 1], [], []>, transpose_lhs_hint = false} : vector<4096x128xbf16>, vector<128x256xbf16>, vector<4096x256xf32> -> vector<4096x256xf32>
    %add3A = arith.addf %dot_general3A_26, %dot_general3A_31 : vector<4096x256xf32>
    %get3A_32 = arith.constant 0 : index
    %get3A_33 = arith.constant 0 : index
    %get3A_34 = vector.load %arg5[%get3A_32, %get3A_33] : memref<128x256xbf16, #tpu.memory_space<vmem>>, vector<128x256xbf16>
    %dot_general3A_35 = arith.constant dense<0.000000e+00> : vector<4096x256xf32>
    %dot_general3A_36 = tpu.matmul %convert_element_type3A_21, %get3A_34, %dot_general3A_35 {dimension_numbers = #tpu.dot_dimension_numbers<[1], [0], [0], [1], [0, 0, 1, 1], [], []>, transpose_lhs_hint = false} : vector<4096x128xbf16>, vector<128x256xbf16>, vector<4096x256xf32> -> vector<4096x256xf32>
    %add3A_37 = arith.addf %add3A, %dot_general3A_36 : vector<4096x256xf32>
    %get3A_38 = arith.constant 0 : index
    %get3A_39 = arith.constant 0 : index
    %get3A_40 = vector.load %arg6[%get3A_38, %get3A_39] : memref<128x256xbf16, #tpu.memory_space<vmem>>, vector<128x256xbf16>
    %dot_general3A_41 = arith.constant dense<0.000000e+00> : vector<4096x256xf32>
    %dot_general3A_42 = tpu.matmul %convert_element_type3A_22, %get3A_40, %dot_general3A_41 {dimension_numbers = #tpu.dot_dimension_numbers<[1], [0], [0], [1], [0, 0, 1, 1], [], []>, transpose_lhs_hint = false} : vector<4096x128xbf16>, vector<128x256xbf16>, vector<4096x256xf32> -> vector<4096x256xf32>
    %add3A_43 = arith.addf %add3A_37, %dot_general3A_42 : vector<4096x256xf32>
    %get3A_44 = arith.constant 0 : index
    %get3A_45 = arith.constant 0 : index
    %get3A_46 = vector.load %arg7[%get3A_44, %get3A_45] : memref<1x256xf32, #tpu.memory_space<vmem>>, vector<1x256xf32>
    %add3A_47 = vector.broadcast %get3A_46 : vector<1x256xf32> to vector<4096x256xf32>
    %add3A_48 = arith.addf %add3A_43, %add3A_47 : vector<4096x256xf32>
    %max3A = arith.constant 0.000000e+00 : f32
    %max3A_49 = vector.broadcast %max3A : f32 to vector<4096x256xf32>
    %max3A_50 = arith.maximumf %add3A_48, %max3A_49 : vector<4096x256xf32>
    %convert_element_type3A_51 = arith.truncf %max3A_50 : vector<4096x256xf32> to vector<4096x256xbf16>
    %get3A_52 = arith.constant 0 : index
    %get3A_53 = arith.constant 0 : index
    %get3A_54 = vector.load %arg8[%get3A_52, %get3A_53] : memref<256x128xbf16, #tpu.memory_space<vmem>>, vector<256x128xbf16>
    %dot_general3A_55 = arith.constant dense<0.000000e+00> : vector<4096x128xf32>
    %dot_general3A_56 = tpu.matmul %convert_element_type3A_51, %get3A_54, %dot_general3A_55 {dimension_numbers = #tpu.dot_dimension_numbers<[1], [0], [0], [1], [0, 0, 1, 1], [], []>, transpose_lhs_hint = false} : vector<4096x256xbf16>, vector<256x128xbf16>, vector<4096x128xf32> -> vector<4096x128xf32>
    %get3A_57 = arith.constant 0 : index
    %get3A_58 = arith.constant 0 : index
    %get3A_59 = vector.load %arg9[%get3A_57, %get3A_58] : memref<1x128xf32, #tpu.memory_space<vmem>>, vector<1x128xf32>
    %add3A_60 = vector.broadcast %get3A_59 : vector<1x128xf32> to vector<4096x128xf32>
    %add3A_61 = arith.addf %dot_general3A_56, %add3A_60 : vector<4096x128xf32>
    %max3A_62 = arith.constant 0.000000e+00 : f32
    %max3A_63 = vector.broadcast %max3A_62 : f32 to vector<4096x128xf32>
    %max3A_64 = arith.maximumf %add3A_61, %max3A_63 : vector<4096x128xf32>
    %convert_element_type3A_65 = arith.truncf %max3A_64 : vector<4096x128xf32> to vector<4096x128xbf16>
    %get3A_66 = arith.constant 0 : index
    %get3A_67 = arith.constant 0 : index
    %get3A_68 = vector.load %arg10[%get3A_66, %get3A_67] : memref<128x4xbf16, #tpu.memory_space<vmem>>, vector<128x4xbf16>
    %dot_general3A_69 = arith.constant dense<0.000000e+00> : vector<4096x4xf32>
    %dot_general3A_70 = tpu.matmul %convert_element_type3A_65, %get3A_68, %dot_general3A_69 {dimension_numbers = #tpu.dot_dimension_numbers<[1], [0], [0], [1], [0, 0, 1, 1], [], []>, transpose_lhs_hint = false} : vector<4096x128xbf16>, vector<128x4xbf16>, vector<4096x4xf32> -> vector<4096x4xf32>
    %get3A_71 = arith.constant 0 : index
    %get3A_72 = arith.constant 0 : index
    %get3A_73 = vector.load %arg11[%get3A_71, %get3A_72] : memref<1x4xf32, #tpu.memory_space<vmem>>, vector<1x4xf32>
    %add3A_74 = vector.broadcast %get3A_73 : vector<1x4xf32> to vector<4096x4xf32>
    %add3A_75 = arith.addf %dot_general3A_70, %add3A_74 : vector<4096x4xf32>
    %logistic3A = arith.negf %add3A_75 : vector<4096x4xf32>
    %logistic3A_76 = math.exp %logistic3A : vector<4096x4xf32>
    %logistic3A_77 = arith.constant 1.000000e+00 : f32
    %logistic3A_78 = vector.broadcast %logistic3A_77 : f32 to vector<4096x4xf32>
    %logistic3A_79 = arith.addf %logistic3A_78, %logistic3A_76 : vector<4096x4xf32>
    %logistic3A_80 = arith.divf %logistic3A_78, %logistic3A_79 : vector<4096x4xf32>
    %transpose3A = tpu.transpose %logistic3A_80, [1, 0] : vector<4096x4xf32> -> vector<4x4096xf32>
    %swap3A = arith.constant 0 : index
    %swap3A_81 = arith.constant 0 : index
    %swap3A_82 = vector.load %arg12[%swap3A, %swap3A_81] : memref<4x4096xf32, #tpu.memory_space<vmem>>, vector<4x4096xf32>
    tpu.vector_store %arg12[%swap3A, %swap3A_81], %transpose3A {strides = array<i32>} : memref<4x4096xf32, #tpu.memory_space<vmem>>, vector<4x4096xf32>,
    return
  }
  func.func @transform_0(%arg0: i32) -> (i32, i32) {
    %c0_i32 = arith.constant 0 : i32
    %c0_i32_0 = arith.constant 0 : i32
    return %arg0, %c0_i32 : i32, i32
  }
  func.func @transform_1(%arg0: i32) -> (i32, i32) {
    %c0_i32 = arith.constant 0 : i32
    %c0_i32_0 = arith.constant 0 : i32
    return %arg0, %c0_i32 : i32, i32
  }
  func.func @transform_2(%arg0: i32) -> (i32, i32) {
    %c0_i32 = arith.constant 0 : i32
    %c0_i32_0 = arith.constant 0 : i32
    %c0_i32_1 = arith.constant 0 : i32
    return %c0_i32, %c0_i32_0 : i32, i32
  }
  func.func @transform_3(%arg0: i32) -> (i32, i32) {
    %c0_i32 = arith.constant 0 : i32
    %c0_i32_0 = arith.constant 0 : i32
    %c0_i32_1 = arith.constant 0 : i32
    return %c0_i32, %c0_i32_0 : i32, i32
  }
  func.func @transform_4(%arg0: i32) -> (i32, i32) {
    %c0_i32 = arith.constant 0 : i32
    %c0_i32_0 = arith.constant 0 : i32
    %c0_i32_1 = arith.constant 0 : i32
    return %c0_i32, %c0_i32_0 : i32, i32
  }
  func.func @transform_5(%arg0: i32) -> (i32, i32) {
    %c0_i32 = arith.constant 0 : i32
    %c0_i32_0 = arith.constant 0 : i32
    %c0_i32_1 = arith.constant 0 : i32
    return %c0_i32, %c0_i32_0 : i32, i32
  }
  func.func @transform_6(%arg0: i32) -> (i32, i32) {
    %c0_i32 = arith.constant 0 : i32
    %c0_i32_0 = arith.constant 0 : i32
    %c0_i32_1 = arith.constant 0 : i32
    return %c0_i32, %c0_i32_0 : i32, i32
  }
  func.func @transform_7(%arg0: i32) -> (i32, i32) {
    %c0_i32 = arith.constant 0 : i32
    %c0_i32_0 = arith.constant 0 : i32
    %c0_i32_1 = arith.constant 0 : i32
    return %c0_i32, %c0_i32_0 : i32, i32
  }
  func.func @transform_8(%arg0: i32) -> (i32, i32) {
    %c0_i32 = arith.constant 0 : i32
    %c0_i32_0 = arith.constant 0 : i32
    %c0_i32_1 = arith.constant 0 : i32
    return %c0_i32, %c0_i32_0 : i32, i32
  }
  func.func @transform_9(%arg0: i32) -> (i32, i32) {
    %c0_i32 = arith.constant 0 : i32
    %c0_i32_0 = arith.constant 0 : i32
    %c0_i32_1 = arith.constant 0 : i32
    return %c0_i32, %c0_i32_0 : i32, i32
  }
  func.func @transform_10(%arg0: i32) -> (i32, i32) {
    %c0_i32 = arith.constant 0 : i32
    %c0_i32_0 = arith.constant 0 : i32
    %c0_i32_1 = arith.constant 0 : i32
    return %c0_i32, %c0_i32_0 : i32, i32
  }
  func.func @transform_11(%arg0: i32) -> (i32, i32) {
    %c0_i32 = arith.constant 0 : i32
    %c0_i32_0 = arith.constant 0 : i32
    return %c0_i32, %arg0 : i32, i32
  }
}

</mosaic_0001>

<sc_bundles>
// kernel: kernel.5.cloned.1.call-start
scs
__scs_entry_jumppad:
0x0: {  	(pc) =	sbr.rel $0x88, $3  }
0x1: {  	(tag) =	ssettag $0x0;
	lr =	simm.s32 $0x1  }
0x2: {  	[smem:$0x3F97] =	sst lr;
	_ =	strace $0xD0000000  }
0x3: {  	_ = 	snop  }
0x4: {  	_ = 	snop  }
0x5: {  	_ = 	snop  }
0x6: {  	_ = 	snop  }
0x7: {  	_ = 	snop  }
__scs_overlays_trampoline_lowered:
0x8: {  	[smem:$0x3FA6] =	sst s0  }
0x9: {  	[smem:$0x3FA7] =	sst s1  }
0xa: {  	[smem:$0x3FA8] =	sst s2  }
0xb: {  	[smem:$0x3FA9] =	sst s3  }
0xc: {  	[smem:$0x3FAA] =	sst s4  }
0xd: {  	[smem:$0x3FAB] =	sst s5  }
0xe: {  	[smem:$0x3FAC] =	sst s6  }
0xf: {  	[smem:$0x3FAD] =	sst s7  }
0x10: {  	[smem:$0x3FAE] =	sst s8  }
0x11: {  	[smem:$0x3FAF] =	sst s9;
	s0 =	simm.s32 @!p0 $0x0  }
0x12: {  	s1 =	sld [smem:$0x3F95];
	s0 =	simm.s32 @p0 $0x1  }
0x13: {  	[smem:$0x3FB0] =	sst s0;
	s0 =	simm.s32 @!p1 $0x0  }
0x14: {  	s2 =	sld [smem:$0x3F94];
	s0 =	simm.s32 @p1 $0x1  }
0x15: {  	[smem:$0x3FB1] =	sst s0;
	s0 =	simm.s32 @!p2 $0x0  }
0x16: {  	s3 =	sld [smem:$0x3FDB];
	s0 =	simm.s32 @p2 $0x1  }
0x17: {  	s4 =	simm.s32 $0x1BF5;
	[smem:$0x3FB3] =	sst s0  }
0x18: {  	s0 =	sld [smem:$0x3F96];
	_ =	swait.ge [sflag:s4], $0x0  }
0x19: {  	s7 =	sld [smem:$0x3F97]  }
0x1a: {  	s8 =	sadd.s32 $0xFFFFE003, lr  }
0x1b: {  	s9 =	sadd.s32 $0xFFFFFEF7, lr;
	s5 =	simm.s32 $0xFFFFFFFF;
	p2 =	slt.u32 s8, $0xFFFFF086  }
0x1c: {  	p1 =	slt.u32 s9, $0xF7A;
	s5 =	simm.s32 @!p2 $0x0  }
0x1d: {  	s5 =	simm.s32 @p1 $0x1;
	p0 =	seq.s32 s7, s2  }
0x1e: {  	s7 =	smul.u32 @!p0 $0xF7A, s2;
	p2 =	seq.s32 @!p0 s5, $0x0  }
0x1f: {  	s9 =	smul.u32 $0xF7A, s1;
	s8 =	simm.s32 @!p0 $0x1BF5;
	p2 =	por !p2, p0  }
0x20: {  	[sflag:s8] =	ssyncset.s32 @!p0 $0xFFFFF086;
	s6 =	sadd.s32 @!p0 s3, s7;
	s7 =	simm.s32 @!p0 $0x108  }
0x21: {  	s3 =	sadd.s32 s3, s9;
	s6 =	sadd.s32 @!p0 $0x88, s6;
	s7 =	simm.s32 @p2 $0x1082  }
0x22: {  	[simem:s7], [sflag:s8] =	dma.local @!p0 [hbm:s6], $0xF7A  }
0x23: {  	s9 =	sor.u32 $0xD0000000, s2;
	s6 =	simm.s32 $0x108;
	_ =	swait.ge @!p0 [sflag:s8], $0x0  }
0x24: {  	s3 =	sadd.s32 $0x88, s3;
	s6 =	simm.s32 @!p1 $0x1082;
	[sflag:s4] =	ssyncset.s32 $0xFFFFF086  }
0x25: {  	[simem:s6], [sflag:s4] =	dma.local [hbm:s3], $0xF7A  }
0x26: {  	[smem:$0x3F97] =	sst s1;
	(tag) =	ssettag s2;
	_ =	strace s9  }
0x27: {  	s1 =	sld [smem:$0x3FA7]  }
0x28: {  	s2 =	sld [smem:$0x3FA8]  }
0x29: {  	s4 =	sld [smem:$0x3FAA]  }
0x2a: {  	p0 =	seq.s32 s5, $0x0;
	s5 =	sld [smem:$0x3FAB]  }
0x2b: {  	s6 =	sld [smem:$0x3FAC]  }
0x2c: {  	s7 =	sld [smem:$0x3FAD]  }
0x2d: {  	s3 =	simm.s32 $0x108;
	s8 =	sld [smem:$0x3FAE]  }
0x2e: {  	s3 =	simm.s32 @!p0 $0x1082;
	s9 =	sld [smem:$0x3FAF]  }
0x2f: {  	lr =	sadd.s32 s0, s3;
	s0 =	sld [smem:$0x3FA6]  }
0x30: {  	s3 =	sld [smem:$0x3FA9]  }
0x31: {  	[smem:$0x3FB2] =	sst s10  }
0x32: {  	s10 =	sld [smem:$0x3FB0];
	_ =	sdelay $0x3  }
0x33: {  	p0 =	seq.s32 s10, $0x1;
	s10 =	sld [smem:$0x3FB2];
	_ =	sdelay $0x3  }
0x34: {  	[smem:$0x3FB2] =	sst s10  }
0x35: {  	s10 =	sld [smem:$0x3FB1];
	_ =	sdelay $0x3  }
0x36: {  	p1 =	seq.s32 s10, $0x1;
	s10 =	sld [smem:$0x3FB2];
	_ =	sdelay $0x3  }
0x37: {  	[smem:$0x3FB2] =	sst s10  }
0x38: {  	s10 =	sld [smem:$0x3FB3]  }
0x39: {  	_ = 	snop;
	(pc) =	sbr.ind lr, $3  }
0x3a: {  	_ = 	snop  }
0x3b: {  	_ = 	snop  }
0x3c: {  	p2 =	seq.s32 s10, $0x1;
	s10 =	sld [smem:$0x3FB2]  }
0x3d: {  	_ =	shalt  }
0x3e: {  	_ =	shalt  }
0x3f: {  	_ =	shalt  }
0x40: {  	_ =	shalt  }
0x41: {  	_ =	shalt  }
0x42: {  	_ =	shalt  }
0x43: {  	_ =	shalt  }
0x44: {  	_ =	shalt  }
0x45: {  	_ =	shalt  }
0x46: {  	_ =	shalt  }
0x47: {  	_ =	shalt  }
0x48: {  	_ =	shalt  }
0x49: {  	_ =	shalt  }
0x4a: {  	_ =	shalt  }
0x4b: {  	_ =	shalt  }
0x4c: {  	_ =	shalt  }
0x4d: {  	_ =	shalt  }
0x4e: {  	_ =	shalt  }
0x4f: {  	_ =	shalt  }
0x50: {  	_ =	shalt  }
0x51: {  	_ =	shalt  }
0x52: {  	_ =	shalt  }
0x53: {  	_ =	shalt  }
0x54: {  	_ =	shalt  }
0x55: {  	_ =	shalt  }
0x56: {  	_ =	shalt  }
0x57: {  	_ =	shalt  }
0x58: {  	_ =	shalt  }
0x59: {  	_ =	shalt  }
0x5a: {  	_ =	shalt  }
0x5b: {  	_ =	shalt  }
0x5c: {  	_ =	shalt  }
0x5d: {  	_ =	shalt  }
0x5e: {  	_ =	shalt  }
0x5f: {  	_ =	shalt  }
0x60: {  	_ =	shalt  }
0x61: {  	_ =	shalt  }
0x62: {  	_ =	shalt  }
0x63: {  	_ =	shalt  }
0x64: {  	_ =	shalt  }
0x65: {  	_ =	shalt  }
0x66: {  	_ =	shalt  }
0x67: {  	_ =	shalt  }
0x68: {  	_ =	shalt  }
0x69: {  	_ =	shalt  }
0x6a: {  	_ =	shalt  }
0x6b: {  	_ =	shalt  }
0x6c: {  	_ =	shalt  }
0x6d: {  	_ =	shalt  }
0x6e: {  	_ =	shalt  }
0x6f: {  	_ =	shalt  }
0x70: {  	_ =	shalt  }
0x71: {  	_ =	shalt  }
0x72: {  	_ =	shalt  }
0x73: {  	_ =	shalt  }
0x74: {  	_ =	shalt  }
0x75: {  	_ =	shalt  }
0x76: {  	_ =	shalt  }
0x77: {  	_ =	shalt  }
0x78: {  	_ =	shalt  }
0x79: {  	_ =	shalt  }
0x7a: {  	_ =	shalt  }
0x7b: {  	_ =	shalt  }
0x7c: {  	_ =	shalt  }
0x7d: {  	_ =	shalt  }
0x7e: {  	_ =	shalt  }
0x7f: {  	_ =	shalt  }
0x80: {  	_ =	shalt  }
0x81: {  	_ =	shalt  }
0x82: {  	_ =	shalt  }
0x83: {  	_ =	shalt  }
0x84: {  	_ =	shalt  }
0x85: {  	_ =	shalt  }
0x86: {  	_ =	shalt  }
0x87: {  	_ =	shalt  }
.Lfunc_end0:
.L_simem_size_0:
called_computation_lowered:
.L_overlay_start_0:
0x88: {  	s2 =	sld [smem:$0x3FD9]  }
0x89: {  	s3 =	sld [smem:$0x3FFE];
	_ =	sdelay $0x1  }
0x8a: {  	s1 =	srdreg.scid  }
0x8b: {  	s0 =	sand.u32 $0x1, s1  }
0x8c: {  	s17 =	sshll.u32 s0, $0xA;
	s2 =	sadd.s32 s3, s2  }
0x8d: {  	s2 =	sadd.s32 s2, s17  }
0x8e: {  	[smem:$0x3FBE] =	sst s2  }
0x8f: {  	_ = 	snop  }
0x90: {  	s2 =	sld [smem:$0x3FC9]  }
0x91: {  	s18 =	sld [smem:$0x3FC8];
	(tm) =	ssettm $0x1  }
0x92: {  	s4 =	sld [smem:$0x3FFB];
	_ =	sdelay $0x3  }
0x93: {  	_ =	strace s4  }
0x94: {  	s4 =	sld [smem:$0x3FFC];
	_ =	sdelay $0x3  }
0x95: {  	_ =	strace s4  }
0x96: {  	s4 =	sld [smem:$0x3FFD];
	_ =	sdelay $0x3  }
0x97: {  	_ =	strace s4  }
0x98: {  	_ =	strace $0x8FFFFFFF  }
0x99: {  	s19 =	sld [smem:$0x3FDB];
	_ =	sdelay $0x1  }
0x9a: {  	s5 =	simm.s32 $_scs_section_size  }
0x9b: {  	s6 =	simm.s32 $_size__tile_overlayer_lowered;
	s7 =	simm.s32 $_tile_overlayer_lowered  }
0x9c: {  	s22 =	simm.s32 $0x1BFF;
	s21 =	sshll.u32 s7, $0x1;
	s4 =	sadd.s32 s5, s19  }
0x9d: {  	s8 =	simm.s32 $0x0;
	s20 =	sshll.u32 s6, $0x1;
	s6 =	sadd.s32 s21, s4  }
0x9e: {  	[timem:s8], [sflag:s22] =	dma.local [hbm:s6], s20  }
0x9f: {  	_ =	swait.ge [sflag:s22], s20  }
0xa0: {  	s5 =	ssub.s32 $0x0, s20;
	[sflag:s22] =	ssyncset.done $0x0  }
0xa1: {  	[sflag:s22] =	ssyncadd.s32 s5;
	_ =	sdelay $0x1  }
0xa2: {  	s23 =	simm.s32 $0x1B8B  }
0xa3: {  	_ =	swait.ge [sflag:s23], $0x1  }
0xa4: {  	[sflag:s23] =	ssyncset.done $0x0  }
0xa5: {  	s25 =	simm.s32 $0x1B8E;
	s24 =	sld [smem:$0x3FFE];
	[sflag:s23] =	ssyncadd.s32 $0xFFFFFFFF  }
0xa6: {  	s26 =	simm.s32 $execute0_lowered;
	[smem:$0x3FD2] =	sst s25  }
0xa7: {  	s6 =	sshll.u32 s26, $0x1;
	_ =	strace $0x80000046;
	[dreg:$0x1] =	wrdreg $0xFFFFFFFF  }
0xa8: {  	s28 =	simm.s32 $_size_execute0_lowered;
	s4 =	sadd.s32 s4, s6;
	[dreg:$0x0] =	wrdreg $0x0  }
0xa9: {  	s6 =	sshll.u32 s28, $0x1;
	[dreg:$0x2] =	wrdreg s4  }
0xaa: {  	[dreg:$0x3] =	wrdreg s6  }
0xab: {  	[dreg:$0x4] =	wrdreg $0xC0  }
0xac: {  	_ =	task [dreg:s8], $0x5FFFF  }
0xad: {  	[dreg:$0x1] =	wrdreg $0xFFFFFFFF  }
0xae: {  	[dreg:$0x0] =	wrdreg $0x60  }
0xaf: {  	[dreg:$0x2] =	wrdreg s2  }
0xb0: {  	[dreg:$0x3] =	wrdreg s18  }
0xb1: {  	[dreg:$0x4] =	wrdreg s24  }
0xb2: {  	[dreg:$0x5] =	wrdreg $0x9  }
0xb3: {  	_ =	task.clear_ibuf [dreg:s8], $0x6FFFF;
	_ =	strace $0x90000046  }
0xb4: {  	s29 =	simm.s32 $0x9;
	_ =	strace $0x80000048  }
0xb5: {  	_ =	swait.ge [sflag:s29], $0x1  }
0xb6: {  	[sflag:s29] =	ssyncadd.s32 $0xFFFFFFFF  }
0xb7: {  	_ =	strace $0x90000048  }
0xb8: {  	_ =	sfence  }
0xb9: {  	s30 =	sld [smem:$0x0];
	_ =	sdelay $0x2  }
0xba: {  	s31 =	sshll.u32 s1, $0xD;
	s1 =	sshrl.u32 s1, $0x2  }
0xbb: {  	s3 =	sand.u32 $0x4000, s31;
	s1 =	sadd.s32 s1, s30  }
0xbc: {  	s0 =	sor.u32 s3, s0;
	s1 =	sshll.u32 s1, $0x11  }
0xbd: {  	s0 =	sor.u32 s1, s0  }
0xbe: {  	s0 =	sadd.s32 $0x8F2B, s0  }
0xbf: {  	[sflag:s0] =	ssyncadd.remote.s32 $0x1  }
0xc0: {  	_ =	sfence.sel $0xFFFF  }
0xc1: {  	[dreg:$0x0] =	wrdreg $0xFFFFFFFF;
	(pc) =	sbr.abs _section_cstart, $3  }
0xc2: {  	[dreg:$0x1] =	wrdreg $0xFFFFFFFF  }
0xc3: {  	_ =	task.clear_ibuf [dreg:s8], $0x2FFFF;
	_ =	strace $0x9FFFFFFF  }
0xc4: {  	(tm) =	ssettm $0x7FFFFFFF  }
0xc5: {  	_ =	shalt  }
tec
execute0_lowered:
.L_overlay_start_1:
0x0: {  	(tag) =	ssettag $0x1  }
0x1: {  	s4 =	rddreg [dreg:$0x0]  }
0x2: {  	s5 =	rddreg [dreg:$0x1]  }
0x3: {  	s6 =	rddreg [dreg:$0x2]  }
0x4: {  	s0 =	rddreg [dreg:$0x3]  }
0x5: {  	s3 =	srdreg.scid;
	s1 =	stileid.u32;
	s2 =	simm.s32 $0x0  }
0x6: {  	s11 =	simm.s32 $0x400;
	s12 =	simm.s32 $0x4400;
	s13 =	simm.s32 $0x1  }
0x7: {  	s14 =	simm.s32 $0x2;
	s15 =	simm.s32 $0x20;
	s16 =	simm.s32 $0x80  }
0x8: {  	s7 =	sand.u32 $0x1, s3;
	s31 =	sshll.u32 s1, $0x1;
	[smem:$0x7FF] =	sst s2  }
0x9: {  	s3 =	sadd.s32 $0x1A00, s6;
	s8 =	sor.u32 s7, s31;
	s7 =	ssub.s32 $0x2, s7  }
0xa: {  	_ =	strace $0x80000047;
	s9 =	sshll.u32 s8, $0xD;
	s10 =	sshrl.u32 s7, $0x1  }
0xb: {  	s8 =	sshll.u32 s8, $0x6;
	s9 =	sor.u32 s1, s9;
	s10 =	ssub.s32 s7, s10  }
0xc: {  	s4 =	sadd.s32 s4, s8;
	s5 =	sadd.s32 s5, s8;
	s9 =	sand.u32 $0xE00C, s9  }
0xd: {  	s8 =	smax.u32 s10, $0x1;
	s10 =	simm.s32 $0x200;
	s9 =	sadd.s32 s9, s6  }
0xe: {  	s6 =	sadd.s32 $0xE1A00, s9;
	s7 =	sadd.s32 $0xF1A00, s9;
	s9 =	simm.s32 $0x3  }
.LBB2_1:
0xf: {  	[tilespmem:s2], [sflag:$0x3] =	stream.linear.gather [hbm4b:s4+s2], $0x200, $0x38;
	[tilespmem:$0x8400] =	vst v63  }
0x10: {  	_ =	swait.ge [sflag:s9], $0x200  }
0x11: {  	[sflag:s9] =	ssyncset.done $0x0  }
0x12: {  	[sflag:s9] =	ssyncadd.s32 $0xFFFFFE00  }
0x13: {  	[tilespmem:s10], [sflag:$0x3] =	stream.linear.gather [hbm4b:s5+s2], $0x200, $0x38;
	[tilespmem:$0x8400] =	vst v63  }
0x14: {  	_ =	swait.ge [sflag:s9], $0x200  }
0x15: {  	[sflag:s9] =	ssyncset.done $0x0  }
0x16: {  	[sflag:s9] =	ssyncadd.s32 $0xFFFFFE00  }
0x17: {  	v0 =	vld [tilespmem:$0x0]  }
0x18: {  	v1 =	vld [tilespmem:$0x200]  }
0x19: {  	v4 =	vld [tilespmem:$0x10]  }
0x1a: {  	v6 =	vld [tilespmem:$0x210]  }
0x1b: {  	v8 =	vld [tilespmem:$0x20]  }
0x1c: {  	v35 =	vld [tilespmem:$0x220]  }
0x1d: {  	v9 =	vld [tilespmem:$0x30]  }
0x1e: {  	v42 =	vld [tilespmem:$0x230];
	v2 =	vshll.u32 v0, $0x1;
	v3 =	vshll.u32 v0, $0x2;
	v0 =	vshrl.u32 v0, $0xC  }
0x1f: {  	v12 =	vld [tilespmem:$0x40];
	v29 =	vshll.u32 v1, $0x1;
	v5 =	vshll.u32 v1, $0x2;
	v1 =	vshrl.u32 v1, $0xC  }
0x20: {  	v49 =	vld [tilespmem:$0x240];
	v30 =	vshll.u32 v4, $0x1;
	v7 =	vshll.u32 v4, $0x2;
	v4 =	vshrl.u32 v4, $0xC  }
0x21: {  	v15 =	vld [tilespmem:$0x50];
	v32 =	vshll.u32 v6, $0x1;
	v33 =	vshll.u32 v6, $0x2;
	v34 =	vshrl.u32 v6, $0xC  }
0x22: {  	v52 =	vld [tilespmem:$0x250];
	v36 =	vshll.u32 v8, $0x1;
	v37 =	vshll.u32 v8, $0x2;
	v8 =	vshrl.u32 v8, $0xC  }
0x23: {  	v16 =	vld [tilespmem:$0x60];
	v40 =	vshll.u32 v35, $0x1;
	v41 =	vshll.u32 v35, $0x2;
	v6 =	vshrl.u32 v35, $0xC  }
0x24: {  	v60 =	vld [tilespmem:$0x260];
	v43 =	vshll.u32 v9, $0x1;
	v11 =	vshll.u32 v9, $0x2;
	v46 =	vshrl.u32 v9, $0xC  }
0x25: {  	v18 =	vld [tilespmem:$0x70];
	v47 =	vshll.u32 v42, $0x1;
	v48 =	vshll.u32 v42, $0x2;
	v13 =	vshll.u32 v12, $0x1  }
0x26: {  	v14 =	vshll.u32 v12, $0x2;
	v12 =	vshrl.u32 v12, $0xC;
	v50 =	vshll.u32 v49, $0x1  }
0x27: {  	v51 =	vshll.u32 v49, $0x2;
	v53 =	vshll.u32 v15, $0x1;
	v54 =	vshll.u32 v15, $0x2  }
0x28: {  	v15 =	vshrl.u32 v15, $0xC;
	v58 =	vshll.u32 v52, $0x1;
	v59 =	vshll.u32 v52, $0x2  }
0x29: {  	v61 =	vshll.u32 v16, $0x1;
	v17 =	vshll.u32 v16, $0x2;
	v24 =	vshrl.u32 v16, $0xC  }
0x2a: {  	v25 =	vshll.u32 v60, $0x1;
	v26 =	vshll.u32 v60, $0x2;
	v27 =	vshll.u32 v18, $0x1  }
0x2b: {  	v20 =	vshll.u32 v18, $0x2;
	v18 =	vshrl.u32 v18, $0xC;
	v2 =	vand.u32 $0xFFFF8000, v2  }
0x2c: {  	v3 =	vand.u32 $0x7FFC, v3;
	v0 =	vand.u32 $0x2, v0;
	v5 =	vand.u32 $0x7FFC, v5  }
0x2d: {  	v1 =	vand.u32 $0x2, v1;
	v7 =	vand.u32 $0x7FFC, v7;
	v4 =	vand.u32 $0x2, v4  }
0x2e: {  	v10 =	vand.u32 $0xFFFF8000, v36;
	v39 =	vand.u32 $0x2, v8;
	v6 =	vand.u32 $0x2, v6  }
0x2f: {  	v44 =	vand.u32 $0xFFFF8000, v43;
	v11 =	vand.u32 $0x7FFC, v11;
	v9 =	vand.u32 $0x7FFC, v48  }
0x30: {  	v13 =	vand.u32 $0xFFFF8000, v13;
	v14 =	vand.u32 $0x7FFC, v14;
	v12 =	vand.u32 $0x2, v12  }
0x31: {  	v19 =	vld [tilespmem:$0x270];
	v55 =	vand.u32 $0x7FFC, v54;
	v57 =	vand.u32 $0x2, v15;
	v62 =	vand.u32 $0xFFFF8000, v61  }
0x32: {  	v17 =	vand.u32 $0x7FFC, v17;
	v16 =	vand.u32 $0x7FFC, v26;
	v15 =	vshrl.u32 v60, $0xC  }
0x33: {  	v20 =	vand.u32 $0x7FFC, v20;
	v18 =	vand.u32 $0x2, v18;
	v2 =	vor.u32 v3, v2  }
0x34: {  	v3 =	vand.u32 $0xFFFF8000, v29;
	v45 =	vor.u32 v11, v44;
	v13 =	vor.u32 v14, v13  }
0x35: {  	v21 =	vld [tilespmem:$0x80];
	v11 =	vshrl.u32 v49, $0xC;
	v63 =	vor.u32 v17, v62;
	v15 =	vand.u32 $0x2, v15  }
0x36: {  	v17 =	vand.u32 $0xFFFF8000, v27;
	v29 =	vshll.u32 v19, $0x1;
	v3 =	vor.u32 v3, v5  }
0x37: {  	v5 =	vand.u32 $0xFFFF8000, v30;
	v2 =	vor.u32 v0, v2;
	v11 =	vand.u32 $0x2, v11  }
0x38: {  	v28 =	vor.u32 v20, v17;
	v30 =	vshll.u32 v19, $0x2;
	v1 =	vor.u32 v1, v3  }
0x39: {  	v35 =	vld [tilespmem:$0x90];
	v31 =	vor.u32 v7, v5;
	v3 =	vand.u32 $0xFFFF8000, v32;
	v5 =	vand.u32 $0x2, v34  }
0x3a: {  	v7 =	vand.u32 $0x7FFC, v37;
	v34 =	vshll.u32 v21, $0x2;
	v1 =	vor.u32 $0x1, v1  }
0x3b: {  	v54 =	vld [tilespmem:$0xC0];
	v0 =	vor.u32 v4, v31;
	v4 =	vand.u32 $0x7FFC, v33;
	v38 =	vor.u32 v7, v10  }
0x3c: {  	v7 =	vand.u32 $0x7FFC, v41;
	v10 =	vshrl.u32 v42, $0xC;
	v31 =	vshrl.u32 v19, $0xC  }
0x3d: {  	v33 =	vshll.u32 v21, $0x1;
	v19 =	vand.u32 $0x7FFC, v34;
	v21 =	vshrl.u32 v21, $0xC  }
0x3e: {  	v22 =	vshll.u32 v35, $0x1;
	v23 =	vshll.u32 v35, $0x2;
	v44 =	vshrl.u32 v35, $0xC  }
0x3f: {  	v3 =	vor.u32 v3, v4;
	v10 =	vand.u32 $0x2, v10;
	v37 =	vand.u32 $0x2, v21  }
0x40: {  	v32 =	vld [tilespmem:$0x280];
	v41 =	vand.u32 $0xFFFF8000, v22;
	v42 =	vand.u32 $0x7FFC, v23;
	v60 =	vshll.u32 v54, $0x1  }
0x41: {  	v27 =	vld [tilespmem:$0xB0];
	v4 =	vor.u32 v5, v3;
	v3 =	vor.u32 v39, v38;
	v5 =	vand.u32 $0xFFFF8000, v40  }
0x42: {  	v43 =	vor.u32 v42, v41;
	v61 =	vand.u32 $0xFFFF8000, v60;
	v5 =	vor.u32 v5, v7  }
0x43: {  	v7 =	vand.u32 $0xFFFF8000, v47;
	v4 =	vor.u32 $0x1, v4;
	v8 =	vor.u32 v6, v5  }
0x44: {  	v6 =	vand.u32 $0x2, v46;
	v7 =	vor.u32 v7, v9;
	v5 =	vor.u32 v12, v13  }
0x45: {  	v40 =	vld [tilespmem:$0x290];
	v12 =	vshrl.u32 v52, $0xC;
	v38 =	vshll.u32 v32, $0x1;
	v39 =	vshll.u32 v32, $0x2  }
0x46: {  	v52 =	vshll.u32 v27, $0x1;
	v6 =	vor.u32 v6, v45;
	v9 =	vor.u32 v10, v7  }
0x47: {  	v7 =	vand.u32 $0xFFFF8000, v50;
	v10 =	vand.u32 $0x7FFC, v51;
	v12 =	vand.u32 $0x2, v12  }
0x48: {  	v47 =	vld [tilespmem:$0x2A0];
	v7 =	vor.u32 v7, v10;
	v10 =	vand.u32 $0xFFFF8000, v53;
	v53 =	vshll.u32 v27, $0x2  }
0x49: {  	v27 =	vshrl.u32 v27, $0xC;
	v13 =	vor.u32 v11, v7;
	v56 =	vor.u32 v55, v10  }
0x4a: {  	v10 =	vand.u32 $0xFFFF8000, v58;
	v11 =	vand.u32 $0x7FFC, v59;
	v45 =	vshll.u32 v40, $0x1  }
0x4b: {  	v46 =	vshll.u32 v40, $0x2;
	v21 =	vshrl.u32 v40, $0xC;
	v7 =	vor.u32 v57, v56  }
0x4c: {  	v10 =	vor.u32 v10, v11;
	v11 =	vand.u32 $0x2, v24;
	v20 =	vand.u32 $0xFFFF8000, v45  }
0x4d: {  	v22 =	vand.u32 $0x7FFC, v46;
	v21 =	vand.u32 $0x2, v21;
	v49 =	vshll.u32 v47, $0x1  }
0x4e: {  	v51 =	vld [tilespmem:$0x2B0];
	v50 =	vshll.u32 v47, $0x2;
	v23 =	vshrl.u32 v47, $0xC;
	v56 =	vand.u32 $0x2, v27  }
0x4f: {  	v14 =	vor.u32 v12, v10;
	v12 =	vand.u32 $0xFFFF8000, v25;
	v11 =	vor.u32 v11, v63  }
0x50: {  	v10 =	vor.u32 v18, v28;
	v18 =	vshrl.u32 v32, $0xC;
	v20 =	vor.u32 v20, v22  }
0x51: {  	v22 =	vand.u32 $0x7FFC, v50;
	v23 =	vand.u32 $0x2, v23;
	v28 =	vand.u32 $0xFFFF8000, v52  }
0x52: {  	v12 =	vor.u32 v12, v16;
	v16 =	vand.u32 $0x2, v31;
	v18 =	vand.u32 $0x2, v18  }
0x53: {  	v59 =	vld [tilespmem:$0x2C0];
	v21 =	vor.u32 v21, v20;
	v20 =	vand.u32 $0xFFFF8000, v49;
	v57 =	vshll.u32 v51, $0x1  }
0x54: {  	v40 =	vld [tilespmem:$0x2E0];
	v58 =	vshll.u32 v51, $0x2;
	v17 =	vor.u32 v15, v12;
	v12 =	vand.u32 $0xFFFF8000, v29  }
0x55: {  	v15 =	vand.u32 $0x7FFC, v30;
	v20 =	vor.u32 v20, v22;
	v29 =	vshll.u32 v54, $0x2  }
0x56: {  	v24 =	vld [tilespmem:$0xA0];
	v12 =	vor.u32 v12, v15;
	v15 =	vand.u32 $0xFFFF8000, v33;
	v22 =	vor.u32 v23, v20  }
0x57: {  	v23 =	vand.u32 $0xFFFF8000, v57;
	v62 =	vand.u32 $0x7FFC, v29;
	v33 =	vshrl.u32 v54, $0xC  }
0x58: {  	v34 =	vshll.u32 v59, $0x1;
	v35 =	vshll.u32 v59, $0x2;
	v27 =	vshrl.u32 v59, $0xC  }
0x59: {  	v46 =	vshll.u32 v40, $0x1;
	v47 =	vshll.u32 v40, $0x2;
	v16 =	vor.u32 v16, v12  }
0x5a: {  	v36 =	vor.u32 v19, v15;
	v15 =	vand.u32 $0xFFFF8000, v38;
	v19 =	vand.u32 $0x7FFC, v39  }
0x5b: {  	v25 =	vshll.u32 v24, $0x1;
	v26 =	vshll.u32 v24, $0x2;
	v24 =	vshrl.u32 v24, $0xC  }
0x5c: {  	v63 =	vor.u32 v62, v61;
	v27 =	vand.u32 $0x2, v27;
	v12 =	vor.u32 v37, v36  }
0x5d: {  	v30 =	vld [tilespmem:$0xD0];
	v15 =	vor.u32 v15, v19;
	v19 =	vand.u32 $0x2, v44;
	v25 =	vand.u32 $0xFFFF8000, v25  }
0x5e: {  	v26 =	vand.u32 $0x7FFC, v26;
	v24 =	vand.u32 $0x2, v24;
	v15 =	vor.u32 v18, v15  }
0x5f: {  	v48 =	vor.u32 v26, v25;
	v19 =	vor.u32 v19, v43;
	v25 =	vand.u32 $0x7FFC, v53  }
0x60: {  	v26 =	vand.u32 $0xFFFF8000, v34;
	v18 =	vor.u32 v24, v48;
	v55 =	vor.u32 v25, v28  }
0x61: {  	v25 =	vand.u32 $0x7FFC, v58;
	v24 =	vshrl.u32 v51, $0xC;
	v28 =	vand.u32 $0x7FFC, v35  }
0x62: {  	v36 =	vld [tilespmem:$0x2D0];
	v31 =	vshll.u32 v30, $0x1;
	v32 =	vshll.u32 v30, $0x2;
	v30 =	vshrl.u32 v30, $0xC  }
0x63: {  	v20 =	vor.u32 v56, v55;
	v24 =	vand.u32 $0x2, v24;
	v23 =	vor.u32 v23, v25  }
0x64: {  	v25 =	vand.u32 $0x2, v33;
	v31 =	vand.u32 $0xFFFF8000, v31;
	v32 =	vand.u32 $0x7FFC, v32  }
0x65: {  	v43 =	vld [tilespmem:$0xF0];
	v26 =	vor.u32 v26, v28;
	v30 =	vand.u32 $0x2, v30;
	v23 =	vor.u32 v24, v23  }
0x66: {  	v48 =	vld [tilespmem:$0x2F0];
	v37 =	vor.u32 v32, v31;
	v25 =	vor.u32 v25, v63;
	v26 =	vor.u32 v27, v26  }
0x67: {  	v33 =	vld [tilespmem:$0xE0];
	v24 =	vor.u32 v30, v37;
	v38 =	vshll.u32 v36, $0x1;
	v39 =	vshll.u32 v36, $0x2  }
0x68: {  	v29 =	vshrl.u32 v36, $0xC;
	v30 =	vshrl.u32 v40, $0xC;
	v27 =	vand.u32 $0xFFFF8000, v38  }
0x69: {  	v28 =	vand.u32 $0x7FFC, v39;
	v29 =	vand.u32 $0x2, v29;
	v30 =	vand.u32 $0x2, v30  }
0x6a: {  	v56 =	vld [tilespmem:$0x300];
	v49 =	vshll.u32 v43, $0x1;
	v35 =	vshll.u32 v43, $0x2;
	v53 =	vshrl.u32 v43, $0xC  }
0x6b: {  	v27 =	vor.u32 v27, v28;
	v50 =	vand.u32 $0xFFFF8000, v49;
	v51 =	vand.u32 $0x7FFC, v35  }
0x6c: {  	v63 =	vld [tilespmem:$0x120];
	v54 =	vshll.u32 v48, $0x1;
	v55 =	vshll.u32 v48, $0x2;
	v41 =	vshll.u32 v33, $0x1  }
0x6d: {  	v42 =	vshll.u32 v33, $0x2;
	v33 =	vshrl.u32 v33, $0xC;
	v28 =	vor.u32 v29, v27  }
0x6e: {  	v36 =	vld [tilespmem:$0x100];
	v29 =	vand.u32 $0xFFFF8000, v46;
	v52 =	vor.u32 v51, v50;
	v32 =	vand.u32 $0xFFFF8000, v54  }
0x6f: {  	v58 =	vshll.u32 v56, $0x1;
	v59 =	vshll.u32 v56, $0x2;
	v35 =	vshrl.u32 v56, $0xC  }
0x70: {  	[tilespmem:$0xC0] =	vst v25;
	v25 =	vld [tilespmem:$0x1B0];
	v34 =	vand.u32 $0xFFFF8000, v41;
	v31 =	vand.u32 $0x7FFC, v42;
	v45 =	vand.u32 $0x2, v33  }
0x71: {  	v33 =	vshrl.u32 v48, $0xC;
	v35 =	vand.u32 $0x2, v35;
	v41 =	vshll.u32 v63, $0x2  }
0x72: {  	v49 =	vshrl.u32 v63, $0xC;
	v44 =	vor.u32 v31, v34;
	v31 =	vand.u32 $0x7FFC, v47  }
0x73: {  	v39 =	vld [tilespmem:$0x110];
	v34 =	vand.u32 $0x7FFC, v55;
	v33 =	vand.u32 $0x2, v33;
	v37 =	vshll.u32 v36, $0x1  }
0x74: {  	v60 =	vld [tilespmem:$0x310];
	v38 =	vshll.u32 v36, $0x2;
	v36 =	vshrl.u32 v36, $0xC;
	v47 =	vshll.u32 v63, $0x1  }
0x75: {  	[tilespmem:$0x60] =	vst v11;
	v41 =	vand.u32 $0x7FFC, v41;
	v11 =	vshrl.u32 v25, $0xC;
	v27 =	vor.u32 v45, v44  }
0x76: {  	v29 =	vor.u32 v29, v31;
	v31 =	vand.u32 $0x2, v53;
	v37 =	vand.u32 $0xFFFF8000, v37  }
0x77: {  	v38 =	vand.u32 $0x7FFC, v38;
	v32 =	vor.u32 v32, v34;
	v36 =	vand.u32 $0x2, v36  }
0x78: {  	v34 =	vand.u32 $0x7FFC, v59;
	v61 =	vshll.u32 v39, $0x1;
	v62 =	vshll.u32 v39, $0x2  }
0x79: {  	v39 =	vshrl.u32 v39, $0xC;
	v44 =	vshll.u32 v60, $0x1;
	v45 =	vshll.u32 v60, $0x2  }
0x7a: {  	v46 =	vld [tilespmem:$0x320];
	v11 =	vand.u32 $0x2, v11;
	v30 =	vor.u32 v30, v29;
	v57 =	vor.u32 v38, v37  }
0x7b: {  	v31 =	vor.u32 v31, v52;
	v33 =	vor.u32 v33, v32;
	v32 =	vand.u32 $0xFFFF8000, v58  }
0x7c: {  	v40 =	vand.u32 $0xFFFF8000, v61;
	v37 =	vand.u32 $0x7FFC, v62;
	v43 =	vand.u32 $0x2, v39  }
0x7d: {  	v29 =	vor.u32 v36, v57;
	v32 =	vor.u32 v32, v34;
	v42 =	vor.u32 v37, v40  }
0x7e: {  	v55 =	vld [tilespmem:$0x340];
	v37 =	vand.u32 $0x7FFC, v45;
	v36 =	vshrl.u32 v60, $0xC;
	v40 =	vand.u32 $0xFFFF8000, v47  }
0x7f: {  	v50 =	vshll.u32 v46, $0x1;
	v51 =	vshll.u32 v46, $0x2;
	v39 =	vshrl.u32 v46, $0xC  }
0x80: {  	v52 =	vld [tilespmem:$0x330];
	v34 =	vor.u32 v35, v32;
	v32 =	vor.u32 v43, v42;
	v35 =	vand.u32 $0xFFFF8000, v44  }
0x81: {  	v58 =	vld [tilespmem:$0x150];
	v36 =	vand.u32 $0x2, v36;
	v48 =	vor.u32 v41, v40;
	v38 =	vand.u32 $0xFFFF8000, v50  }
0x82: {  	v40 =	vand.u32 $0x7FFC, v51;
	v39 =	vand.u32 $0x2, v39;
	v35 =	vor.u32 v35, v37  }
0x83: {  	v45 =	vld [tilespmem:$0x140];
	v38 =	vor.u32 v38, v40;
	v61 =	vshll.u32 v55, $0x1;
	v62 =	vshll.u32 v55, $0x2  }
0x84: {  	v34 =	vor.u32 $0x1, v34;
	v37 =	vor.u32 v36, v35;
	v36 =	vand.u32 $0x2, v49  }
0x85: {  	v63 =	vld [tilespmem:$0x350];
	v40 =	vor.u32 v39, v38;
	v36 =	vor.u32 v36, v48;
	v53 =	vshll.u32 v52, $0x1  }
0x86: {  	v42 =	vld [tilespmem:$0x130];
	v54 =	vshll.u32 v52, $0x2;
	v41 =	vshrl.u32 v52, $0xC;
	v46 =	vshll.u32 v58, $0x1  }
0x87: {  	v47 =	vshll.u32 v58, $0x2;
	v52 =	vshrl.u32 v58, $0xC;
	v38 =	vand.u32 $0xFFFF8000, v53  }
0x88: {  	v39 =	vand.u32 $0x7FFC, v54;
	v41 =	vand.u32 $0x2, v41;
	v56 =	vshll.u32 v45, $0x1  }
0x89: {  	v50 =	vld [tilespmem:$0x160];
	v57 =	vshll.u32 v45, $0x2;
	v45 =	vshrl.u32 v45, $0xC;
	v48 =	vand.u32 $0xFFFF8000, v46  }
0x8a: {  	v49 =	vand.u32 $0x7FFC, v47;
	v53 =	vshll.u32 v63, $0x1;
	v54 =	vshll.u32 v63, $0x2  }
0x8b: {  	v43 =	vshll.u32 v42, $0x1;
	v44 =	vshll.u32 v42, $0x2;
	v42 =	vshrl.u32 v42, $0xC  }
0x8c: {  	v38 =	vor.u32 v38, v39;
	v39 =	vand.u32 $0xFFFF8000, v56;
	v60 =	vand.u32 $0x2, v45  }
0x8d: {  	v51 =	vor.u32 v49, v48;
	v46 =	vand.u32 $0x7FFC, v54;
	v45 =	vshrl.u32 v63, $0xC  }
0x8e: {  	v58 =	vshll.u32 v50, $0x2;
	v63 =	vor.u32 $0x1, v9;
	v9 =	vor.u32 $0x1, v13  }
0x8f: {  	v43 =	vand.u32 $0xFFFF8000, v43;
	v44 =	vand.u32 $0x7FFC, v44;
	v42 =	vand.u32 $0x2, v42  }
0x90: {  	v41 =	vor.u32 v41, v38;
	v43 =	vor.u32 v44, v43;
	v44 =	vand.u32 $0xFFFF8000, v53  }
0x91: {  	v56 =	vld [tilespmem:$0x360];
	v53 =	vor.u32 $0x1, v14;
	v35 =	vor.u32 v42, v43;
	v43 =	vand.u32 $0x7FFC, v57  }
0x92: {  	v42 =	vshrl.u32 v55, $0xC;
	v55 =	vand.u32 $0x2, v45;
	v44 =	vor.u32 v44, v46  }
0x93: {  	v57 =	vshll.u32 v50, $0x1;
	v46 =	vand.u32 $0x7FFC, v58;
	v59 =	vor.u32 v43, v39  }
0x94: {  	v39 =	vand.u32 $0xFFFF8000, v61;
	v43 =	vand.u32 $0x7FFC, v62;
	v42 =	vand.u32 $0x2, v42  }
0x95: {  	[tilespmem:$0x0] =	vst v2;
	v61 =	vshrl.u32 v50, $0xC;
	v38 =	vor.u32 v60, v59;
	v39 =	vor.u32 v39, v43  }
0x96: {  	[tilespmem:$0x10] =	vst v0;
	v43 =	vand.u32 $0x2, v52;
	v59 =	vor.u32 $0x1, v8;
	v47 =	vshll.u32 v56, $0x1  }
0x97: {  	[tilespmem:$0xE0] =	vst v27;
	v27 =	vld [tilespmem:$0x1E0];
	v48 =	vshll.u32 v56, $0x2;
	v42 =	vor.u32 v42, v39;
	v39 =	vor.u32 v43, v51  }
0x98: {  	[tilespmem:$0xA0] =	vst v18;
	v18 =	vld [tilespmem:$0x3A0];
	v43 =	vor.u32 v55, v44;
	v44 =	vand.u32 $0xFFFF8000, v57;
	v49 =	vand.u32 $0xFFFF8000, v47  }
0x99: {  	v62 =	vld [tilespmem:$0x170];
	v50 =	vand.u32 $0x7FFC, v48;
	v51 =	vshrl.u32 v56, $0xC;
	[tilespmem:$0x220] =	vst v59;
	v59 =	vor.u32 $0x1, v17  }
0x9a: {  	[tilespmem:$0x210] =	vst v4;
	v60 =	vor.u32 v46, v44;
	v44 =	vand.u32 $0x2, v61;
	v13 =	vand.u32 $0x2, v51  }
0x9b: {  	v4 =	vor.u32 v49, v50;
	v49 =	vor.u32 $0x1, v16;
	[tilespmem:$0x260] =	vst v59;
	v59 =	vor.u32 $0x1, v15  }
0x9c: {  	v52 =	vld [tilespmem:$0x370];
	[tilespmem:$0x150] =	vst v39;
	v39 =	vshll.u32 v27, $0x1;
	v0 =	vor.u32 v44, v60;
	v2 =	vor.u32 v13, v4  }
0x9d: {  	v13 =	vor.u32 $0x1, v22;
	v22 =	vor.u32 $0x1, v28;
	v28 =	vor.u32 $0x1, v33  }
0x9e: {  	v56 =	vld [tilespmem:$0x180];
	v33 =	vshll.u32 v18, $0x2;
	v54 =	vshll.u32 v62, $0x1;
	v55 =	vshll.u32 v62, $0x2  }
0x9f: {  	[tilespmem:$0x80] =	vst v12;
	v17 =	vld [tilespmem:$0x380];
	v58 =	vshrl.u32 v62, $0xC;
	v12 =	vand.u32 $0x7FFC, v33;
	v2 =	vor.u32 $0x1, v2  }
0xa0: {  	[tilespmem:$0x200] =	vst v1;
	v4 =	vand.u32 $0xFFFF8000, v54;
	v57 =	vand.u32 $0x7FFC, v55;
	v61 =	vand.u32 $0x2, v58  }
0xa1: {  	[tilespmem:$0x230] =	vst v63;
	v62 =	vshll.u32 v52, $0x1;
	v63 =	vshll.u32 v52, $0x2;
	v45 =	vshrl.u32 v52, $0xC  }
0xa2: {  	[tilespmem:$0x40] =	vst v5;
	v60 =	vor.u32 v57, v4;
	v4 =	vand.u32 $0xFFFF8000, v62;
	v5 =	vand.u32 $0x7FFC, v63  }
0xa3: {  	[tilespmem:$0x20] =	vst v3;
	v51 =	vld [tilespmem:$0x190];
	v46 =	vshll.u32 v56, $0x1;
	v47 =	vshll.u32 v56, $0x2;
	v48 =	vand.u32 $0x2, v45  }
0xa4: {  	[tilespmem:$0x250] =	vst v53;
	v52 =	vshrl.u32 v56, $0xC;
	v53 =	vshll.u32 v17, $0x1;
	v54 =	vshll.u32 v17, $0x2  }
0xa5: {  	[tilespmem:$0x30] =	vst v6;
	v56 =	vshrl.u32 v17, $0xC;
	v17 =	vor.u32 $0x1, v23;
	v45 =	vshll.u32 v25, $0x1  }
0xa6: {  	[tilespmem:$0x50] =	vst v7;
	v1 =	vor.u32 v61, v60;
	v4 =	vor.u32 v4, v5;
	v5 =	vand.u32 $0xFFFF8000, v46  }
0xa7: {  	[tilespmem:$0x240] =	vst v9;
	v7 =	vand.u32 $0x7FFC, v47;
	v9 =	vand.u32 $0xFFFF8000, v53;
	v55 =	vand.u32 $0x7FFC, v54  }
0xa8: {  	[tilespmem:$0x70] =	vst v10;
	v44 =	vld [tilespmem:$0x3B0];
	v60 =	vor.u32 $0x1, v21;
	v61 =	vshll.u32 v51, $0x1;
	v62 =	vshll.u32 v51, $0x2  }
0xa9: {  	[tilespmem:$0x280] =	vst v59;
	v59 =	vld [tilespmem:$0x1D0];
	v21 =	vor.u32 $0x1, v26;
	v26 =	vor.u32 $0x1, v30;
	v30 =	vshll.u32 v18, $0x1  }
0xaa: {  	[tilespmem:$0x90] =	vst v19;
	v46 =	vshll.u32 v25, $0x2;
	v47 =	vor.u32 $0x1, v37;
	v4 =	vor.u32 v48, v4  }
0xab: {  	[tilespmem:$0xB0] =	vst v20;
	v50 =	vor.u32 v7, v5;
	v5 =	vand.u32 $0x2, v52;
	v57 =	vor.u32 v9, v55  }
0xac: {  	[tilespmem:$0xD0] =	vst v24;
	v6 =	vand.u32 $0xFFFF8000, v61;
	v9 =	vand.u32 $0x7FFC, v62;
	v7 =	vshrl.u32 v51, $0xC  }
0xad: {  	[tilespmem:$0x2D0] =	vst v22;
	v48 =	vor.u32 $0x1, v40;
	v51 =	vor.u32 $0x1, v42;
	v52 =	vshll.u32 v44, $0x1  }
0xae: {  	[tilespmem:$0x2F0] =	vst v28;
	v58 =	vld [tilespmem:$0x390];
	v53 =	vshll.u32 v44, $0x2;
	v22 =	vshll.u32 v59, $0x1;
	v28 =	vshrl.u32 v59, $0xC  }
0xaf: {  	[tilespmem:$0xF0] =	vst v31;
	v40 =	vshll.u32 v27, $0x2;
	v3 =	vor.u32 v5, v50;
	v5 =	vand.u32 $0x2, v56  }
0xb0: {  	[tilespmem:$0x270] =	vst v49;
	v49 =	vld [tilespmem:$0x1C0];
	v6 =	vor.u32 v9, v6;
	v7 =	vand.u32 $0x2, v7;
	v9 =	vshrl.u32 v18, $0xC  }
0xb1: {  	[tilespmem:$0x100] =	vst v29;
	v50 =	vor.u32 $0x1, v41;
	v54 =	vand.u32 $0x7FFC, v53;
	v56 =	vor.u32 $0x1, v43  }
0xb2: {  	[tilespmem:$0x110] =	vst v32;
	v63 =	vld [tilespmem:$0x1A0];
	v24 =	vor.u32 $0x1, v4;
	v31 =	vand.u32 $0x2, v28;
	v41 =	vshrl.u32 v27, $0xC  }
0xb3: {  	[tilespmem:$0x300] =	vst v34;
	v5 =	vor.u32 v5, v57;
	v6 =	vor.u32 v7, v6;
	v14 =	vshll.u32 v58, $0x1  }
0xb4: {  	[tilespmem:$0x120] =	vst v36;
	v36 =	vld [tilespmem:$0x3E0];
	v15 =	vshll.u32 v58, $0x2;
	v8 =	vshrl.u32 v58, $0xC;
	v9 =	vand.u32 $0x2, v9  }
0xb5: {  	v55 =	vld [tilespmem:$0x3C0];
	v57 =	vshll.u32 v49, $0x1;
	v58 =	vshll.u32 v49, $0x2;
	[tilespmem:$0x180] =	vst v3;
	v3 =	vand.u32 $0x7FFC, v40  }
0xb6: {  	[tilespmem:$0x130] =	vst v35;
	v42 =	vld [tilespmem:$0x1F0];
	v7 =	vand.u32 $0xFFFF8000, v14;
	v16 =	vand.u32 $0x7FFC, v15;
	v8 =	vand.u32 $0x2, v8  }
0xb7: {  	[tilespmem:$0x310] =	vst v47;
	v47 =	vld [tilespmem:$0x3F0];
	v19 =	vshll.u32 v63, $0x1;
	v20 =	vshll.u32 v63, $0x2;
	v23 =	vshrl.u32 v63, $0xC  }
0xb8: {  	[tilespmem:$0x140] =	vst v38;
	v15 =	vand.u32 $0x7FFC, v46;
	v14 =	vand.u32 $0x7FFC, v58;
	v37 =	vor.u32 $0x1, v5  }
0xb9: {  	[tilespmem:$0x2A0] =	vst v13;
	v46 =	vshll.u32 v36, $0x2;
	v7 =	vor.u32 v7, v16;
	v10 =	vand.u32 $0x7FFC, v20  }
0xba: {  	[tilespmem:$0x320] =	vst v48;
	v48 =	vand.u32 $0x7FFC, v46;
	v7 =	vor.u32 v8, v7;
	v8 =	vand.u32 $0xFFFF8000, v19  }
0xbb: {  	[tilespmem:$0x2C0] =	vst v21;
	v61 =	vshll.u32 v55, $0x1;
	v62 =	vshll.u32 v55, $0x2;
	v21 =	vshrl.u32 v55, $0xC  }
0xbc: {  	[tilespmem:$0x340] =	vst v51;
	v63 =	vld [tilespmem:$0x3D0];
	v51 =	vshll.u32 v42, $0x1;
	v55 =	vshll.u32 v47, $0x2;
	v8 =	vor.u32 v10, v8  }
0xbd: {  	[tilespmem:$0x160] =	vst v0;
	v10 =	vand.u32 $0x2, v23;
	v13 =	vand.u32 $0xFFFF8000, v61;
	v23 =	vshll.u32 v59, $0x2  }
0xbe: {  	[tilespmem:$0x2B0] =	vst v17;
	v17 =	vand.u32 $0x2, v21;
	v38 =	vor.u32 $0x1, v7;
	v5 =	vand.u32 $0xFFFF8000, v51  }
0xbf: {  	[tilespmem:$0x360] =	vst v2;
	v58 =	vand.u32 $0x7FFC, v55;
	v8 =	vor.u32 v10, v8;
	v10 =	vand.u32 $0xFFFF8000, v30  }
0xc0: {  	[tilespmem:$0x290] =	vst v60;
	v61 =	vshrl.u32 v47, $0xC;
	v18 =	vand.u32 $0x7FFC, v23;
	v10 =	vor.u32 v10, v12  }
0xc1: {  	[tilespmem:$0x2E0] =	vst v26;
	v12 =	vshrl.u32 v44, $0xC;
	v29 =	vshll.u32 v63, $0x1;
	v30 =	vshll.u32 v63, $0x2  }
0xc2: {  	[tilespmem:$0x170] =	vst v1;
	v35 =	vshrl.u32 v63, $0xC;
	v44 =	vand.u32 $0x2, v41;
	v63 =	vand.u32 $0x2, v61  }
0xc3: {  	[tilespmem:$0x330] =	vst v50;
	v9 =	vor.u32 v9, v10;
	v10 =	vand.u32 $0xFFFF8000, v45;
	v12 =	vand.u32 $0x2, v12  }
0xc4: {  	[tilespmem:$0x350] =	vst v56;
	v32 =	vand.u32 $0xFFFF8000, v29;
	v33 =	vand.u32 $0x7FFC, v30;
	v1 =	vand.u32 $0x2, v35  }
0xc5: {  	[tilespmem:$0x370] =	vst v24;
	v45 =	vshll.u32 v36, $0x1;
	v10 =	vor.u32 v15, v10;
	v15 =	vshrl.u32 v49, $0xC  }
0xc6: {  	[tilespmem:$0x190] =	vst v6;
	v2 =	vor.u32 v32, v33;
	v43 =	vor.u32 $0x1, v9;
	v49 =	vshrl.u32 v36, $0xC  }
0xc7: {  	[tilespmem:$0x380] =	vst v37;
	v10 =	vor.u32 v11, v10;
	v11 =	vand.u32 $0xFFFF8000, v52;
	v60 =	vand.u32 $0x2, v15  }
0xc8: {  	[tilespmem:$0x390] =	vst v38;
	v1 =	vor.u32 v1, v2;
	v2 =	vand.u32 $0xFFFF8000, v39;
	v6 =	vand.u32 $0x2, v49  }
0xc9: {  	[tilespmem:$0x1A0] =	vst v8;
	v52 =	vshll.u32 v42, $0x2;
	v11 =	vor.u32 v11, v54;
	v2 =	vor.u32 v3, v2  }
0xca: {  	[tilespmem:$0x3A0] =	vst v43;
	v3 =	vand.u32 $0xFFFF8000, v45;
	v54 =	vshll.u32 v47, $0x1;
	v56 =	vor.u32 $0x1, v1  }
0xcb: {  	[tilespmem:$0x1B0] =	vst v10;
	v11 =	vor.u32 v12, v11;
	v12 =	vand.u32 $0xFFFF8000, v57;
	v2 =	vor.u32 v44, v2  }
0xcc: {  	v3 =	vor.u32 v3, v48;
	v57 =	vand.u32 $0xFFFF8000, v54;
	[tilespmem:$0x3D0] =	vst v56;
	v12 =	vor.u32 v14, v12  }
0xcd: {  	v14 =	vand.u32 $0x7FFC, v62;
	v50 =	vor.u32 $0x1, v11;
	v3 =	vor.u32 v6, v3;
	[tilespmem:$0x1E0] =	vst v2  }
0xce: {  	v6 =	vand.u32 $0x7FFC, v52;
	v59 =	vor.u32 v57, v58;
	v12 =	vor.u32 v60, v12;
	[tilespmem:$0x3B0] =	vst v50  }
0xcf: {  	v13 =	vor.u32 v13, v14;
	v62 =	vor.u32 $0x1, v3;
	v0 =	vor.u32 v63, v59;
	[tilespmem:$0x1C0] =	vst v12  }
0xd0: {  	v14 =	vand.u32 $0xFFFF8000, v22;
	v25 =	vor.u32 v17, v13;
	[tilespmem:$0x3E0] =	vst v62;
	v0 =	vor.u32 $0x1, v0  }
0xd1: {  	v60 =	vshrl.u32 v42, $0xC;
	v26 =	vor.u32 v18, v14;
	v4 =	vor.u32 $0x1, v25;
	[tilespmem:$0x3F0] =	vst v0  }
0xd2: {  	v53 =	vor.u32 v6, v5;
	v1 =	vand.u32 $0x2, v60;
	v34 =	vor.u32 v31, v26;
	[tilespmem:$0x3C0] =	vst v4  }
0xd3: {  	v1 =	vor.u32 v1, v53;
	[tilespmem:$0x1D0] =	vst v34  }
0xd4: {  	[tilespmem:$0x1F0] =	vst v1  }
0xd5: {  	[tilespmem:s11], [sflag:$0x1] =	stream.indirect.gather [hbm4b:s3+s10], $0x20, s2, s10, $0xb8;
	[tilespmem:$0x8400] =	vst v63  }
0xd6: {  	_ = 	snop  }
0xd7: {  	[tilespmem:s12], [sflag:$0x2] =	stream.indirect.gather [hbm4b:s3+s10], $0x20, s10, s10, $0xb8;
	[tilespmem:$0x8400] =	vst v63  }
0xd8: {  	_ =	swait.ge [sflag:s13], $0x4000  }
0xd9: {  	[sflag:s13] =	ssyncset.done $0x0  }
0xda: {  	[sflag:s13] =	ssyncadd.s32 $0xFFFFC000  }
0xdb: {  	_ =	swait.ge [sflag:s14], $0x4000  }
0xdc: {  	[sflag:s14] =	ssyncset.done $0x0  }
0xdd: {  	[sflag:s14] =	ssyncadd.s32 $0xFFFFC000  }
0xde: {  	[hbm4b:s6+s15] =	stream.strided.scatter [tilespmem:s11], [sflag:$0x3], $0x4000, s16, s15, $0x38;
	[tilespmem:$0x8400] =	vst v63  }
0xdf: {  	_ =	swait.ge [sflag:s9], $0x4000  }
0xe0: {  	p0 =	sne.s32 s8, $0x1;
	[sflag:s9] =	ssyncset.done $0x0  }
.Ltmp0:
0xe1: {  	[sflag:s9] =	ssyncadd.s32 $0xFFFFC000;
	(pc) =	sbr.rel @p0 .LBB2_1-.Ltmp0, $4  }
0xe2: {  	[hbm4b:s7+s15] =	stream.strided.scatter [tilespmem:s12], [sflag:$0x3], $0x4000, s16, s15, $0x38;
	[tilespmem:$0x8400] =	vst v63  }
0xe3: {  	_ =	swait.ge [sflag:s9], $0x4000  }
0xe4: {  	[sflag:s9] =	ssyncset.done $0x0  }
0xe5: {  	s8 =	sadd.s32 $0xFFFFFFFF, s8;
	[sflag:s9] =	ssyncadd.s32 $0xFFFFC000  }
0xe6: {  	_ =	sfence.sel $0x180000  }
0xe7: {  	[bflag:$0x0] =	sbarrier.arrive $0xFFFF  }
0xe8: {  	p0 =	sne.s32 s1, $0x0;
	_ =	strace $0x90000047  }
0xe9: {  	s0 =	sadd.s32 @!p0 $0x100000, s0;
	[bflag:$0x2] =	sbarrier.arrive $0xFFFF  }
0xea: {  	[sflag:s0] =	ssyncadd.tile.s32 @!p0 $0x1;
	_ =	shalt  }
.Lfunc_end2:
_tile_overlayer_lowered:
.L_overlay_start_2:
0xeb: {  	(tag) =	ssettag $0x2  }
0xec: {  	s0 =	rddreg [dreg:$0x0];
	s2 =	stileid.u32  }
0xed: {  	s1 =	rddreg [dreg:$0x1];
	p0 =	sne.s32 s2, $0x0  }
0xee: {  	s3 =	rddreg [dreg:$0x2];
	[bflag:$0x3] =	sbarrier.arrive $0xFFFF;
	s2 =	simm.s32 @!p0 $0x1C03  }
0xef: {  	[timem:s3], [sflag:s2] =	dma.local @!p0 [hbm:s0], s1  }
0xf0: {  	s0 =	simm.s32 @!p0 $0x3  }
0xf1: {  	_ =	swait.ge @!p0 [sflag:s0], s1  }
0xf2: {  	s1 =	ssub.s32 @!p0 $0x0, s1;
	[sflag:s0] =	ssyncset.done @!p0 $0x0  }
0xf3: {  	[sflag:s0] =	ssyncadd.s32 @!p0 s1  }
0xf4: {  	[bflag:$0x3] =	sbarrier.arrive $0xFFFF  }
0xf5: {  	_ =	shalt  }

</sc_bundles>
